<compile_context>
chip_gen: v7x
topology: tpu7x:2x2x1
jax: 0.10.2.dev20260603
libtpu: 0.0.44.dev20260713+nightly
codegen_flags: <defaults>
</compile_context>

<pallas_src>
import functools

import jax
import jax.numpy as jnp
from jax import lax
from jax.experimental import pallas as pl
from jax.experimental.pallas import tpu as pltpu
from jax.experimental.pallas import tpu_sc as plsc

N_PAD = 10240
K = 16
DIM = 256
NW = 32
E_TOT = N_PAD * K


def _sc_gather(table, idx, chunk, tc_tiling=True, c0=None):
    V, D = table.shape
    E = idx.shape[0]
    n_tot = E // chunk
    per_sub = n_tot // 16
    if c0 is None:
        c0 = per_sub // 2
    c1 = per_sub - c0
    assert c0 % 2 == 0 and c1 % 2 == 0 and c0 > 0 and c1 > 0
    mesh = plsc.VectorSubcoreMesh(core_axis_name="c", subcore_axis_name="s")

    @functools.partial(
        pl.kernel,
        mesh=mesh,
        compiler_params=pltpu.CompilerParams(use_tc_tiling_on_sc=tc_tiling),
        out_type=jax.ShapeDtypeStruct((E, D), table.dtype),
        scratch_types=[
            pltpu.VMEM((chunk,), jnp.int32),
            pltpu.VMEM((chunk,), jnp.int32),
            pltpu.VMEM((chunk, D), table.dtype),
            pltpu.VMEM((chunk, D), table.dtype),
            pltpu.SemaphoreType.DMA,
            pltpu.SemaphoreType.DMA,
        ],
    )
    def k(t_hbm, i_hbm, o_hbm, i0, i1, r0, r1, sg, ss):
        cidx = lax.axis_index("c")
        sidx = lax.axis_index("s")
        my_n = jnp.where(cidx == 0, c0, c1)
        base = jnp.where(cidx == 0, sidx * c0,
                         16 * c0 + sidx * c1) * chunk
        nb2 = my_n // 2

        pltpu.sync_copy(i_hbm.at[pl.ds(base, chunk)], i0)
        pltpu.async_copy(t_hbm.at[i0], r0, sg)

        @pl.loop(0, nb2)
        def _(jj):
            ea = base + 2 * jj * chunk
            pltpu.sync_copy(i_hbm.at[pl.ds(ea + chunk, chunk)], i1)

            @pl.when(jj > 0)
            def _():
                pltpu.make_async_copy(r1, o_hbm.at[pl.ds(ea - chunk, chunk)],
                                      ss).wait()

            pltpu.async_copy(t_hbm.at[i1], r1, sg)
            pltpu.make_async_copy(t_hbm.at[i0], r0, sg).wait()
            pltpu.async_copy(r0, o_hbm.at[pl.ds(ea, chunk)], ss)

            @pl.when(jj < nb2 - 1)
            def _():
                pltpu.sync_copy(i_hbm.at[pl.ds(ea + 2 * chunk, chunk)], i0)

            pltpu.make_async_copy(t_hbm.at[i1], r1, sg).wait()
            pltpu.async_copy(r1, o_hbm.at[pl.ds(ea + chunk, chunk)], ss)

            @pl.when(jj < nb2 - 1)
            def _():
                pltpu.make_async_copy(r0, o_hbm.at[pl.ds(ea, chunk)],
                                      ss).wait()
                pltpu.async_copy(t_hbm.at[i0], r0, sg)

        end = base + (my_n - 2) * chunk
        pltpu.make_async_copy(r0, o_hbm.at[pl.ds(end, chunk)], ss).wait()
        pltpu.make_async_copy(r1, o_hbm.at[pl.ds(end + chunk, chunk)],
                              ss).wait()

    return k(table, idx)


def _prep(xz8, xyz8, W1p, W1at):
    def body(xz_r, xyz_r, w_r, wa_r, g_r, c_r):
        g_r[...] = jnp.dot(xz_r[...], w_r[...],
                           preferred_element_type=jnp.float32)
        c_r[...] = jnp.dot(xyz_r[...], wa_r[...],
                           preferred_element_type=jnp.float32)

    return pl.pallas_call(
        body,
        out_shape=(jax.ShapeDtypeStruct((N_PAD, 16), jnp.float32),
                   jax.ShapeDtypeStruct((N_PAD, DIM), jnp.float32)),
    )(xz8, xyz8, W1p, W1at)


P_B = 1024


def _edge(G2, ct, b1wt, b1bt, BD2, b2wt, b2bt, W3, nbw, nbb, L, lw, lb):
    grid = N_PAD // P_B

    def body(G_r, c_r, b1w_r, b1b_r, W2_r, b2w_r, b2b_r, W3_r, nw_r, nb_r,
             L_r, lw_r, lb_r, xf_r, y_r):
        bf = jnp.bfloat16
        h1 = jax.nn.gelu((G_r[...] - c_r[...]) * b1w_r[...] + b1b_r[...])
        h2 = jax.nn.gelu(
            jnp.dot(h1.astype(bf), W2_r[...].astype(bf),
                    preferred_element_type=jnp.float32)
            * b2w_r[...] + b2b_r[...])
        h2b = h2.astype(bf)
        W3b = W3_r[...].astype(bf)
        m = jnp.dot(h2b[:, 0:32], W3b, preferred_element_type=jnp.float32)
        for kk in range(1, K):
            m = jnp.maximum(
                m, jnp.dot(h2b[:, kk * 32:(kk + 1) * 32], W3b,
                           preferred_element_type=jnp.float32))
        xf = m * nw_r[...] + nb_r[...]
        xf_r[...] = xf
        y = (jnp.dot(xf.astype(bf), L_r[...].astype(bf),
                     preferred_element_type=jnp.float32)
             * lw_r[...] + lb_r[...])
        y16 = y.astype(jnp.bfloat16)
        au = lax.bitcast_convert_type(y16[:, :128],
                                      jnp.uint16).astype(jnp.uint32)
        bu = lax.bitcast_convert_type(y16[:, 128:],
                                      jnp.uint16).astype(jnp.uint32)
        y_r[...] = lax.bitcast_convert_type(au | (bu << 16), jnp.int32)

    return pl.pallas_call(
        body,
        grid=(grid,),
        in_specs=[
            pl.BlockSpec((P_B, DIM), lambda i: (i, 0)),
            pl.BlockSpec((P_B, DIM), lambda i: (i, 0)),
            pl.BlockSpec((1, DIM), lambda i: (0, 0)),
            pl.BlockSpec((1, DIM), lambda i: (0, 0)),
            pl.BlockSpec((DIM, 2 * DIM), lambda i: (0, 0)),
            pl.BlockSpec((1, 2 * DIM), lambda i: (0, 0)),
            pl.BlockSpec((1, 2 * DIM), lambda i: (0, 0)),
            pl.BlockSpec((32, DIM), lambda i: (0, 0)),
            pl.BlockSpec((1, DIM), lambda i: (0, 0)),
            pl.BlockSpec((1, DIM), lambda i: (0, 0)),
            pl.BlockSpec((DIM, DIM), lambda i: (0, 0)),
            pl.BlockSpec((1, DIM), lambda i: (0, 0)),
            pl.BlockSpec((1, DIM), lambda i: (0, 0)),
        ],
        out_specs=(pl.BlockSpec((P_B, DIM), lambda i: (i, 0)),
                   pl.BlockSpec((P_B, 128), lambda i: (i, 0))),
        out_shape=(jax.ShapeDtypeStruct((N_PAD, DIM), jnp.float32),
                   jax.ShapeDtypeStruct((N_PAD, 128), jnp.int32)),
    )(G2, ct, b1wt, b1bt, BD2, b2wt, b2bt, W3, nbw, nbb, L, lw, lb)


C_E = 1024
NH = N_PAD // 2


def _final(xf, ym, bw, bb, M1, M2, Win, Wa, Wout, pw, pb, P, off, cin):
    grid = NH // C_E

    def body(xf_r, ym_r, bw_r, bb_r, M1_r, M2_r, Wi_r, Wa_r, Wo_r, pw_r,
             pb_r, P_r, cin_r, o_r, co_r, carry_r):
        i = pl.program_id(0)

        @pl.when(i == 0)
        def _():
            carry_r[...] = cin_r[0:1, :]

        u32 = lax.bitcast_convert_type(ym_r[...], jnp.uint32)
        lo = lax.bitcast_convert_type((u32 & 0xFFFF).astype(jnp.uint16),
                                      jnp.bfloat16)
        hi = lax.bitcast_convert_type((u32 >> 16).astype(jnp.uint16),
                                      jnp.bfloat16)
        mlo = lo[0]
        mhi = hi[0]
        for kk in range(1, K):
            mlo = jnp.maximum(mlo, lo[kk])
            mhi = jnp.maximum(mhi, hi[kk])
        ym = jnp.concatenate([mlo, mhi], axis=1).astype(jnp.float32)

        bf = jnp.bfloat16
        xf2 = xf_r[...] + ym
        t = xf2 * bw_r[...] + bb_r[...]
        y2 = jnp.dot(
            jax.nn.gelu(jnp.dot(t.astype(bf), M1_r[...].astype(bf),
                                preferred_element_type=jnp.float32)
                        ).astype(bf),
            M2_r[...].astype(bf), preferred_element_type=jnp.float32)
        xf3 = xf2 + y2
        xf3b = xf3.astype(bf)
        z = jnp.dot(xf3b, Wi_r[...].astype(bf),
                    preferred_element_type=jnp.float32)
        u = z[:, :DIM]
        gg = z[:, DIM:]
        a = jax.nn.sigmoid(jnp.dot(xf3b, Wa_r[...].astype(bf),
                                   preferred_element_type=jnp.float32))
        h = u
        A = a
        s = 1
        while s < C_E:
            h = h + A * jnp.concatenate(
                [jnp.zeros((s, DIM), jnp.float32), h[:C_E - s]], axis=0)
            A = A * jnp.concatenate(
                [jnp.ones((s, DIM), jnp.float32), A[:C_E - s]], axis=0)
            s *= 2
        hh = h + A * carry_r[...]
        carry_r[...] = hh[C_E - 1:C_E, :]
        co_r[...] = jnp.broadcast_to(hh[C_E - 1:C_E, :], (8, DIM))
        xf4 = xf3 + jnp.dot((jax.nn.silu(gg) * hh).astype(bf),
                            Wo_r[...].astype(bf),
                            preferred_element_type=jnp.float32)
        o_r[...] = jnp.dot((xf4 * pw_r[...] + pb_r[...]).astype(bf),
                           P_r[...].astype(bf),
                           preferred_element_type=jnp.float32)

    return pl.pallas_call(
        body,
        grid=(grid,),
        in_specs=[
            pl.BlockSpec((C_E, DIM), lambda i, off=off: (i + off, 0)),
            pl.BlockSpec((K, C_E, 128), lambda i: (0, i, 0)),
            pl.BlockSpec((1, DIM), lambda i: (0, 0)),
            pl.BlockSpec((1, DIM), lambda i: (0, 0)),
            pl.BlockSpec((DIM, 2 * DIM), lambda i: (0, 0)),
            pl.BlockSpec((2 * DIM, DIM), lambda i: (0, 0)),
            pl.BlockSpec((DIM, 2 * DIM), lambda i: (0, 0)),
            pl.BlockSpec((DIM, DIM), lambda i: (0, 0)),
            pl.BlockSpec((DIM, DIM), lambda i: (0, 0)),
            pl.BlockSpec((1, DIM), lambda i: (0, 0)),
            pl.BlockSpec((1, DIM), lambda i: (0, 0)),
            pl.BlockSpec((DIM, DIM), lambda i: (0, 0)),
            pl.BlockSpec((8, DIM), lambda i: (0, 0)),
        ],
        out_specs=(pl.BlockSpec((C_E, DIM), lambda i: (i, 0)),
                   pl.BlockSpec((8, DIM), lambda i: (0, 0))),
        out_shape=(jax.ShapeDtypeStruct((NH, DIM), jnp.float32),
                   jax.ShapeDtypeStruct((8, DIM), jnp.float32)),
        scratch_shapes=[pltpu.VMEM((1, DIM), jnp.float32)],
    )(xf, ym, bw, bb, M1, M2, Win, Wa, Wout, pw, pb, P, cin)


def kernel(x, xyz, knn, pts, W1, bn1w, bn1b, W2, bn2w, bn2b, W3, nbw, nbb,
           L, lw, lb, bw, bb, M1, M2, Win, Wa, Wout, pw, pb, P):
    f32 = jnp.float32
    n = x.shape[0]
    padn = N_PAD - n
    xp = jnp.pad(x.astype(f32), ((0, padn), (0, 0)))
    xyzp = jnp.pad(xyz.astype(f32), ((0, padn), (0, 0)))
    knnp = jnp.pad(knn.astype(jnp.int32), ((0, padn), (0, 0)))
    idxP = knnp.reshape(-1)
    knnT = knnp.T
    idxKa = knnT[:, :NH].reshape(-1)
    idxKb = knnT[:, NH:].reshape(-1)

    z1 = jnp.zeros((N_PAD, 1), f32)
    xz8 = jnp.concatenate([xyzp, xp, z1], axis=1)
    xyz8 = jnp.concatenate([xyzp, jnp.zeros((N_PAD, 5), f32)], axis=1)
    W1p = jnp.concatenate([W1, jnp.zeros((1, 16), f32)], axis=0)
    W1at = jnp.tile(
        jnp.concatenate([W1[:3], jnp.zeros((5, 16), f32)], axis=0), (1, K))
    BD2 = jnp.kron(jnp.eye(K, dtype=f32), W2)

    r1 = lambda v: v.reshape(1, -1)
    rt = lambda v: jnp.tile(v, K).reshape(1, -1)

    g, ct = _prep(xz8, xyz8, W1p, W1at)
    G = _sc_gather(g, idxP, 1280, tc_tiling=False)
    G2 = G.reshape(N_PAD, DIM)
    xf, y = _edge(G2, ct, rt(bn1w), rt(bn1b), BD2, rt(bn2w), rt(bn2b), W3,
                  r1(nbw), r1(nbb), L, r1(lw), r1(lb))
    Ya = _sc_gather(y, idxKa, 128)
    Yb = _sc_gather(y, idxKb, 128)
    Y3a = Ya.reshape(K, NH, 128)
    Y3b = Yb.reshape(K, NH, 128)
    cz = jnp.zeros((8, DIM), f32)
    o1, cr = _final(xf, Y3a, r1(bw), r1(bb), M1, M2, Win, Wa, Wout, r1(pw),
                    r1(pb), P, 0, cz)
    o2, _ = _final(xf, Y3b, r1(bw), r1(bb), M1, M2, Win, Wa, Wout, r1(pw),
                   r1(pb), P, NH // C_E, cr)
    out = jnp.concatenate([o1, o2], axis=0)
    return out[:n]

# --- scband reference (transcript-rebuilt; emitter-appended) ---
"""Pipeline reference for scband-stage-24584392803051 (READ-ONLY COPY).

The authoritative reference and input builder live on the scoring server;
editing this copy changes nothing except your own understanding.
"""

import jax, jax.numpy as jnp
import numpy as np

N = 10000
K = 16
DIM = 256
HID = 32
HEAD = 256

def _bn(x, w, b):
    # BatchNorm1d in eval mode with fresh running stats (mean=0, var=1) -> affine
    return x * w + b

def setup_inputs(seed: int = 0):
    key = jax.random.key(seed)
    ks = jax.random.split(key, 16)
    s = 0.05
    inp = {}
    inp['x'] = jax.random.normal(ks[0], (N, 4), jnp.float32)
    inp['xyz'] = jax.random.uniform(ks[1], (N, 3), jnp.float32)
    inp['knn'] = jax.random.randint(ks[2], (N, K), 0, N)
    inp['pts'] = N
    inp['W1'] = jax.random.normal(ks[3], (7, HID // 2), jnp.float32) * s
    inp['bn1w'] = jnp.ones((HID // 2,), jnp.float32)
    inp['bn1b'] = jnp.zeros((HID // 2,), jnp.float32)
    inp['W2'] = jax.random.normal(ks[4], (HID // 2, HID), jnp.float32) * s
    inp['bn2w'] = jnp.ones((HID,), jnp.float32)
    inp['bn2b'] = jnp.zeros((HID,), jnp.float32)
    inp['W3'] = jax.random.normal(ks[5], (HID, DIM), jnp.float32) * s
    inp['nbw'] = jnp.full((DIM,), 0.8, jnp.float32)
    inp['nbb'] = jnp.zeros((DIM,), jnp.float32)
    inp['L'] = jax.random.normal(ks[6], (DIM, DIM), jnp.float32) * s
    inp['lw'] = jnp.ones((DIM,), jnp.float32)
    inp['lb'] = jnp.zeros((DIM,), jnp.float32)
    inp['bw'] = jnp.ones((DIM,), jnp.float32)
    inp['bb'] = jnp.zeros((DIM,), jnp.float32)
    inp['M1'] = jax.random.normal(ks[7], (DIM, 2 * DIM), jnp.float32) * s
    inp['M2'] = jax.random.normal(ks[8], (2 * DIM, DIM), jnp.float32) * s
    inp['Win'] = jax.random.normal(ks[9], (DIM, 2 * DIM), jnp.float32) * s
    inp['Wa'] = jax.random.normal(ks[10], (DIM, DIM), jnp.float32) * s
    inp['Wout'] = jax.random.normal(ks[11], (DIM, DIM), jnp.float32) * s
    inp['pw'] = jnp.ones((DIM,), jnp.float32)
    inp['pb'] = jnp.zeros((DIM,), jnp.float32)
    inp['P'] = jax.random.normal(ks[12], (DIM, HEAD), jnp.float32) * s
    return inp

def reference(x, xyz, knn, pts, W1, bn1w, bn1b, W2, bn2w, bn2b, W3, nbw, nbb, L, lw, lb, bw, bb, M1, M2, Win, Wa, Wout, pw, pb, P):
    # ---- first stage, eval mode (no checkpoint, no correlation loss) ----
    # neighbor embedding: relative coords + gathered features -> MLP -> max over k
    rel = xyz[knn] - xyz[:, None, :]                      # [N, K, 3]
    nbr = jnp.concatenate([rel, x[knn]], axis=-1).reshape(-1, 7)
    h = jax.nn.gelu(_bn(nbr @ W1, bn1w, bn1b))
    h = jax.nn.gelu(_bn(h @ W2, bn2w, bn2b))
    h = (h @ W3).reshape(N, K, DIM).max(axis=1)           # max over neighbors
    xf = _bn(h, nbw, nbb)                                 # nbr_bn (weight init 0.8)
    # ---- Block (depth 1): LFP (knn max aggregation) + MLP, both residual ----
    y = _bn(xf @ L, lw, lb)
    y = y[knn].max(axis=1)
    xf = xf + y
    y = jax.nn.gelu(_bn(xf, bw, bb) @ M1) @ M2
    xf = xf + y
    # ---- Mamba2-style gated selective scan over the point sequence ----
    z = xf @ Win
    u, g = jnp.split(z, 2, axis=-1)
    a = jax.nn.sigmoid(xf @ Wa)
    def comb(c1, c2):
        a1, b1 = c1
        a2, b2 = c2
        return (a1 * a2, a2 * b1 + b2)
    _, hh = jax.lax.associative_scan(comb, (a, u), axis=0)
    xf = xf + (jax.nn.silu(g) * hh) @ Wout
    # ---- post projection (last stage, DropPath is identity in eval) ----
    out = _bn(xf, pw, pb) @ P
    return out

if __name__ == "__main__":
    import jax
    _d = setup_inputs()
    print(jax.jit(kernel)(*tuple(_d.values())))

</pallas_src>

<mosaic_0001>
#map = affine_map<(d0, d1) -> (0, 0)>
#map1 = affine_map<(d0, d1) -> (0)>
module attributes {stable_mosaic.version = 14 : i64} {
  func.func @k(%arg0: i32, %arg1: i32, %arg2: memref<10240x128xi32, #tpu.memory_space<hbm>>, %arg3: memref<81920xi32, #tpu.memory_space<hbm>>, %arg4: memref<81920x128xi32, #tpu.memory_space<hbm>>, %arg5: memref<128xi32, #tpu.memory_space<vmem>>, %arg6: memref<128xi32, #tpu.memory_space<vmem>>, %arg7: memref<128x128xi32, #tpu.memory_space<vmem>>, %arg8: memref<128x128xi32, #tpu.memory_space<vmem>>, %arg9: memref<!tpu.dma_semaphore, #tpu.memory_space<semaphore_mem>>, %arg10: memref<!tpu.dma_semaphore, #tpu.memory_space<semaphore_mem>>) attributes {dimension_semantics = [#tpu.dimension_semantics<core_parallel>, #tpu.dimension_semantics<subcore_parallel>], iteration_bounds = array<i64: 2, 16>, scalar_prefetch = 0 : i64, scratch_operands = 6 : i64, tpu.core_type = #tpu.core_type<sc_vector_subcore>, window_params = [{transform_indices = #map}, {transform_indices = #map1}, {transform_indices = #map}]} {
    %eq3A = arith.constant 0 : i32
    %eq3A_0 = arith.cmpi eq, %arg0, %eq3A : i32
    %jit3A = arith.constant 20 : i32
    %jit3A_1 = arith.constant 20 : i32
    %select_n3A = arith.select %eq3A_0, %jit3A, %jit3A_1 : i32
    %eq3A_2 = arith.constant 0 : i32
    %eq3A_3 = arith.cmpi eq, %arg0, %eq3A_2 : i32
    %mul3A = arith.constant 20 : i32
    %mul3A_4 = arith.muli %arg1, %mul3A : i32
    %mul3A_5 = arith.constant 20 : i32
    %mul3A_6 = arith.muli %arg1, %mul3A_5 : i32
    %add3A = arith.constant 320 : i32
    %add3A_7 = arith.addi %add3A, %mul3A_6 : i32
    %select_n3A_8 = arith.select %eq3A_3, %mul3A_4, %add3A_7 : i32
    %mul3A_9 = arith.constant 128 : i32
    %mul3A_10 = arith.muli %select_n3A_8, %mul3A_9 : i32
    %jit3A_11 = arith.constant 2 : i32
    %div3A = arith.divsi %select_n3A, %jit3A_11 : i32
    %sign3A = arith.constant 0 : i32
    %sign3A_12 = arith.cmpi sgt, %select_n3A, %sign3A : i32
    %sign3A_13 = arith.extui %sign3A_12 : i1 to i32
    %sign3A_14 = arith.constant 0 : i32
    %sign3A_15 = arith.cmpi slt, %select_n3A, %sign3A_14 : i32
    %sign3A_16 = arith.extui %sign3A_15 : i1 to i32
    %sign3A_17 = arith.subi %sign3A_13, %sign3A_16 : i32
    %sign3A_18 = arith.constant 0 : i32
    %sign3A_19 = arith.cmpi sgt, %jit3A_11, %sign3A_18 : i32
    %sign3A_20 = arith.extui %sign3A_19 : i1 to i32
    %sign3A_21 = arith.constant 0 : i32
    %sign3A_22 = arith.cmpi slt, %jit3A_11, %sign3A_21 : i32
    %sign3A_23 = arith.extui %sign3A_22 : i1 to i32
    %sign3A_24 = arith.subi %sign3A_20, %sign3A_23 : i32
    %ne3A = arith.cmpi ne, %sign3A_17, %sign3A_24 : i32
    %rem3A = arith.remsi %select_n3A, %jit3A_11 : i32
    %ne3A_25 = arith.constant 0 : i32
    %ne3A_26 = arith.cmpi ne, %rem3A, %ne3A_25 : i32
    %and3A = arith.andi %ne3A, %ne3A_26 : i1
    %sub3A = arith.constant 1 : i32
    %sub3A_27 = arith.subi %div3A, %sub3A : i32
    %select_n3A_28 = arith.select %and3A, %sub3A_27, %div3A : i32
    "tpu.region"() ({
      %run_scoped3A = tpu.sem_alloc : memref<!tpu.dma_semaphore, #tpu.memory_space<semaphore_mem>>
      %dma_start3A_63 = tpu.memref_slice %arg3[%mul3A_10] : memref<81920xi32, #tpu.memory_space<hbm>> -> memref<128xi32, #tpu.memory_space<hbm>>
      %dma_start3A_64 = tpu.memref_slice %arg3[%mul3A_10] : memref<81920xi32, #tpu.memory_space<hbm>> -> memref<128xi32, #tpu.memory_space<hbm>>
      tpu.enqueue_dma source(%dma_start3A_64 : memref<128xi32, #tpu.memory_space<hbm>>) target(%arg5 : memref<128xi32, #tpu.memory_space<vmem>>) target_semaphore(%run_scoped3A : memref<!tpu.dma_semaphore, #tpu.memory_space<semaphore_mem>>)
      %dma_wait3A_65 = tpu.memref_slice %arg3[%mul3A_10] : memref<81920xi32, #tpu.memory_space<hbm>> -> memref<128xi32, #tpu.memory_space<hbm>>
      %dma_wait3A_66 = tpu.memref_slice %arg3[%mul3A_10] : memref<81920xi32, #tpu.memory_space<hbm>> -> memref<128xi32, #tpu.memory_space<hbm>>
      tpu.wait_dma2 semaphore(%run_scoped3A : memref<!tpu.dma_semaphore, #tpu.memory_space<semaphore_mem>>) src(%dma_wait3A_66 : memref<128xi32, #tpu.memory_space<hbm>>) dst(%arg5 : memref<128xi32, #tpu.memory_space<vmem>>)
      tpu.yield
    }) : () -> ()
    %dma_start3A = arith.constant 0 : i32
    %dma_start3A_29 = arith.constant 0 : i32
    %dma_start3A_30 = tpu.memref_slice %arg2[%dma_start3A, %dma_start3A_29] : memref<10240x128xi32, #tpu.memory_space<hbm>> -> memref<10240x128xi32, #tpu.memory_space<hbm>>
    tpu.enqueue_indirect_dma source(%dma_start3A_30 : memref<10240x128xi32, #tpu.memory_space<hbm>>) target(%arg7 : memref<128x128xi32, #tpu.memory_space<vmem>>) offsets(%arg5 : memref<128xi32, #tpu.memory_space<vmem>>) semaphore(%arg9 : memref<!tpu.dma_semaphore, #tpu.memory_space<semaphore_mem>>)
    %sub3A_31 = arith.constant 0 : i32
    %sub3A_32 = arith.subi %select_n3A_28, %sub3A_31 : i32
    %sub3A_33 = arith.constant 1 : i32
    %sub3A_34 = arith.constant 1 : i32
    %sub3A_35 = arith.subi %sub3A_33, %sub3A_34 : i32
    %add3A_36 = arith.addi %sub3A_32, %sub3A_35 : i32
    %div3A_37 = arith.constant 1 : i32
    %div3A_38 = arith.divsi %add3A_36, %div3A_37 : i32
    %while3A = arith.constant 1 : i32
    %while3A_39 = arith.constant 0 : i32
    %while3A_40 = arith.constant 0 : i32
    %while3A_41 = arith.subi %div3A_38, %while3A_40 : i32
    %while3A_42 = arith.addi %while3A_40, %while3A_41 : i32
    %while3A_43 = arith.constant 1 : i32
    %while3A_44 = arith.divsi %while3A_41, %while3A_43 : i32
    %while3A_45 = arith.muli %while3A_44, %while3A_43 : i32
    %while3A_46 = arith.addi %while3A_40, %while3A_45 : i32
    %while3A_47 = arith.constant 1 : i32
    scf.for %while3A_63 = %while3A_40 to %while3A_46 step %while3A_47  : i32 {
      %mul3A_64 = arith.muli %while3A_63, %while3A : i32
      %add3A_65 = arith.addi %while3A_39, %mul3A_64 : i32
      %mul3A_66 = arith.constant 2 : i32
      %mul3A_67 = arith.muli %mul3A_66, %add3A_65 : i32
      %mul3A_68 = arith.constant 128 : i32
      %mul3A_69 = arith.muli %mul3A_67, %mul3A_68 : i32
      %add3A_70 = arith.addi %mul3A_10, %mul3A_69 : i32
      %add3A_71 = arith.constant 128 : i32
      %add3A_72 = arith.addi %add3A_70, %add3A_71 : i32
      "tpu.region"() ({
        %run_scoped3A = tpu.sem_alloc : memref<!tpu.dma_semaphore, #tpu.memory_space<semaphore_mem>>
        %dma_start3A_105 = tpu.memref_slice %arg3[%add3A_72] : memref<81920xi32, #tpu.memory_space<hbm>> -> memref<128xi32, #tpu.memory_space<hbm>>
        %dma_start3A_106 = tpu.memref_slice %arg3[%add3A_72] : memref<81920xi32, #tpu.memory_space<hbm>> -> memref<128xi32, #tpu.memory_space<hbm>>
        tpu.enqueue_dma source(%dma_start3A_106 : memref<128xi32, #tpu.memory_space<hbm>>) target(%arg6 : memref<128xi32, #tpu.memory_space<vmem>>) target_semaphore(%run_scoped3A : memref<!tpu.dma_semaphore, #tpu.memory_space<semaphore_mem>>)
        %dma_wait3A_107 = tpu.memref_slice %arg3[%add3A_72] : memref<81920xi32, #tpu.memory_space<hbm>> -> memref<128xi32, #tpu.memory_space<hbm>>
        %dma_wait3A_108 = tpu.memref_slice %arg3[%add3A_72] : memref<81920xi32, #tpu.memory_space<hbm>> -> memref<128xi32, #tpu.memory_space<hbm>>
        tpu.wait_dma2 semaphore(%run_scoped3A : memref<!tpu.dma_semaphore, #tpu.memory_space<semaphore_mem>>) src(%dma_wait3A_108 : memref<128xi32, #tpu.memory_space<hbm>>) dst(%arg6 : memref<128xi32, #tpu.memory_space<vmem>>)
        tpu.yield
      }) : () -> ()
      %gt3A = arith.constant 0 : i32
      %gt3A_73 = arith.cmpi sgt, %add3A_65, %gt3A : i32
      %convert_element_type3A = arith.extui %gt3A_73 : i1 to i32
      %cond3A = arith.constant 0 : i32
      %cond3A_74 = arith.cmpi ne, %convert_element_type3A, %cond3A : i32
      scf.if %cond3A_74 {
        %sub3A_105 = arith.constant 128 : i32
        %sub3A_106 = arith.subi %add3A_70, %sub3A_105 : i32
        %dma_wait3A_107 = arith.constant 0 : i32
        %dma_wait3A_108 = tpu.memref_slice %arg4[%sub3A_106, %dma_wait3A_107] : memref<81920x128xi32, #tpu.memory_space<hbm>> -> memref<128x128xi32, #tpu.memory_space<hbm>>
        %dma_wait3A_109 = arith.constant 0 : i32
        %dma_wait3A_110 = tpu.memref_slice %arg4[%sub3A_106, %dma_wait3A_109] : memref<81920x128xi32, #tpu.memory_space<hbm>> -> memref<128x128xi32, #tpu.memory_space<hbm>>
        tpu.wait_dma2 semaphore(%arg10 : memref<!tpu.dma_semaphore, #tpu.memory_space<semaphore_mem>>) src(%arg8 : memref<128x128xi32, #tpu.memory_space<vmem>>) dst(%dma_wait3A_110 : memref<128x128xi32, #tpu.memory_space<hbm>>)
      } else {
      }
      %dma_start3A_75 = arith.constant 0 : i32
      %dma_start3A_76 = arith.constant 0 : i32
      %dma_start3A_77 = tpu.memref_slice %arg2[%dma_start3A_75, %dma_start3A_76] : memref<10240x128xi32, #tpu.memory_space<hbm>> -> memref<10240x128xi32, #tpu.memory_space<hbm>>
      tpu.enqueue_indirect_dma source(%dma_start3A_77 : memref<10240x128xi32, #tpu.memory_space<hbm>>) target(%arg8 : memref<128x128xi32, #tpu.memory_space<vmem>>) offsets(%arg6 : memref<128xi32, #tpu.memory_space<vmem>>) semaphore(%arg9 : memref<!tpu.dma_semaphore, #tpu.memory_space<semaphore_mem>>)
      %dma_wait3A_78 = arith.constant 0 : i32
      %dma_wait3A_79 = arith.constant 0 : i32
      %dma_wait3A_80 = tpu.memref_slice %arg2[%dma_wait3A_78, %dma_wait3A_79] : memref<10240x128xi32, #tpu.memory_space<hbm>> -> memref<10240x128xi32, #tpu.memory_space<hbm>>
      tpu.wait_indirect_dma semaphore(%arg9 : memref<!tpu.dma_semaphore, #tpu.memory_space<semaphore_mem>>) src(%dma_wait3A_80 : memref<10240x128xi32, #tpu.memory_space<hbm>>) dst(%arg7 : memref<128x128xi32, #tpu.memory_space<vmem>>)
      %dma_start3A_81 = arith.constant 0 : i32
      %dma_start3A_82 = tpu.memref_slice %arg4[%add3A_70, %dma_start3A_81] : memref<81920x128xi32, #tpu.memory_space<hbm>> -> memref<128x128xi32, #tpu.memory_space<hbm>>
      %dma_start3A_83 = arith.constant 0 : i32
      %dma_start3A_84 = tpu.memref_slice %arg4[%add3A_70, %dma_start3A_83] : memref<81920x128xi32, #tpu.memory_space<hbm>> -> memref<128x128xi32, #tpu.memory_space<hbm>>
      tpu.enqueue_dma source(%arg7 : memref<128x128xi32, #tpu.memory_space<vmem>>) target(%dma_start3A_84 : memref<128x128xi32, #tpu.memory_space<hbm>>) target_semaphore(%arg10 : memref<!tpu.dma_semaphore, #tpu.memory_space<semaphore_mem>>)
      %sub3A_85 = arith.constant 1 : i32
      %sub3A_86 = arith.subi %select_n3A_28, %sub3A_85 : i32
      %lt3A = arith.cmpi slt, %add3A_65, %sub3A_86 : i32
      %convert_element_type3A_87 = arith.extui %lt3A : i1 to i32
      %cond3A_88 = arith.constant 0 : i32
      %cond3A_89 = arith.cmpi ne, %convert_element_type3A_87, %cond3A_88 : i32
      scf.if %cond3A_89 {
        %add3A_105 = arith.constant 256 : i32
        %add3A_106 = arith.addi %add3A_70, %add3A_105 : i32
        "tpu.region"() ({
          %run_scoped3A = tpu.sem_alloc : memref<!tpu.dma_semaphore, #tpu.memory_space<semaphore_mem>>
          %dma_start3A_107 = tpu.memref_slice %arg3[%add3A_106] : memref<81920xi32, #tpu.memory_space<hbm>> -> memref<128xi32, #tpu.memory_space<hbm>>
          %dma_start3A_108 = tpu.memref_slice %arg3[%add3A_106] : memref<81920xi32, #tpu.memory_space<hbm>> -> memref<128xi32, #tpu.memory_space<hbm>>
          tpu.enqueue_dma source(%dma_start3A_108 : memref<128xi32, #tpu.memory_space<hbm>>) target(%arg5 : memref<128xi32, #tpu.memory_space<vmem>>) target_semaphore(%run_scoped3A : memref<!tpu.dma_semaphore, #tpu.memory_space<semaphore_mem>>)
          %dma_wait3A_109 = tpu.memref_slice %arg3[%add3A_106] : memref<81920xi32, #tpu.memory_space<hbm>> -> memref<128xi32, #tpu.memory_space<hbm>>
          %dma_wait3A_110 = tpu.memref_slice %arg3[%add3A_106] : memref<81920xi32, #tpu.memory_space<hbm>> -> memref<128xi32, #tpu.memory_space<hbm>>
          tpu.wait_dma2 semaphore(%run_scoped3A : memref<!tpu.dma_semaphore, #tpu.memory_space<semaphore_mem>>) src(%dma_wait3A_110 : memref<128xi32, #tpu.memory_space<hbm>>) dst(%arg5 : memref<128xi32, #tpu.memory_space<vmem>>)
          tpu.yield
        }) : () -> ()
      } else {
      }
      %dma_wait3A_90 = arith.constant 0 : i32
      %dma_wait3A_91 = arith.constant 0 : i32
      %dma_wait3A_92 = tpu.memref_slice %arg2[%dma_wait3A_90, %dma_wait3A_91] : memref<10240x128xi32, #tpu.memory_space<hbm>> -> memref<10240x128xi32, #tpu.memory_space<hbm>>
      tpu.wait_indirect_dma semaphore(%arg9 : memref<!tpu.dma_semaphore, #tpu.memory_space<semaphore_mem>>) src(%dma_wait3A_92 : memref<10240x128xi32, #tpu.memory_space<hbm>>) dst(%arg8 : memref<128x128xi32, #tpu.memory_space<vmem>>)
      %add3A_93 = arith.constant 128 : i32
      %add3A_94 = arith.addi %add3A_70, %add3A_93 : i32
      %dma_start3A_95 = arith.constant 0 : i32
      %dma_start3A_96 = tpu.memref_slice %arg4[%add3A_94, %dma_start3A_95] : memref<81920x128xi32, #tpu.memory_space<hbm>> -> memref<128x128xi32, #tpu.memory_space<hbm>>
      %dma_start3A_97 = arith.constant 0 : i32
      %dma_start3A_98 = tpu.memref_slice %arg4[%add3A_94, %dma_start3A_97] : memref<81920x128xi32, #tpu.memory_space<hbm>> -> memref<128x128xi32, #tpu.memory_space<hbm>>
      tpu.enqueue_dma source(%arg8 : memref<128x128xi32, #tpu.memory_space<vmem>>) target(%dma_start3A_98 : memref<128x128xi32, #tpu.memory_space<hbm>>) target_semaphore(%arg10 : memref<!tpu.dma_semaphore, #tpu.memory_space<semaphore_mem>>)
      %sub3A_99 = arith.constant 1 : i32
      %sub3A_100 = arith.subi %select_n3A_28, %sub3A_99 : i32
      %lt3A_101 = arith.cmpi slt, %add3A_65, %sub3A_100 : i32
      %convert_element_type3A_102 = arith.extui %lt3A_101 : i1 to i32
      %cond3A_103 = arith.constant 0 : i32
      %cond3A_104 = arith.cmpi ne, %convert_element_type3A_102, %cond3A_103 : i32
      scf.if %cond3A_104 {
        %dma_wait3A_105 = arith.constant 0 : i32
        %dma_wait3A_106 = tpu.memref_slice %arg4[%add3A_70, %dma_wait3A_105] : memref<81920x128xi32, #tpu.memory_space<hbm>> -> memref<128x128xi32, #tpu.memory_space<hbm>>
        %dma_wait3A_107 = arith.constant 0 : i32
        %dma_wait3A_108 = tpu.memref_slice %arg4[%add3A_70, %dma_wait3A_107] : memref<81920x128xi32, #tpu.memory_space<hbm>> -> memref<128x128xi32, #tpu.memory_space<hbm>>
        tpu.wait_dma2 semaphore(%arg10 : memref<!tpu.dma_semaphore, #tpu.memory_space<semaphore_mem>>) src(%arg7 : memref<128x128xi32, #tpu.memory_space<vmem>>) dst(%dma_wait3A_108 : memref<128x128xi32, #tpu.memory_space<hbm>>)
        %dma_start3A_109 = arith.constant 0 : i32
        %dma_start3A_110 = arith.constant 0 : i32
        %dma_start3A_111 = tpu.memref_slice %arg2[%dma_start3A_109, %dma_start3A_110] : memref<10240x128xi32, #tpu.memory_space<hbm>> -> memref<10240x128xi32, #tpu.memory_space<hbm>>
        tpu.enqueue_indirect_dma source(%dma_start3A_111 : memref<10240x128xi32, #tpu.memory_space<hbm>>) target(%arg7 : memref<128x128xi32, #tpu.memory_space<vmem>>) offsets(%arg5 : memref<128xi32, #tpu.memory_space<vmem>>) semaphore(%arg9 : memref<!tpu.dma_semaphore, #tpu.memory_space<semaphore_mem>>)
      } else {
      }
    }
    %while3A_48 = arith.constant 1 : i32
    scf.for %while3A_63 = %while3A_46 to %while3A_42 step %while3A_48  : i32 {
      %mul3A_64 = arith.muli %while3A_63, %while3A : i32
      %add3A_65 = arith.addi %while3A_39, %mul3A_64 : i32
      %mul3A_66 = arith.constant 2 : i32
      %mul3A_67 = arith.muli %mul3A_66, %add3A_65 : i32
      %mul3A_68 = arith.constant 128 : i32
      %mul3A_69 = arith.muli %mul3A_67, %mul3A_68 : i32
      %add3A_70 = arith.addi %mul3A_10, %mul3A_69 : i32
      %add3A_71 = arith.constant 128 : i32
      %add3A_72 = arith.addi %add3A_70, %add3A_71 : i32
      "tpu.region"() ({
        %run_scoped3A = tpu.sem_alloc : memref<!tpu.dma_semaphore, #tpu.memory_space<semaphore_mem>>
        %dma_start3A_105 = tpu.memref_slice %arg3[%add3A_72] : memref<81920xi32, #tpu.memory_space<hbm>> -> memref<128xi32, #tpu.memory_space<hbm>>
        %dma_start3A_106 = tpu.memref_slice %arg3[%add3A_72] : memref<81920xi32, #tpu.memory_space<hbm>> -> memref<128xi32, #tpu.memory_space<hbm>>
        tpu.enqueue_dma source(%dma_start3A_106 : memref<128xi32, #tpu.memory_space<hbm>>) target(%arg6 : memref<128xi32, #tpu.memory_space<vmem>>) target_semaphore(%run_scoped3A : memref<!tpu.dma_semaphore, #tpu.memory_space<semaphore_mem>>)
        %dma_wait3A_107 = tpu.memref_slice %arg3[%add3A_72] : memref<81920xi32, #tpu.memory_space<hbm>> -> memref<128xi32, #tpu.memory_space<hbm>>
        %dma_wait3A_108 = tpu.memref_slice %arg3[%add3A_72] : memref<81920xi32, #tpu.memory_space<hbm>> -> memref<128xi32, #tpu.memory_space<hbm>>
        tpu.wait_dma2 semaphore(%run_scoped3A : memref<!tpu.dma_semaphore, #tpu.memory_space<semaphore_mem>>) src(%dma_wait3A_108 : memref<128xi32, #tpu.memory_space<hbm>>) dst(%arg6 : memref<128xi32, #tpu.memory_space<vmem>>)
        tpu.yield
      }) : () -> ()
      %gt3A = arith.constant 0 : i32
      %gt3A_73 = arith.cmpi sgt, %add3A_65, %gt3A : i32
      %convert_element_type3A = arith.extui %gt3A_73 : i1 to i32
      %cond3A = arith.constant 0 : i32
      %cond3A_74 = arith.cmpi ne, %convert_element_type3A, %cond3A : i32
      scf.if %cond3A_74 {
        %sub3A_105 = arith.constant 128 : i32
        %sub3A_106 = arith.subi %add3A_70, %sub3A_105 : i32
        %dma_wait3A_107 = arith.constant 0 : i32
        %dma_wait3A_108 = tpu.memref_slice %arg4[%sub3A_106, %dma_wait3A_107] : memref<81920x128xi32, #tpu.memory_space<hbm>> -> memref<128x128xi32, #tpu.memory_space<hbm>>
        %dma_wait3A_109 = arith.constant 0 : i32
        %dma_wait3A_110 = tpu.memref_slice %arg4[%sub3A_106, %dma_wait3A_109] : memref<81920x128xi32, #tpu.memory_space<hbm>> -> memref<128x128xi32, #tpu.memory_space<hbm>>
        tpu.wait_dma2 semaphore(%arg10 : memref<!tpu.dma_semaphore, #tpu.memory_space<semaphore_mem>>) src(%arg8 : memref<128x128xi32, #tpu.memory_space<vmem>>) dst(%dma_wait3A_110 : memref<128x128xi32, #tpu.memory_space<hbm>>)
      } else {
      }
      %dma_start3A_75 = arith.constant 0 : i32
      %dma_start3A_76 = arith.constant 0 : i32
      %dma_start3A_77 = tpu.memref_slice %arg2[%dma_start3A_75, %dma_start3A_76] : memref<10240x128xi32, #tpu.memory_space<hbm>> -> memref<10240x128xi32, #tpu.memory_space<hbm>>
      tpu.enqueue_indirect_dma source(%dma_start3A_77 : memref<10240x128xi32, #tpu.memory_space<hbm>>) target(%arg8 : memref<128x128xi32, #tpu.memory_space<vmem>>) offsets(%arg6 : memref<128xi32, #tpu.memory_space<vmem>>) semaphore(%arg9 : memref<!tpu.dma_semaphore, #tpu.memory_space<semaphore_mem>>)
      %dma_wait3A_78 = arith.constant 0 : i32
      %dma_wait3A_79 = arith.constant 0 : i32
      %dma_wait3A_80 = tpu.memref_slice %arg2[%dma_wait3A_78, %dma_wait3A_79] : memref<10240x128xi32, #tpu.memory_space<hbm>> -> memref<10240x128xi32, #tpu.memory_space<hbm>>
      tpu.wait_indirect_dma semaphore(%arg9 : memref<!tpu.dma_semaphore, #tpu.memory_space<semaphore_mem>>) src(%dma_wait3A_80 : memref<10240x128xi32, #tpu.memory_space<hbm>>) dst(%arg7 : memref<128x128xi32, #tpu.memory_space<vmem>>)
      %dma_start3A_81 = arith.constant 0 : i32
      %dma_start3A_82 = tpu.memref_slice %arg4[%add3A_70, %dma_start3A_81] : memref<81920x128xi32, #tpu.memory_space<hbm>> -> memref<128x128xi32, #tpu.memory_space<hbm>>
      %dma_start3A_83 = arith.constant 0 : i32
      %dma_start3A_84 = tpu.memref_slice %arg4[%add3A_70, %dma_start3A_83] : memref<81920x128xi32, #tpu.memory_space<hbm>> -> memref<128x128xi32, #tpu.memory_space<hbm>>
      tpu.enqueue_dma source(%arg7 : memref<128x128xi32, #tpu.memory_space<vmem>>) target(%dma_start3A_84 : memref<128x128xi32, #tpu.memory_space<hbm>>) target_semaphore(%arg10 : memref<!tpu.dma_semaphore, #tpu.memory_space<semaphore_mem>>)
      %sub3A_85 = arith.constant 1 : i32
      %sub3A_86 = arith.subi %select_n3A_28, %sub3A_85 : i32
      %lt3A = arith.cmpi slt, %add3A_65, %sub3A_86 : i32
      %convert_element_type3A_87 = arith.extui %lt3A : i1 to i32
      %cond3A_88 = arith.constant 0 : i32
      %cond3A_89 = arith.cmpi ne, %convert_element_type3A_87, %cond3A_88 : i32
      scf.if %cond3A_89 {
        %add3A_105 = arith.constant 256 : i32
        %add3A_106 = arith.addi %add3A_70, %add3A_105 : i32
        "tpu.region"() ({
          %run_scoped3A = tpu.sem_alloc : memref<!tpu.dma_semaphore, #tpu.memory_space<semaphore_mem>>
          %dma_start3A_107 = tpu.memref_slice %arg3[%add3A_106] : memref<81920xi32, #tpu.memory_space<hbm>> -> memref<128xi32, #tpu.memory_space<hbm>>
          %dma_start3A_108 = tpu.memref_slice %arg3[%add3A_106] : memref<81920xi32, #tpu.memory_space<hbm>> -> memref<128xi32, #tpu.memory_space<hbm>>
          tpu.enqueue_dma source(%dma_start3A_108 : memref<128xi32, #tpu.memory_space<hbm>>) target(%arg5 : memref<128xi32, #tpu.memory_space<vmem>>) target_semaphore(%run_scoped3A : memref<!tpu.dma_semaphore, #tpu.memory_space<semaphore_mem>>)
          %dma_wait3A_109 = tpu.memref_slice %arg3[%add3A_106] : memref<81920xi32, #tpu.memory_space<hbm>> -> memref<128xi32, #tpu.memory_space<hbm>>
          %dma_wait3A_110 = tpu.memref_slice %arg3[%add3A_106] : memref<81920xi32, #tpu.memory_space<hbm>> -> memref<128xi32, #tpu.memory_space<hbm>>
          tpu.wait_dma2 semaphore(%run_scoped3A : memref<!tpu.dma_semaphore, #tpu.memory_space<semaphore_mem>>) src(%dma_wait3A_110 : memref<128xi32, #tpu.memory_space<hbm>>) dst(%arg5 : memref<128xi32, #tpu.memory_space<vmem>>)
          tpu.yield
        }) : () -> ()
      } else {
      }
      %dma_wait3A_90 = arith.constant 0 : i32
      %dma_wait3A_91 = arith.constant 0 : i32
      %dma_wait3A_92 = tpu.memref_slice %arg2[%dma_wait3A_90, %dma_wait3A_91] : memref<10240x128xi32, #tpu.memory_space<hbm>> -> memref<10240x128xi32, #tpu.memory_space<hbm>>
      tpu.wait_indirect_dma semaphore(%arg9 : memref<!tpu.dma_semaphore, #tpu.memory_space<semaphore_mem>>) src(%dma_wait3A_92 : memref<10240x128xi32, #tpu.memory_space<hbm>>) dst(%arg8 : memref<128x128xi32, #tpu.memory_space<vmem>>)
      %add3A_93 = arith.constant 128 : i32
      %add3A_94 = arith.addi %add3A_70, %add3A_93 : i32
      %dma_start3A_95 = arith.constant 0 : i32
      %dma_start3A_96 = tpu.memref_slice %arg4[%add3A_94, %dma_start3A_95] : memref<81920x128xi32, #tpu.memory_space<hbm>> -> memref<128x128xi32, #tpu.memory_space<hbm>>
      %dma_start3A_97 = arith.constant 0 : i32
      %dma_start3A_98 = tpu.memref_slice %arg4[%add3A_94, %dma_start3A_97] : memref<81920x128xi32, #tpu.memory_space<hbm>> -> memref<128x128xi32, #tpu.memory_space<hbm>>
      tpu.enqueue_dma source(%arg8 : memref<128x128xi32, #tpu.memory_space<vmem>>) target(%dma_start3A_98 : memref<128x128xi32, #tpu.memory_space<hbm>>) target_semaphore(%arg10 : memref<!tpu.dma_semaphore, #tpu.memory_space<semaphore_mem>>)
      %sub3A_99 = arith.constant 1 : i32
      %sub3A_100 = arith.subi %select_n3A_28, %sub3A_99 : i32
      %lt3A_101 = arith.cmpi slt, %add3A_65, %sub3A_100 : i32
      %convert_element_type3A_102 = arith.extui %lt3A_101 : i1 to i32
      %cond3A_103 = arith.constant 0 : i32
      %cond3A_104 = arith.cmpi ne, %convert_element_type3A_102, %cond3A_103 : i32
      scf.if %cond3A_104 {
        %dma_wait3A_105 = arith.constant 0 : i32
        %dma_wait3A_106 = tpu.memref_slice %arg4[%add3A_70, %dma_wait3A_105] : memref<81920x128xi32, #tpu.memory_space<hbm>> -> memref<128x128xi32, #tpu.memory_space<hbm>>
        %dma_wait3A_107 = arith.constant 0 : i32
        %dma_wait3A_108 = tpu.memref_slice %arg4[%add3A_70, %dma_wait3A_107] : memref<81920x128xi32, #tpu.memory_space<hbm>> -> memref<128x128xi32, #tpu.memory_space<hbm>>
        tpu.wait_dma2 semaphore(%arg10 : memref<!tpu.dma_semaphore, #tpu.memory_space<semaphore_mem>>) src(%arg7 : memref<128x128xi32, #tpu.memory_space<vmem>>) dst(%dma_wait3A_108 : memref<128x128xi32, #tpu.memory_space<hbm>>)
        %dma_start3A_109 = arith.constant 0 : i32
        %dma_start3A_110 = arith.constant 0 : i32
        %dma_start3A_111 = tpu.memref_slice %arg2[%dma_start3A_109, %dma_start3A_110] : memref<10240x128xi32, #tpu.memory_space<hbm>> -> memref<10240x128xi32, #tpu.memory_space<hbm>>
        tpu.enqueue_indirect_dma source(%dma_start3A_111 : memref<10240x128xi32, #tpu.memory_space<hbm>>) target(%arg7 : memref<128x128xi32, #tpu.memory_space<vmem>>) offsets(%arg5 : memref<128xi32, #tpu.memory_space<vmem>>) semaphore(%arg9 : memref<!tpu.dma_semaphore, #tpu.memory_space<semaphore_mem>>)
      } else {
      }
    }
    %sub3A_49 = arith.constant 2 : i32
    %sub3A_50 = arith.subi %select_n3A, %sub3A_49 : i32
    %mul3A_51 = arith.constant 128 : i32
    %mul3A_52 = arith.muli %sub3A_50, %mul3A_51 : i32
    %add3A_53 = arith.addi %mul3A_10, %mul3A_52 : i32
    %dma_wait3A = arith.constant 0 : i32
    %dma_wait3A_54 = tpu.memref_slice %arg4[%add3A_53, %dma_wait3A] : memref<81920x128xi32, #tpu.memory_space<hbm>> -> memref<128x128xi32, #tpu.memory_space<hbm>>
    %dma_wait3A_55 = arith.constant 0 : i32
    %dma_wait3A_56 = tpu.memref_slice %arg4[%add3A_53, %dma_wait3A_55] : memref<81920x128xi32, #tpu.memory_space<hbm>> -> memref<128x128xi32, #tpu.memory_space<hbm>>
    tpu.wait_dma2 semaphore(%arg10 : memref<!tpu.dma_semaphore, #tpu.memory_space<semaphore_mem>>) src(%arg7 : memref<128x128xi32, #tpu.memory_space<vmem>>) dst(%dma_wait3A_56 : memref<128x128xi32, #tpu.memory_space<hbm>>)
    %add3A_57 = arith.constant 128 : i32
    %add3A_58 = arith.addi %add3A_53, %add3A_57 : i32
    %dma_wait3A_59 = arith.constant 0 : i32
    %dma_wait3A_60 = tpu.memref_slice %arg4[%add3A_58, %dma_wait3A_59] : memref<81920x128xi32, #tpu.memory_space<hbm>> -> memref<128x128xi32, #tpu.memory_space<hbm>>
    %dma_wait3A_61 = arith.constant 0 : i32
    %dma_wait3A_62 = tpu.memref_slice %arg4[%add3A_58, %dma_wait3A_61] : memref<81920x128xi32, #tpu.memory_space<hbm>> -> memref<128x128xi32, #tpu.memory_space<hbm>>
    tpu.wait_dma2 semaphore(%arg10 : memref<!tpu.dma_semaphore, #tpu.memory_space<semaphore_mem>>) src(%arg8 : memref<128x128xi32, #tpu.memory_space<vmem>>) dst(%dma_wait3A_62 : memref<128x128xi32, #tpu.memory_space<hbm>>)
    return
  }
}

#map = affine_map<(d0, d1) -> (0, 0)>
#map1 = affine_map<(d0, d1) -> (0)>
module attributes {stable_mosaic.version = 14 : i64} {
  func.func @k(%arg0: i32, %arg1: i32, %arg2: memref<10240x16xf32, #tpu.memory_space<hbm>>, %arg3: memref<163840xi32, #tpu.memory_space<hbm>>, %arg4: memref<163840x16xf32, #tpu.memory_space<hbm>>, %arg5: memref<1280xi32, #tpu.memory_space<vmem>>, %arg6: memref<1280xi32, #tpu.memory_space<vmem>>, %arg7: memref<1280x16xf32, #tpu.memory_space<vmem>>, %arg8: memref<1280x16xf32, #tpu.memory_space<vmem>>, %arg9: memref<!tpu.dma_semaphore, #tpu.memory_space<semaphore_mem>>, %arg10: memref<!tpu.dma_semaphore, #tpu.memory_space<semaphore_mem>>) attributes {dimension_semantics = [#tpu.dimension_semantics<core_parallel>, #tpu.dimension_semantics<subcore_parallel>], iteration_bounds = array<i64: 2, 16>, scalar_prefetch = 0 : i64, scratch_operands = 6 : i64, tpu.core_type = #tpu.core_type<sc_vector_subcore>, window_params = [{transform_indices = #map}, {transform_indices = #map1}, {transform_indices = #map}]} {
    %eq3A = arith.constant 0 : i32
    %eq3A_0 = arith.cmpi eq, %arg0, %eq3A : i32
    %jit3A = arith.constant 4 : i32
    %jit3A_1 = arith.constant 4 : i32
    %select_n3A = arith.select %eq3A_0, %jit3A, %jit3A_1 : i32
    %eq3A_2 = arith.constant 0 : i32
    %eq3A_3 = arith.cmpi eq, %arg0, %eq3A_2 : i32
    %mul3A = arith.constant 4 : i32
    %mul3A_4 = arith.muli %arg1, %mul3A : i32
    %mul3A_5 = arith.constant 4 : i32
    %mul3A_6 = arith.muli %arg1, %mul3A_5 : i32
    %add3A = arith.constant 64 : i32
    %add3A_7 = arith.addi %add3A, %mul3A_6 : i32
    %select_n3A_8 = arith.select %eq3A_3, %mul3A_4, %add3A_7 : i32
    %mul3A_9 = arith.constant 1280 : i32
    %mul3A_10 = arith.muli %select_n3A_8, %mul3A_9 : i32
    %jit3A_11 = arith.constant 2 : i32
    %div3A = arith.divsi %select_n3A, %jit3A_11 : i32
    %sign3A = arith.constant 0 : i32
    %sign3A_12 = arith.cmpi sgt, %select_n3A, %sign3A : i32
    %sign3A_13 = arith.extui %sign3A_12 : i1 to i32
    %sign3A_14 = arith.constant 0 : i32
    %sign3A_15 = arith.cmpi slt, %select_n3A, %sign3A_14 : i32
    %sign3A_16 = arith.extui %sign3A_15 : i1 to i32
    %sign3A_17 = arith.subi %sign3A_13, %sign3A_16 : i32
    %sign3A_18 = arith.constant 0 : i32
    %sign3A_19 = arith.cmpi sgt, %jit3A_11, %sign3A_18 : i32
    %sign3A_20 = arith.extui %sign3A_19 : i1 to i32
    %sign3A_21 = arith.constant 0 : i32
    %sign3A_22 = arith.cmpi slt, %jit3A_11, %sign3A_21 : i32
    %sign3A_23 = arith.extui %sign3A_22 : i1 to i32
    %sign3A_24 = arith.subi %sign3A_20, %sign3A_23 : i32
    %ne3A = arith.cmpi ne, %sign3A_17, %sign3A_24 : i32
    %rem3A = arith.remsi %select_n3A, %jit3A_11 : i32
    %ne3A_25 = arith.constant 0 : i32
    %ne3A_26 = arith.cmpi ne, %rem3A, %ne3A_25 : i32
    %and3A = arith.andi %ne3A, %ne3A_26 : i1
    %sub3A = arith.constant 1 : i32
    %sub3A_27 = arith.subi %div3A, %sub3A : i32
    %select_n3A_28 = arith.select %and3A, %sub3A_27, %div3A : i32
    "tpu.region"() ({
      %run_scoped3A = tpu.sem_alloc : memref<!tpu.dma_semaphore, #tpu.memory_space<semaphore_mem>>
      %dma_start3A_63 = tpu.memref_slice %arg3[%mul3A_10] : memref<163840xi32, #tpu.memory_space<hbm>> -> memref<1280xi32, #tpu.memory_space<hbm>>
      %dma_start3A_64 = tpu.memref_slice %arg3[%mul3A_10] : memref<163840xi32, #tpu.memory_space<hbm>> -> memref<1280xi32, #tpu.memory_space<hbm>>
      tpu.enqueue_dma source(%dma_start3A_64 : memref<1280xi32, #tpu.memory_space<hbm>>) target(%arg5 : memref<1280xi32, #tpu.memory_space<vmem>>) target_semaphore(%run_scoped3A : memref<!tpu.dma_semaphore, #tpu.memory_space<semaphore_mem>>)
      %dma_wait3A_65 = tpu.memref_slice %arg3[%mul3A_10] : memref<163840xi32, #tpu.memory_space<hbm>> -> memref<1280xi32, #tpu.memory_space<hbm>>
      %dma_wait3A_66 = tpu.memref_slice %arg3[%mul3A_10] : memref<163840xi32, #tpu.memory_space<hbm>> -> memref<1280xi32, #tpu.memory_space<hbm>>
      tpu.wait_dma2 semaphore(%run_scoped3A : memref<!tpu.dma_semaphore, #tpu.memory_space<semaphore_mem>>) src(%dma_wait3A_66 : memref<1280xi32, #tpu.memory_space<hbm>>) dst(%arg5 : memref<1280xi32, #tpu.memory_space<vmem>>)
      tpu.yield
    }) : () -> ()
    %dma_start3A = arith.constant 0 : i32
    %dma_start3A_29 = arith.constant 0 : i32
    %dma_start3A_30 = tpu.memref_slice %arg2[%dma_start3A, %dma_start3A_29] : memref<10240x16xf32, #tpu.memory_space<hbm>> -> memref<10240x16xf32, #tpu.memory_space<hbm>>
    tpu.enqueue_indirect_dma source(%dma_start3A_30 : memref<10240x16xf32, #tpu.memory_space<hbm>>) target(%arg7 : memref<1280x16xf32, #tpu.memory_space<vmem>>) offsets(%arg5 : memref<1280xi32, #tpu.memory_space<vmem>>) semaphore(%arg9 : memref<!tpu.dma_semaphore, #tpu.memory_space<semaphore_mem>>)
    %sub3A_31 = arith.constant 0 : i32
    %sub3A_32 = arith.subi %select_n3A_28, %sub3A_31 : i32
    %sub3A_33 = arith.constant 1 : i32
    %sub3A_34 = arith.constant 1 : i32
    %sub3A_35 = arith.subi %sub3A_33, %sub3A_34 : i32
    %add3A_36 = arith.addi %sub3A_32, %sub3A_35 : i32
    %div3A_37 = arith.constant 1 : i32
    %div3A_38 = arith.divsi %add3A_36, %div3A_37 : i32
    %while3A = arith.constant 1 : i32
    %while3A_39 = arith.constant 0 : i32
    %while3A_40 = arith.constant 0 : i32
    %while3A_41 = arith.subi %div3A_38, %while3A_40 : i32
    %while3A_42 = arith.addi %while3A_40, %while3A_41 : i32
    %while3A_43 = arith.constant 1 : i32
    %while3A_44 = arith.divsi %while3A_41, %while3A_43 : i32
    %while3A_45 = arith.muli %while3A_44, %while3A_43 : i32
    %while3A_46 = arith.addi %while3A_40, %while3A_45 : i32
    %while3A_47 = arith.constant 1 : i32
    scf.for %while3A_63 = %while3A_40 to %while3A_46 step %while3A_47  : i32 {
      %mul3A_64 = arith.muli %while3A_63, %while3A : i32
      %add3A_65 = arith.addi %while3A_39, %mul3A_64 : i32
      %mul3A_66 = arith.constant 2 : i32
      %mul3A_67 = arith.muli %mul3A_66, %add3A_65 : i32
      %mul3A_68 = arith.constant 1280 : i32
      %mul3A_69 = arith.muli %mul3A_67, %mul3A_68 : i32
      %add3A_70 = arith.addi %mul3A_10, %mul3A_69 : i32
      %add3A_71 = arith.constant 1280 : i32
      %add3A_72 = arith.addi %add3A_70, %add3A_71 : i32
      "tpu.region"() ({
        %run_scoped3A = tpu.sem_alloc : memref<!tpu.dma_semaphore, #tpu.memory_space<semaphore_mem>>
        %dma_start3A_105 = tpu.memref_slice %arg3[%add3A_72] : memref<163840xi32, #tpu.memory_space<hbm>> -> memref<1280xi32, #tpu.memory_space<hbm>>
        %dma_start3A_106 = tpu.memref_slice %arg3[%add3A_72] : memref<163840xi32, #tpu.memory_space<hbm>> -> memref<1280xi32, #tpu.memory_space<hbm>>
        tpu.enqueue_dma source(%dma_start3A_106 : memref<1280xi32, #tpu.memory_space<hbm>>) target(%arg6 : memref<1280xi32, #tpu.memory_space<vmem>>) target_semaphore(%run_scoped3A : memref<!tpu.dma_semaphore, #tpu.memory_space<semaphore_mem>>)
        %dma_wait3A_107 = tpu.memref_slice %arg3[%add3A_72] : memref<163840xi32, #tpu.memory_space<hbm>> -> memref<1280xi32, #tpu.memory_space<hbm>>
        %dma_wait3A_108 = tpu.memref_slice %arg3[%add3A_72] : memref<163840xi32, #tpu.memory_space<hbm>> -> memref<1280xi32, #tpu.memory_space<hbm>>
        tpu.wait_dma2 semaphore(%run_scoped3A : memref<!tpu.dma_semaphore, #tpu.memory_space<semaphore_mem>>) src(%dma_wait3A_108 : memref<1280xi32, #tpu.memory_space<hbm>>) dst(%arg6 : memref<1280xi32, #tpu.memory_space<vmem>>)
        tpu.yield
      }) : () -> ()
      %gt3A = arith.constant 0 : i32
      %gt3A_73 = arith.cmpi sgt, %add3A_65, %gt3A : i32
      %convert_element_type3A = arith.extui %gt3A_73 : i1 to i32
      %cond3A = arith.constant 0 : i32
      %cond3A_74 = arith.cmpi ne, %convert_element_type3A, %cond3A : i32
      scf.if %cond3A_74 {
        %sub3A_105 = arith.constant 1280 : i32
        %sub3A_106 = arith.subi %add3A_70, %sub3A_105 : i32
        %dma_wait3A_107 = arith.constant 0 : i32
        %dma_wait3A_108 = tpu.memref_slice %arg4[%sub3A_106, %dma_wait3A_107] : memref<163840x16xf32, #tpu.memory_space<hbm>> -> memref<1280x16xf32, #tpu.memory_space<hbm>>
        %dma_wait3A_109 = arith.constant 0 : i32
        %dma_wait3A_110 = tpu.memref_slice %arg4[%sub3A_106, %dma_wait3A_109] : memref<163840x16xf32, #tpu.memory_space<hbm>> -> memref<1280x16xf32, #tpu.memory_space<hbm>>
        tpu.wait_dma2 semaphore(%arg10 : memref<!tpu.dma_semaphore, #tpu.memory_space<semaphore_mem>>) src(%arg8 : memref<1280x16xf32, #tpu.memory_space<vmem>>) dst(%dma_wait3A_110 : memref<1280x16xf32, #tpu.memory_space<hbm>>)
      } else {
      }
      %dma_start3A_75 = arith.constant 0 : i32
      %dma_start3A_76 = arith.constant 0 : i32
      %dma_start3A_77 = tpu.memref_slice %arg2[%dma_start3A_75, %dma_start3A_76] : memref<10240x16xf32, #tpu.memory_space<hbm>> -> memref<10240x16xf32, #tpu.memory_space<hbm>>
      tpu.enqueue_indirect_dma source(%dma_start3A_77 : memref<10240x16xf32, #tpu.memory_space<hbm>>) target(%arg8 : memref<1280x16xf32, #tpu.memory_space<vmem>>) offsets(%arg6 : memref<1280xi32, #tpu.memory_space<vmem>>) semaphore(%arg9 : memref<!tpu.dma_semaphore, #tpu.memory_space<semaphore_mem>>)
      %dma_wait3A_78 = arith.constant 0 : i32
      %dma_wait3A_79 = arith.constant 0 : i32
      %dma_wait3A_80 = tpu.memref_slice %arg2[%dma_wait3A_78, %dma_wait3A_79] : memref<10240x16xf32, #tpu.memory_space<hbm>> -> memref<10240x16xf32, #tpu.memory_space<hbm>>
      tpu.wait_indirect_dma semaphore(%arg9 : memref<!tpu.dma_semaphore, #tpu.memory_space<semaphore_mem>>) src(%dma_wait3A_80 : memref<10240x16xf32, #tpu.memory_space<hbm>>) dst(%arg7 : memref<1280x16xf32, #tpu.memory_space<vmem>>)
      %dma_start3A_81 = arith.constant 0 : i32
      %dma_start3A_82 = tpu.memref_slice %arg4[%add3A_70, %dma_start3A_81] : memref<163840x16xf32, #tpu.memory_space<hbm>> -> memref<1280x16xf32, #tpu.memory_space<hbm>>
      %dma_start3A_83 = arith.constant 0 : i32
      %dma_start3A_84 = tpu.memref_slice %arg4[%add3A_70, %dma_start3A_83] : memref<163840x16xf32, #tpu.memory_space<hbm>> -> memref<1280x16xf32, #tpu.memory_space<hbm>>
      tpu.enqueue_dma source(%arg7 : memref<1280x16xf32, #tpu.memory_space<vmem>>) target(%dma_start3A_84 : memref<1280x16xf32, #tpu.memory_space<hbm>>) target_semaphore(%arg10 : memref<!tpu.dma_semaphore, #tpu.memory_space<semaphore_mem>>)
      %sub3A_85 = arith.constant 1 : i32
      %sub3A_86 = arith.subi %select_n3A_28, %sub3A_85 : i32
      %lt3A = arith.cmpi slt, %add3A_65, %sub3A_86 : i32
      %convert_element_type3A_87 = arith.extui %lt3A : i1 to i32
      %cond3A_88 = arith.constant 0 : i32
      %cond3A_89 = arith.cmpi ne, %convert_element_type3A_87, %cond3A_88 : i32
      scf.if %cond3A_89 {
        %add3A_105 = arith.constant 2560 : i32
        %add3A_106 = arith.addi %add3A_70, %add3A_105 : i32
        "tpu.region"() ({
          %run_scoped3A = tpu.sem_alloc : memref<!tpu.dma_semaphore, #tpu.memory_space<semaphore_mem>>
          %dma_start3A_107 = tpu.memref_slice %arg3[%add3A_106] : memref<163840xi32, #tpu.memory_space<hbm>> -> memref<1280xi32, #tpu.memory_space<hbm>>
          %dma_start3A_108 = tpu.memref_slice %arg3[%add3A_106] : memref<163840xi32, #tpu.memory_space<hbm>> -> memref<1280xi32, #tpu.memory_space<hbm>>
          tpu.enqueue_dma source(%dma_start3A_108 : memref<1280xi32, #tpu.memory_space<hbm>>) target(%arg5 : memref<1280xi32, #tpu.memory_space<vmem>>) target_semaphore(%run_scoped3A : memref<!tpu.dma_semaphore, #tpu.memory_space<semaphore_mem>>)
          %dma_wait3A_109 = tpu.memref_slice %arg3[%add3A_106] : memref<163840xi32, #tpu.memory_space<hbm>> -> memref<1280xi32, #tpu.memory_space<hbm>>
          %dma_wait3A_110 = tpu.memref_slice %arg3[%add3A_106] : memref<163840xi32, #tpu.memory_space<hbm>> -> memref<1280xi32, #tpu.memory_space<hbm>>
          tpu.wait_dma2 semaphore(%run_scoped3A : memref<!tpu.dma_semaphore, #tpu.memory_space<semaphore_mem>>) src(%dma_wait3A_110 : memref<1280xi32, #tpu.memory_space<hbm>>) dst(%arg5 : memref<1280xi32, #tpu.memory_space<vmem>>)
          tpu.yield
        }) : () -> ()
      } else {
      }
      %dma_wait3A_90 = arith.constant 0 : i32
      %dma_wait3A_91 = arith.constant 0 : i32
      %dma_wait3A_92 = tpu.memref_slice %arg2[%dma_wait3A_90, %dma_wait3A_91] : memref<10240x16xf32, #tpu.memory_space<hbm>> -> memref<10240x16xf32, #tpu.memory_space<hbm>>
      tpu.wait_indirect_dma semaphore(%arg9 : memref<!tpu.dma_semaphore, #tpu.memory_space<semaphore_mem>>) src(%dma_wait3A_92 : memref<10240x16xf32, #tpu.memory_space<hbm>>) dst(%arg8 : memref<1280x16xf32, #tpu.memory_space<vmem>>)
      %add3A_93 = arith.constant 1280 : i32
      %add3A_94 = arith.addi %add3A_70, %add3A_93 : i32
      %dma_start3A_95 = arith.constant 0 : i32
      %dma_start3A_96 = tpu.memref_slice %arg4[%add3A_94, %dma_start3A_95] : memref<163840x16xf32, #tpu.memory_space<hbm>> -> memref<1280x16xf32, #tpu.memory_space<hbm>>
      %dma_start3A_97 = arith.constant 0 : i32
      %dma_start3A_98 = tpu.memref_slice %arg4[%add3A_94, %dma_start3A_97] : memref<163840x16xf32, #tpu.memory_space<hbm>> -> memref<1280x16xf32, #tpu.memory_space<hbm>>
      tpu.enqueue_dma source(%arg8 : memref<1280x16xf32, #tpu.memory_space<vmem>>) target(%dma_start3A_98 : memref<1280x16xf32, #tpu.memory_space<hbm>>) target_semaphore(%arg10 : memref<!tpu.dma_semaphore, #tpu.memory_space<semaphore_mem>>)
      %sub3A_99 = arith.constant 1 : i32
      %sub3A_100 = arith.subi %select_n3A_28, %sub3A_99 : i32
      %lt3A_101 = arith.cmpi slt, %add3A_65, %sub3A_100 : i32
      %convert_element_type3A_102 = arith.extui %lt3A_101 : i1 to i32
      %cond3A_103 = arith.constant 0 : i32
      %cond3A_104 = arith.cmpi ne, %convert_element_type3A_102, %cond3A_103 : i32
      scf.if %cond3A_104 {
        %dma_wait3A_105 = arith.constant 0 : i32
        %dma_wait3A_106 = tpu.memref_slice %arg4[%add3A_70, %dma_wait3A_105] : memref<163840x16xf32, #tpu.memory_space<hbm>> -> memref<1280x16xf32, #tpu.memory_space<hbm>>
        %dma_wait3A_107 = arith.constant 0 : i32
        %dma_wait3A_108 = tpu.memref_slice %arg4[%add3A_70, %dma_wait3A_107] : memref<163840x16xf32, #tpu.memory_space<hbm>> -> memref<1280x16xf32, #tpu.memory_space<hbm>>
        tpu.wait_dma2 semaphore(%arg10 : memref<!tpu.dma_semaphore, #tpu.memory_space<semaphore_mem>>) src(%arg7 : memref<1280x16xf32, #tpu.memory_space<vmem>>) dst(%dma_wait3A_108 : memref<1280x16xf32, #tpu.memory_space<hbm>>)
        %dma_start3A_109 = arith.constant 0 : i32
        %dma_start3A_110 = arith.constant 0 : i32
        %dma_start3A_111 = tpu.memref_slice %arg2[%dma_start3A_109, %dma_start3A_110] : memref<10240x16xf32, #tpu.memory_space<hbm>> -> memref<10240x16xf32, #tpu.memory_space<hbm>>
        tpu.enqueue_indirect_dma source(%dma_start3A_111 : memref<10240x16xf32, #tpu.memory_space<hbm>>) target(%arg7 : memref<1280x16xf32, #tpu.memory_space<vmem>>) offsets(%arg5 : memref<1280xi32, #tpu.memory_space<vmem>>) semaphore(%arg9 : memref<!tpu.dma_semaphore, #tpu.memory_space<semaphore_mem>>)
      } else {
      }
    }
    %while3A_48 = arith.constant 1 : i32
    scf.for %while3A_63 = %while3A_46 to %while3A_42 step %while3A_48  : i32 {
      %mul3A_64 = arith.muli %while3A_63, %while3A : i32
      %add3A_65 = arith.addi %while3A_39, %mul3A_64 : i32
      %mul3A_66 = arith.constant 2 : i32
      %mul3A_67 = arith.muli %mul3A_66, %add3A_65 : i32
      %mul3A_68 = arith.constant 1280 : i32
      %mul3A_69 = arith.muli %mul3A_67, %mul3A_68 : i32
      %add3A_70 = arith.addi %mul3A_10, %mul3A_69 : i32
      %add3A_71 = arith.constant 1280 : i32
      %add3A_72 = arith.addi %add3A_70, %add3A_71 : i32
      "tpu.region"() ({
        %run_scoped3A = tpu.sem_alloc : memref<!tpu.dma_semaphore, #tpu.memory_space<semaphore_mem>>
        %dma_start3A_105 = tpu.memref_slice %arg3[%add3A_72] : memref<163840xi32, #tpu.memory_space<hbm>> -> memref<1280xi32, #tpu.memory_space<hbm>>
        %dma_start3A_106 = tpu.memref_slice %arg3[%add3A_72] : memref<163840xi32, #tpu.memory_space<hbm>> -> memref<1280xi32, #tpu.memory_space<hbm>>
        tpu.enqueue_dma source(%dma_start3A_106 : memref<1280xi32, #tpu.memory_space<hbm>>) target(%arg6 : memref<1280xi32, #tpu.memory_space<vmem>>) target_semaphore(%run_scoped3A : memref<!tpu.dma_semaphore, #tpu.memory_space<semaphore_mem>>)
        %dma_wait3A_107 = tpu.memref_slice %arg3[%add3A_72] : memref<163840xi32, #tpu.memory_space<hbm>> -> memref<1280xi32, #tpu.memory_space<hbm>>
        %dma_wait3A_108 = tpu.memref_slice %arg3[%add3A_72] : memref<163840xi32, #tpu.memory_space<hbm>> -> memref<1280xi32, #tpu.memory_space<hbm>>
        tpu.wait_dma2 semaphore(%run_scoped3A : memref<!tpu.dma_semaphore, #tpu.memory_space<semaphore_mem>>) src(%dma_wait3A_108 : memref<1280xi32, #tpu.memory_space<hbm>>) dst(%arg6 : memref<1280xi32, #tpu.memory_space<vmem>>)
        tpu.yield
      }) : () -> ()
      %gt3A = arith.constant 0 : i32
      %gt3A_73 = arith.cmpi sgt, %add3A_65, %gt3A : i32
      %convert_element_type3A = arith.extui %gt3A_73 : i1 to i32
      %cond3A = arith.constant 0 : i32
      %cond3A_74 = arith.cmpi ne, %convert_element_type3A, %cond3A : i32
      scf.if %cond3A_74 {
        %sub3A_105 = arith.constant 1280 : i32
        %sub3A_106 = arith.subi %add3A_70, %sub3A_105 : i32
        %dma_wait3A_107 = arith.constant 0 : i32
        %dma_wait3A_108 = tpu.memref_slice %arg4[%sub3A_106, %dma_wait3A_107] : memref<163840x16xf32, #tpu.memory_space<hbm>> -> memref<1280x16xf32, #tpu.memory_space<hbm>>
        %dma_wait3A_109 = arith.constant 0 : i32
        %dma_wait3A_110 = tpu.memref_slice %arg4[%sub3A_106, %dma_wait3A_109] : memref<163840x16xf32, #tpu.memory_space<hbm>> -> memref<1280x16xf32, #tpu.memory_space<hbm>>
        tpu.wait_dma2 semaphore(%arg10 : memref<!tpu.dma_semaphore, #tpu.memory_space<semaphore_mem>>) src(%arg8 : memref<1280x16xf32, #tpu.memory_space<vmem>>) dst(%dma_wait3A_110 : memref<1280x16xf32, #tpu.memory_space<hbm>>)
      } else {
      }
      %dma_start3A_75 = arith.constant 0 : i32
      %dma_start3A_76 = arith.constant 0 : i32
      %dma_start3A_77 = tpu.memref_slice %arg2[%dma_start3A_75, %dma_start3A_76] : memref<10240x16xf32, #tpu.memory_space<hbm>> -> memref<10240x16xf32, #tpu.memory_space<hbm>>
      tpu.enqueue_indirect_dma source(%dma_start3A_77 : memref<10240x16xf32, #tpu.memory_space<hbm>>) target(%arg8 : memref<1280x16xf32, #tpu.memory_space<vmem>>) offsets(%arg6 : memref<1280xi32, #tpu.memory_space<vmem>>) semaphore(%arg9 : memref<!tpu.dma_semaphore, #tpu.memory_space<semaphore_mem>>)
      %dma_wait3A_78 = arith.constant 0 : i32
      %dma_wait3A_79 = arith.constant 0 : i32
      %dma_wait3A_80 = tpu.memref_slice %arg2[%dma_wait3A_78, %dma_wait3A_79] : memref<10240x16xf32, #tpu.memory_space<hbm>> -> memref<10240x16xf32, #tpu.memory_space<hbm>>
      tpu.wait_indirect_dma semaphore(%arg9 : memref<!tpu.dma_semaphore, #tpu.memory_space<semaphore_mem>>) src(%dma_wait3A_80 : memref<10240x16xf32, #tpu.memory_space<hbm>>) dst(%arg7 : memref<1280x16xf32, #tpu.memory_space<vmem>>)
      %dma_start3A_81 = arith.constant 0 : i32
      %dma_start3A_82 = tpu.memref_slice %arg4[%add3A_70, %dma_start3A_81] : memref<163840x16xf32, #tpu.memory_space<hbm>> -> memref<1280x16xf32, #tpu.memory_space<hbm>>
      %dma_start3A_83 = arith.constant 0 : i32
      %dma_start3A_84 = tpu.memref_slice %arg4[%add3A_70, %dma_start3A_83] : memref<163840x16xf32, #tpu.memory_space<hbm>> -> memref<1280x16xf32, #tpu.memory_space<hbm>>
      tpu.enqueue_dma source(%arg7 : memref<1280x16xf32, #tpu.memory_space<vmem>>) target(%dma_start3A_84 : memref<1280x16xf32, #tpu.memory_space<hbm>>) target_semaphore(%arg10 : memref<!tpu.dma_semaphore, #tpu.memory_space<semaphore_mem>>)
      %sub3A_85 = arith.constant 1 : i32
      %sub3A_86 = arith.subi %select_n3A_28, %sub3A_85 : i32
      %lt3A = arith.cmpi slt, %add3A_65, %sub3A_86 : i32
      %convert_element_type3A_87 = arith.extui %lt3A : i1 to i32
      %cond3A_88 = arith.constant 0 : i32
      %cond3A_89 = arith.cmpi ne, %convert_element_type3A_87, %cond3A_88 : i32
      scf.if %cond3A_89 {
        %add3A_105 = arith.constant 2560 : i32
        %add3A_106 = arith.addi %add3A_70, %add3A_105 : i32
        "tpu.region"() ({
          %run_scoped3A = tpu.sem_alloc : memref<!tpu.dma_semaphore, #tpu.memory_space<semaphore_mem>>
          %dma_start3A_107 = tpu.memref_slice %arg3[%add3A_106] : memref<163840xi32, #tpu.memory_space<hbm>> -> memref<1280xi32, #tpu.memory_space<hbm>>
          %dma_start3A_108 = tpu.memref_slice %arg3[%add3A_106] : memref<163840xi32, #tpu.memory_space<hbm>> -> memref<1280xi32, #tpu.memory_space<hbm>>
          tpu.enqueue_dma source(%dma_start3A_108 : memref<1280xi32, #tpu.memory_space<hbm>>) target(%arg5 : memref<1280xi32, #tpu.memory_space<vmem>>) target_semaphore(%run_scoped3A : memref<!tpu.dma_semaphore, #tpu.memory_space<semaphore_mem>>)
          %dma_wait3A_109 = tpu.memref_slice %arg3[%add3A_106] : memref<163840xi32, #tpu.memory_space<hbm>> -> memref<1280xi32, #tpu.memory_space<hbm>>
          %dma_wait3A_110 = tpu.memref_slice %arg3[%add3A_106] : memref<163840xi32, #tpu.memory_space<hbm>> -> memref<1280xi32, #tpu.memory_space<hbm>>
          tpu.wait_dma2 semaphore(%run_scoped3A : memref<!tpu.dma_semaphore, #tpu.memory_space<semaphore_mem>>) src(%dma_wait3A_110 : memref<1280xi32, #tpu.memory_space<hbm>>) dst(%arg5 : memref<1280xi32, #tpu.memory_space<vmem>>)
          tpu.yield
        }) : () -> ()
      } else {
      }
      %dma_wait3A_90 = arith.constant 0 : i32
      %dma_wait3A_91 = arith.constant 0 : i32
      %dma_wait3A_92 = tpu.memref_slice %arg2[%dma_wait3A_90, %dma_wait3A_91] : memref<10240x16xf32, #tpu.memory_space<hbm>> -> memref<10240x16xf32, #tpu.memory_space<hbm>>
      tpu.wait_indirect_dma semaphore(%arg9 : memref<!tpu.dma_semaphore, #tpu.memory_space<semaphore_mem>>) src(%dma_wait3A_92 : memref<10240x16xf32, #tpu.memory_space<hbm>>) dst(%arg8 : memref<1280x16xf32, #tpu.memory_space<vmem>>)
      %add3A_93 = arith.constant 1280 : i32
      %add3A_94 = arith.addi %add3A_70, %add3A_93 : i32
      %dma_start3A_95 = arith.constant 0 : i32
      %dma_start3A_96 = tpu.memref_slice %arg4[%add3A_94, %dma_start3A_95] : memref<163840x16xf32, #tpu.memory_space<hbm>> -> memref<1280x16xf32, #tpu.memory_space<hbm>>
      %dma_start3A_97 = arith.constant 0 : i32
      %dma_start3A_98 = tpu.memref_slice %arg4[%add3A_94, %dma_start3A_97] : memref<163840x16xf32, #tpu.memory_space<hbm>> -> memref<1280x16xf32, #tpu.memory_space<hbm>>
      tpu.enqueue_dma source(%arg8 : memref<1280x16xf32, #tpu.memory_space<vmem>>) target(%dma_start3A_98 : memref<1280x16xf32, #tpu.memory_space<hbm>>) target_semaphore(%arg10 : memref<!tpu.dma_semaphore, #tpu.memory_space<semaphore_mem>>)
      %sub3A_99 = arith.constant 1 : i32
      %sub3A_100 = arith.subi %select_n3A_28, %sub3A_99 : i32
      %lt3A_101 = arith.cmpi slt, %add3A_65, %sub3A_100 : i32
      %convert_element_type3A_102 = arith.extui %lt3A_101 : i1 to i32
      %cond3A_103 = arith.constant 0 : i32
      %cond3A_104 = arith.cmpi ne, %convert_element_type3A_102, %cond3A_103 : i32
      scf.if %cond3A_104 {
        %dma_wait3A_105 = arith.constant 0 : i32
        %dma_wait3A_106 = tpu.memref_slice %arg4[%add3A_70, %dma_wait3A_105] : memref<163840x16xf32, #tpu.memory_space<hbm>> -> memref<1280x16xf32, #tpu.memory_space<hbm>>
        %dma_wait3A_107 = arith.constant 0 : i32
        %dma_wait3A_108 = tpu.memref_slice %arg4[%add3A_70, %dma_wait3A_107] : memref<163840x16xf32, #tpu.memory_space<hbm>> -> memref<1280x16xf32, #tpu.memory_space<hbm>>
        tpu.wait_dma2 semaphore(%arg10 : memref<!tpu.dma_semaphore, #tpu.memory_space<semaphore_mem>>) src(%arg7 : memref<1280x16xf32, #tpu.memory_space<vmem>>) dst(%dma_wait3A_108 : memref<1280x16xf32, #tpu.memory_space<hbm>>)
        %dma_start3A_109 = arith.constant 0 : i32
        %dma_start3A_110 = arith.constant 0 : i32
        %dma_start3A_111 = tpu.memref_slice %arg2[%dma_start3A_109, %dma_start3A_110] : memref<10240x16xf32, #tpu.memory_space<hbm>> -> memref<10240x16xf32, #tpu.memory_space<hbm>>
        tpu.enqueue_indirect_dma source(%dma_start3A_111 : memref<10240x16xf32, #tpu.memory_space<hbm>>) target(%arg7 : memref<1280x16xf32, #tpu.memory_space<vmem>>) offsets(%arg5 : memref<1280xi32, #tpu.memory_space<vmem>>) semaphore(%arg9 : memref<!tpu.dma_semaphore, #tpu.memory_space<semaphore_mem>>)
      } else {
      }
    }
    %sub3A_49 = arith.constant 2 : i32
    %sub3A_50 = arith.subi %select_n3A, %sub3A_49 : i32
    %mul3A_51 = arith.constant 1280 : i32
    %mul3A_52 = arith.muli %sub3A_50, %mul3A_51 : i32
    %add3A_53 = arith.addi %mul3A_10, %mul3A_52 : i32
    %dma_wait3A = arith.constant 0 : i32
    %dma_wait3A_54 = tpu.memref_slice %arg4[%add3A_53, %dma_wait3A] : memref<163840x16xf32, #tpu.memory_space<hbm>> -> memref<1280x16xf32, #tpu.memory_space<hbm>>
    %dma_wait3A_55 = arith.constant 0 : i32
    %dma_wait3A_56 = tpu.memref_slice %arg4[%add3A_53, %dma_wait3A_55] : memref<163840x16xf32, #tpu.memory_space<hbm>> -> memref<1280x16xf32, #tpu.memory_space<hbm>>
    tpu.wait_dma2 semaphore(%arg10 : memref<!tpu.dma_semaphore, #tpu.memory_space<semaphore_mem>>) src(%arg7 : memref<1280x16xf32, #tpu.memory_space<vmem>>) dst(%dma_wait3A_56 : memref<1280x16xf32, #tpu.memory_space<hbm>>)
    %add3A_57 = arith.constant 1280 : i32
    %add3A_58 = arith.addi %add3A_53, %add3A_57 : i32
    %dma_wait3A_59 = arith.constant 0 : i32
    %dma_wait3A_60 = tpu.memref_slice %arg4[%add3A_58, %dma_wait3A_59] : memref<163840x16xf32, #tpu.memory_space<hbm>> -> memref<1280x16xf32, #tpu.memory_space<hbm>>
    %dma_wait3A_61 = arith.constant 0 : i32
    %dma_wait3A_62 = tpu.memref_slice %arg4[%add3A_58, %dma_wait3A_61] : memref<163840x16xf32, #tpu.memory_space<hbm>> -> memref<1280x16xf32, #tpu.memory_space<hbm>>
    tpu.wait_dma2 semaphore(%arg10 : memref<!tpu.dma_semaphore, #tpu.memory_space<semaphore_mem>>) src(%arg8 : memref<1280x16xf32, #tpu.memory_space<vmem>>) dst(%dma_wait3A_62 : memref<1280x16xf32, #tpu.memory_space<hbm>>)
    return
  }
}

#map = affine_map<(d0, d1) -> (0, 0)>
#map1 = affine_map<(d0, d1) -> (0)>
module attributes {stable_mosaic.version = 14 : i64} {
  func.func @k(%arg0: i32, %arg1: i32, %arg2: memref<10240x128xi32, #tpu.memory_space<hbm>>, %arg3: memref<81920xi32, #tpu.memory_space<hbm>>, %arg4: memref<81920x128xi32, #tpu.memory_space<hbm>>, %arg5: memref<128xi32, #tpu.memory_space<vmem>>, %arg6: memref<128xi32, #tpu.memory_space<vmem>>, %arg7: memref<128x128xi32, #tpu.memory_space<vmem>>, %arg8: memref<128x128xi32, #tpu.memory_space<vmem>>, %arg9: memref<!tpu.dma_semaphore, #tpu.memory_space<semaphore_mem>>, %arg10: memref<!tpu.dma_semaphore, #tpu.memory_space<semaphore_mem>>) attributes {dimension_semantics = [#tpu.dimension_semantics<core_parallel>, #tpu.dimension_semantics<subcore_parallel>], iteration_bounds = array<i64: 2, 16>, scalar_prefetch = 0 : i64, scratch_operands = 6 : i64, tpu.core_type = #tpu.core_type<sc_vector_subcore>, window_params = [{transform_indices = #map}, {transform_indices = #map1}, {transform_indices = #map}]} {
    %eq3A = arith.constant 0 : i32
    %eq3A_0 = arith.cmpi eq, %arg0, %eq3A : i32
    %jit3A = arith.constant 20 : i32
    %jit3A_1 = arith.constant 20 : i32
    %select_n3A = arith.select %eq3A_0, %jit3A, %jit3A_1 : i32
    %eq3A_2 = arith.constant 0 : i32
    %eq3A_3 = arith.cmpi eq, %arg0, %eq3A_2 : i32
    %mul3A = arith.constant 20 : i32
    %mul3A_4 = arith.muli %arg1, %mul3A : i32
    %mul3A_5 = arith.constant 20 : i32
    %mul3A_6 = arith.muli %arg1, %mul3A_5 : i32
    %add3A = arith.constant 320 : i32
    %add3A_7 = arith.addi %add3A, %mul3A_6 : i32
    %select_n3A_8 = arith.select %eq3A_3, %mul3A_4, %add3A_7 : i32
    %mul3A_9 = arith.constant 128 : i32
    %mul3A_10 = arith.muli %select_n3A_8, %mul3A_9 : i32
    %jit3A_11 = arith.constant 2 : i32
    %div3A = arith.divsi %select_n3A, %jit3A_11 : i32
    %sign3A = arith.constant 0 : i32
    %sign3A_12 = arith.cmpi sgt, %select_n3A, %sign3A : i32
    %sign3A_13 = arith.extui %sign3A_12 : i1 to i32
    %sign3A_14 = arith.constant 0 : i32
    %sign3A_15 = arith.cmpi slt, %select_n3A, %sign3A_14 : i32
    %sign3A_16 = arith.extui %sign3A_15 : i1 to i32
    %sign3A_17 = arith.subi %sign3A_13, %sign3A_16 : i32
    %sign3A_18 = arith.constant 0 : i32
    %sign3A_19 = arith.cmpi sgt, %jit3A_11, %sign3A_18 : i32
    %sign3A_20 = arith.extui %sign3A_19 : i1 to i32
    %sign3A_21 = arith.constant 0 : i32
    %sign3A_22 = arith.cmpi slt, %jit3A_11, %sign3A_21 : i32
    %sign3A_23 = arith.extui %sign3A_22 : i1 to i32
    %sign3A_24 = arith.subi %sign3A_20, %sign3A_23 : i32
    %ne3A = arith.cmpi ne, %sign3A_17, %sign3A_24 : i32
    %rem3A = arith.remsi %select_n3A, %jit3A_11 : i32
    %ne3A_25 = arith.constant 0 : i32
    %ne3A_26 = arith.cmpi ne, %rem3A, %ne3A_25 : i32
    %and3A = arith.andi %ne3A, %ne3A_26 : i1
    %sub3A = arith.constant 1 : i32
    %sub3A_27 = arith.subi %div3A, %sub3A : i32
    %select_n3A_28 = arith.select %and3A, %sub3A_27, %div3A : i32
    "tpu.region"() ({
      %run_scoped3A = tpu.sem_alloc : memref<!tpu.dma_semaphore, #tpu.memory_space<semaphore_mem>>
      %dma_start3A_63 = tpu.memref_slice %arg3[%mul3A_10] : memref<81920xi32, #tpu.memory_space<hbm>> -> memref<128xi32, #tpu.memory_space<hbm>>
      %dma_start3A_64 = tpu.memref_slice %arg3[%mul3A_10] : memref<81920xi32, #tpu.memory_space<hbm>> -> memref<128xi32, #tpu.memory_space<hbm>>
      tpu.enqueue_dma source(%dma_start3A_64 : memref<128xi32, #tpu.memory_space<hbm>>) target(%arg5 : memref<128xi32, #tpu.memory_space<vmem>>) target_semaphore(%run_scoped3A : memref<!tpu.dma_semaphore, #tpu.memory_space<semaphore_mem>>)
      %dma_wait3A_65 = tpu.memref_slice %arg3[%mul3A_10] : memref<81920xi32, #tpu.memory_space<hbm>> -> memref<128xi32, #tpu.memory_space<hbm>>
      %dma_wait3A_66 = tpu.memref_slice %arg3[%mul3A_10] : memref<81920xi32, #tpu.memory_space<hbm>> -> memref<128xi32, #tpu.memory_space<hbm>>
      tpu.wait_dma2 semaphore(%run_scoped3A : memref<!tpu.dma_semaphore, #tpu.memory_space<semaphore_mem>>) src(%dma_wait3A_66 : memref<128xi32, #tpu.memory_space<hbm>>) dst(%arg5 : memref<128xi32, #tpu.memory_space<vmem>>)
      tpu.yield
    }) : () -> ()
    %dma_start3A = arith.constant 0 : i32
    %dma_start3A_29 = arith.constant 0 : i32
    %dma_start3A_30 = tpu.memref_slice %arg2[%dma_start3A, %dma_start3A_29] : memref<10240x128xi32, #tpu.memory_space<hbm>> -> memref<10240x128xi32, #tpu.memory_space<hbm>>
    tpu.enqueue_indirect_dma source(%dma_start3A_30 : memref<10240x128xi32, #tpu.memory_space<hbm>>) target(%arg7 : memref<128x128xi32, #tpu.memory_space<vmem>>) offsets(%arg5 : memref<128xi32, #tpu.memory_space<vmem>>) semaphore(%arg9 : memref<!tpu.dma_semaphore, #tpu.memory_space<semaphore_mem>>)
    %sub3A_31 = arith.constant 0 : i32
    %sub3A_32 = arith.subi %select_n3A_28, %sub3A_31 : i32
    %sub3A_33 = arith.constant 1 : i32
    %sub3A_34 = arith.constant 1 : i32
    %sub3A_35 = arith.subi %sub3A_33, %sub3A_34 : i32
    %add3A_36 = arith.addi %sub3A_32, %sub3A_35 : i32
    %div3A_37 = arith.constant 1 : i32
    %div3A_38 = arith.divsi %add3A_36, %div3A_37 : i32
    %while3A = arith.constant 1 : i32
    %while3A_39 = arith.constant 0 : i32
    %while3A_40 = arith.constant 0 : i32
    %while3A_41 = arith.subi %div3A_38, %while3A_40 : i32
    %while3A_42 = arith.addi %while3A_40, %while3A_41 : i32
    %while3A_43 = arith.constant 1 : i32
    %while3A_44 = arith.divsi %while3A_41, %while3A_43 : i32
    %while3A_45 = arith.muli %while3A_44, %while3A_43 : i32
    %while3A_46 = arith.addi %while3A_40, %while3A_45 : i32
    %while3A_47 = arith.constant 1 : i32
    scf.for %while3A_63 = %while3A_40 to %while3A_46 step %while3A_47  : i32 {
      %mul3A_64 = arith.muli %while3A_63, %while3A : i32
      %add3A_65 = arith.addi %while3A_39, %mul3A_64 : i32
      %mul3A_66 = arith.constant 2 : i32
      %mul3A_67 = arith.muli %mul3A_66, %add3A_65 : i32
      %mul3A_68 = arith.constant 128 : i32
      %mul3A_69 = arith.muli %mul3A_67, %mul3A_68 : i32
      %add3A_70 = arith.addi %mul3A_10, %mul3A_69 : i32
      %add3A_71 = arith.constant 128 : i32
      %add3A_72 = arith.addi %add3A_70, %add3A_71 : i32
      "tpu.region"() ({
        %run_scoped3A = tpu.sem_alloc : memref<!tpu.dma_semaphore, #tpu.memory_space<semaphore_mem>>
        %dma_start3A_105 = tpu.memref_slice %arg3[%add3A_72] : memref<81920xi32, #tpu.memory_space<hbm>> -> memref<128xi32, #tpu.memory_space<hbm>>
        %dma_start3A_106 = tpu.memref_slice %arg3[%add3A_72] : memref<81920xi32, #tpu.memory_space<hbm>> -> memref<128xi32, #tpu.memory_space<hbm>>
        tpu.enqueue_dma source(%dma_start3A_106 : memref<128xi32, #tpu.memory_space<hbm>>) target(%arg6 : memref<128xi32, #tpu.memory_space<vmem>>) target_semaphore(%run_scoped3A : memref<!tpu.dma_semaphore, #tpu.memory_space<semaphore_mem>>)
        %dma_wait3A_107 = tpu.memref_slice %arg3[%add3A_72] : memref<81920xi32, #tpu.memory_space<hbm>> -> memref<128xi32, #tpu.memory_space<hbm>>
        %dma_wait3A_108 = tpu.memref_slice %arg3[%add3A_72] : memref<81920xi32, #tpu.memory_space<hbm>> -> memref<128xi32, #tpu.memory_space<hbm>>
        tpu.wait_dma2 semaphore(%run_scoped3A : memref<!tpu.dma_semaphore, #tpu.memory_space<semaphore_mem>>) src(%dma_wait3A_108 : memref<128xi32, #tpu.memory_space<hbm>>) dst(%arg6 : memref<128xi32, #tpu.memory_space<vmem>>)
        tpu.yield
      }) : () -> ()
      %gt3A = arith.constant 0 : i32
      %gt3A_73 = arith.cmpi sgt, %add3A_65, %gt3A : i32
      %convert_element_type3A = arith.extui %gt3A_73 : i1 to i32
      %cond3A = arith.constant 0 : i32
      %cond3A_74 = arith.cmpi ne, %convert_element_type3A, %cond3A : i32
      scf.if %cond3A_74 {
        %sub3A_105 = arith.constant 128 : i32
        %sub3A_106 = arith.subi %add3A_70, %sub3A_105 : i32
        %dma_wait3A_107 = arith.constant 0 : i32
        %dma_wait3A_108 = tpu.memref_slice %arg4[%sub3A_106, %dma_wait3A_107] : memref<81920x128xi32, #tpu.memory_space<hbm>> -> memref<128x128xi32, #tpu.memory_space<hbm>>
        %dma_wait3A_109 = arith.constant 0 : i32
        %dma_wait3A_110 = tpu.memref_slice %arg4[%sub3A_106, %dma_wait3A_109] : memref<81920x128xi32, #tpu.memory_space<hbm>> -> memref<128x128xi32, #tpu.memory_space<hbm>>
        tpu.wait_dma2 semaphore(%arg10 : memref<!tpu.dma_semaphore, #tpu.memory_space<semaphore_mem>>) src(%arg8 : memref<128x128xi32, #tpu.memory_space<vmem>>) dst(%dma_wait3A_110 : memref<128x128xi32, #tpu.memory_space<hbm>>)
      } else {
      }
      %dma_start3A_75 = arith.constant 0 : i32
      %dma_start3A_76 = arith.constant 0 : i32
      %dma_start3A_77 = tpu.memref_slice %arg2[%dma_start3A_75, %dma_start3A_76] : memref<10240x128xi32, #tpu.memory_space<hbm>> -> memref<10240x128xi32, #tpu.memory_space<hbm>>
      tpu.enqueue_indirect_dma source(%dma_start3A_77 : memref<10240x128xi32, #tpu.memory_space<hbm>>) target(%arg8 : memref<128x128xi32, #tpu.memory_space<vmem>>) offsets(%arg6 : memref<128xi32, #tpu.memory_space<vmem>>) semaphore(%arg9 : memref<!tpu.dma_semaphore, #tpu.memory_space<semaphore_mem>>)
      %dma_wait3A_78 = arith.constant 0 : i32
      %dma_wait3A_79 = arith.constant 0 : i32
      %dma_wait3A_80 = tpu.memref_slice %arg2[%dma_wait3A_78, %dma_wait3A_79] : memref<10240x128xi32, #tpu.memory_space<hbm>> -> memref<10240x128xi32, #tpu.memory_space<hbm>>
      tpu.wait_indirect_dma semaphore(%arg9 : memref<!tpu.dma_semaphore, #tpu.memory_space<semaphore_mem>>) src(%dma_wait3A_80 : memref<10240x128xi32, #tpu.memory_space<hbm>>) dst(%arg7 : memref<128x128xi32, #tpu.memory_space<vmem>>)
      %dma_start3A_81 = arith.constant 0 : i32
      %dma_start3A_82 = tpu.memref_slice %arg4[%add3A_70, %dma_start3A_81] : memref<81920x128xi32, #tpu.memory_space<hbm>> -> memref<128x128xi32, #tpu.memory_space<hbm>>
      %dma_start3A_83 = arith.constant 0 : i32
      %dma_start3A_84 = tpu.memref_slice %arg4[%add3A_70, %dma_start3A_83] : memref<81920x128xi32, #tpu.memory_space<hbm>> -> memref<128x128xi32, #tpu.memory_space<hbm>>
      tpu.enqueue_dma source(%arg7 : memref<128x128xi32, #tpu.memory_space<vmem>>) target(%dma_start3A_84 : memref<128x128xi32, #tpu.memory_space<hbm>>) target_semaphore(%arg10 : memref<!tpu.dma_semaphore, #tpu.memory_space<semaphore_mem>>)
      %sub3A_85 = arith.constant 1 : i32
      %sub3A_86 = arith.subi %select_n3A_28, %sub3A_85 : i32
      %lt3A = arith.cmpi slt, %add3A_65, %sub3A_86 : i32
      %convert_element_type3A_87 = arith.extui %lt3A : i1 to i32
      %cond3A_88 = arith.constant 0 : i32
      %cond3A_89 = arith.cmpi ne, %convert_element_type3A_87, %cond3A_88 : i32
      scf.if %cond3A_89 {
        %add3A_105 = arith.constant 256 : i32
        %add3A_106 = arith.addi %add3A_70, %add3A_105 : i32
        "tpu.region"() ({
          %run_scoped3A = tpu.sem_alloc : memref<!tpu.dma_semaphore, #tpu.memory_space<semaphore_mem>>
          %dma_start3A_107 = tpu.memref_slice %arg3[%add3A_106] : memref<81920xi32, #tpu.memory_space<hbm>> -> memref<128xi32, #tpu.memory_space<hbm>>
          %dma_start3A_108 = tpu.memref_slice %arg3[%add3A_106] : memref<81920xi32, #tpu.memory_space<hbm>> -> memref<128xi32, #tpu.memory_space<hbm>>
          tpu.enqueue_dma source(%dma_start3A_108 : memref<128xi32, #tpu.memory_space<hbm>>) target(%arg5 : memref<128xi32, #tpu.memory_space<vmem>>) target_semaphore(%run_scoped3A : memref<!tpu.dma_semaphore, #tpu.memory_space<semaphore_mem>>)
          %dma_wait3A_109 = tpu.memref_slice %arg3[%add3A_106] : memref<81920xi32, #tpu.memory_space<hbm>> -> memref<128xi32, #tpu.memory_space<hbm>>
          %dma_wait3A_110 = tpu.memref_slice %arg3[%add3A_106] : memref<81920xi32, #tpu.memory_space<hbm>> -> memref<128xi32, #tpu.memory_space<hbm>>
          tpu.wait_dma2 semaphore(%run_scoped3A : memref<!tpu.dma_semaphore, #tpu.memory_space<semaphore_mem>>) src(%dma_wait3A_110 : memref<128xi32, #tpu.memory_space<hbm>>) dst(%arg5 : memref<128xi32, #tpu.memory_space<vmem>>)
          tpu.yield
        }) : () -> ()
      } else {
      }
      %dma_wait3A_90 = arith.constant 0 : i32
      %dma_wait3A_91 = arith.constant 0 : i32
      %dma_wait3A_92 = tpu.memref_slice %arg2[%dma_wait3A_90, %dma_wait3A_91] : memref<10240x128xi32, #tpu.memory_space<hbm>> -> memref<10240x128xi32, #tpu.memory_space<hbm>>
      tpu.wait_indirect_dma semaphore(%arg9 : memref<!tpu.dma_semaphore, #tpu.memory_space<semaphore_mem>>) src(%dma_wait3A_92 : memref<10240x128xi32, #tpu.memory_space<hbm>>) dst(%arg8 : memref<128x128xi32, #tpu.memory_space<vmem>>)
      %add3A_93 = arith.constant 128 : i32
      %add3A_94 = arith.addi %add3A_70, %add3A_93 : i32
      %dma_start3A_95 = arith.constant 0 : i32
      %dma_start3A_96 = tpu.memref_slice %arg4[%add3A_94, %dma_start3A_95] : memref<81920x128xi32, #tpu.memory_space<hbm>> -> memref<128x128xi32, #tpu.memory_space<hbm>>
      %dma_start3A_97 = arith.constant 0 : i32
      %dma_start3A_98 = tpu.memref_slice %arg4[%add3A_94, %dma_start3A_97] : memref<81920x128xi32, #tpu.memory_space<hbm>> -> memref<128x128xi32, #tpu.memory_space<hbm>>
      tpu.enqueue_dma source(%arg8 : memref<128x128xi32, #tpu.memory_space<vmem>>) target(%dma_start3A_98 : memref<128x128xi32, #tpu.memory_space<hbm>>) target_semaphore(%arg10 : memref<!tpu.dma_semaphore, #tpu.memory_space<semaphore_mem>>)
      %sub3A_99 = arith.constant 1 : i32
      %sub3A_100 = arith.subi %select_n3A_28, %sub3A_99 : i32
      %lt3A_101 = arith.cmpi slt, %add3A_65, %sub3A_100 : i32
      %convert_element_type3A_102 = arith.extui %lt3A_101 : i1 to i32
      %cond3A_103 = arith.constant 0 : i32
      %cond3A_104 = arith.cmpi ne, %convert_element_type3A_102, %cond3A_103 : i32
      scf.if %cond3A_104 {
        %dma_wait3A_105 = arith.constant 0 : i32
        %dma_wait3A_106 = tpu.memref_slice %arg4[%add3A_70, %dma_wait3A_105] : memref<81920x128xi32, #tpu.memory_space<hbm>> -> memref<128x128xi32, #tpu.memory_space<hbm>>
        %dma_wait3A_107 = arith.constant 0 : i32
        %dma_wait3A_108 = tpu.memref_slice %arg4[%add3A_70, %dma_wait3A_107] : memref<81920x128xi32, #tpu.memory_space<hbm>> -> memref<128x128xi32, #tpu.memory_space<hbm>>
        tpu.wait_dma2 semaphore(%arg10 : memref<!tpu.dma_semaphore, #tpu.memory_space<semaphore_mem>>) src(%arg7 : memref<128x128xi32, #tpu.memory_space<vmem>>) dst(%dma_wait3A_108 : memref<128x128xi32, #tpu.memory_space<hbm>>)
        %dma_start3A_109 = arith.constant 0 : i32
        %dma_start3A_110 = arith.constant 0 : i32
        %dma_start3A_111 = tpu.memref_slice %arg2[%dma_start3A_109, %dma_start3A_110] : memref<10240x128xi32, #tpu.memory_space<hbm>> -> memref<10240x128xi32, #tpu.memory_space<hbm>>
        tpu.enqueue_indirect_dma source(%dma_start3A_111 : memref<10240x128xi32, #tpu.memory_space<hbm>>) target(%arg7 : memref<128x128xi32, #tpu.memory_space<vmem>>) offsets(%arg5 : memref<128xi32, #tpu.memory_space<vmem>>) semaphore(%arg9 : memref<!tpu.dma_semaphore, #tpu.memory_space<semaphore_mem>>)
      } else {
      }
    }
    %while3A_48 = arith.constant 1 : i32
    scf.for %while3A_63 = %while3A_46 to %while3A_42 step %while3A_48  : i32 {
      %mul3A_64 = arith.muli %while3A_63, %while3A : i32
      %add3A_65 = arith.addi %while3A_39, %mul3A_64 : i32
      %mul3A_66 = arith.constant 2 : i32
      %mul3A_67 = arith.muli %mul3A_66, %add3A_65 : i32
      %mul3A_68 = arith.constant 128 : i32
      %mul3A_69 = arith.muli %mul3A_67, %mul3A_68 : i32
      %add3A_70 = arith.addi %mul3A_10, %mul3A_69 : i32
      %add3A_71 = arith.constant 128 : i32
      %add3A_72 = arith.addi %add3A_70, %add3A_71 : i32
      "tpu.region"() ({
        %run_scoped3A = tpu.sem_alloc : memref<!tpu.dma_semaphore, #tpu.memory_space<semaphore_mem>>
        %dma_start3A_105 = tpu.memref_slice %arg3[%add3A_72] : memref<81920xi32, #tpu.memory_space<hbm>> -> memref<128xi32, #tpu.memory_space<hbm>>
        %dma_start3A_106 = tpu.memref_slice %arg3[%add3A_72] : memref<81920xi32, #tpu.memory_space<hbm>> -> memref<128xi32, #tpu.memory_space<hbm>>
        tpu.enqueue_dma source(%dma_start3A_106 : memref<128xi32, #tpu.memory_space<hbm>>) target(%arg6 : memref<128xi32, #tpu.memory_space<vmem>>) target_semaphore(%run_scoped3A : memref<!tpu.dma_semaphore, #tpu.memory_space<semaphore_mem>>)
        %dma_wait3A_107 = tpu.memref_slice %arg3[%add3A_72] : memref<81920xi32, #tpu.memory_space<hbm>> -> memref<128xi32, #tpu.memory_space<hbm>>
        %dma_wait3A_108 = tpu.memref_slice %arg3[%add3A_72] : memref<81920xi32, #tpu.memory_space<hbm>> -> memref<128xi32, #tpu.memory_space<hbm>>
        tpu.wait_dma2 semaphore(%run_scoped3A : memref<!tpu.dma_semaphore, #tpu.memory_space<semaphore_mem>>) src(%dma_wait3A_108 : memref<128xi32, #tpu.memory_space<hbm>>) dst(%arg6 : memref<128xi32, #tpu.memory_space<vmem>>)
        tpu.yield
      }) : () -> ()
      %gt3A = arith.constant 0 : i32
      %gt3A_73 = arith.cmpi sgt, %add3A_65, %gt3A : i32
      %convert_element_type3A = arith.extui %gt3A_73 : i1 to i32
      %cond3A = arith.constant 0 : i32
      %cond3A_74 = arith.cmpi ne, %convert_element_type3A, %cond3A : i32
      scf.if %cond3A_74 {
        %sub3A_105 = arith.constant 128 : i32
        %sub3A_106 = arith.subi %add3A_70, %sub3A_105 : i32
        %dma_wait3A_107 = arith.constant 0 : i32
        %dma_wait3A_108 = tpu.memref_slice %arg4[%sub3A_106, %dma_wait3A_107] : memref<81920x128xi32, #tpu.memory_space<hbm>> -> memref<128x128xi32, #tpu.memory_space<hbm>>
        %dma_wait3A_109 = arith.constant 0 : i32
        %dma_wait3A_110 = tpu.memref_slice %arg4[%sub3A_106, %dma_wait3A_109] : memref<81920x128xi32, #tpu.memory_space<hbm>> -> memref<128x128xi32, #tpu.memory_space<hbm>>
        tpu.wait_dma2 semaphore(%arg10 : memref<!tpu.dma_semaphore, #tpu.memory_space<semaphore_mem>>) src(%arg8 : memref<128x128xi32, #tpu.memory_space<vmem>>) dst(%dma_wait3A_110 : memref<128x128xi32, #tpu.memory_space<hbm>>)
      } else {
      }
      %dma_start3A_75 = arith.constant 0 : i32
      %dma_start3A_76 = arith.constant 0 : i32
      %dma_start3A_77 = tpu.memref_slice %arg2[%dma_start3A_75, %dma_start3A_76] : memref<10240x128xi32, #tpu.memory_space<hbm>> -> memref<10240x128xi32, #tpu.memory_space<hbm>>
      tpu.enqueue_indirect_dma source(%dma_start3A_77 : memref<10240x128xi32, #tpu.memory_space<hbm>>) target(%arg8 : memref<128x128xi32, #tpu.memory_space<vmem>>) offsets(%arg6 : memref<128xi32, #tpu.memory_space<vmem>>) semaphore(%arg9 : memref<!tpu.dma_semaphore, #tpu.memory_space<semaphore_mem>>)
      %dma_wait3A_78 = arith.constant 0 : i32
      %dma_wait3A_79 = arith.constant 0 : i32
      %dma_wait3A_80 = tpu.memref_slice %arg2[%dma_wait3A_78, %dma_wait3A_79] : memref<10240x128xi32, #tpu.memory_space<hbm>> -> memref<10240x128xi32, #tpu.memory_space<hbm>>
      tpu.wait_indirect_dma semaphore(%arg9 : memref<!tpu.dma_semaphore, #tpu.memory_space<semaphore_mem>>) src(%dma_wait3A_80 : memref<10240x128xi32, #tpu.memory_space<hbm>>) dst(%arg7 : memref<128x128xi32, #tpu.memory_space<vmem>>)
      %dma_start3A_81 = arith.constant 0 : i32
      %dma_start3A_82 = tpu.memref_slice %arg4[%add3A_70, %dma_start3A_81] : memref<81920x128xi32, #tpu.memory_space<hbm>> -> memref<128x128xi32, #tpu.memory_space<hbm>>
      %dma_start3A_83 = arith.constant 0 : i32
      %dma_start3A_84 = tpu.memref_slice %arg4[%add3A_70, %dma_start3A_83] : memref<81920x128xi32, #tpu.memory_space<hbm>> -> memref<128x128xi32, #tpu.memory_space<hbm>>
      tpu.enqueue_dma source(%arg7 : memref<128x128xi32, #tpu.memory_space<vmem>>) target(%dma_start3A_84 : memref<128x128xi32, #tpu.memory_space<hbm>>) target_semaphore(%arg10 : memref<!tpu.dma_semaphore, #tpu.memory_space<semaphore_mem>>)
      %sub3A_85 = arith.constant 1 : i32
      %sub3A_86 = arith.subi %select_n3A_28, %sub3A_85 : i32
      %lt3A = arith.cmpi slt, %add3A_65, %sub3A_86 : i32
      %convert_element_type3A_87 = arith.extui %lt3A : i1 to i32
      %cond3A_88 = arith.constant 0 : i32
      %cond3A_89 = arith.cmpi ne, %convert_element_type3A_87, %cond3A_88 : i32
      scf.if %cond3A_89 {
        %add3A_105 = arith.constant 256 : i32
        %add3A_106 = arith.addi %add3A_70, %add3A_105 : i32
        "tpu.region"() ({
          %run_scoped3A = tpu.sem_alloc : memref<!tpu.dma_semaphore, #tpu.memory_space<semaphore_mem>>
          %dma_start3A_107 = tpu.memref_slice %arg3[%add3A_106] : memref<81920xi32, #tpu.memory_space<hbm>> -> memref<128xi32, #tpu.memory_space<hbm>>
          %dma_start3A_108 = tpu.memref_slice %arg3[%add3A_106] : memref<81920xi32, #tpu.memory_space<hbm>> -> memref<128xi32, #tpu.memory_space<hbm>>
          tpu.enqueue_dma source(%dma_start3A_108 : memref<128xi32, #tpu.memory_space<hbm>>) target(%arg5 : memref<128xi32, #tpu.memory_space<vmem>>) target_semaphore(%run_scoped3A : memref<!tpu.dma_semaphore, #tpu.memory_space<semaphore_mem>>)
          %dma_wait3A_109 = tpu.memref_slice %arg3[%add3A_106] : memref<81920xi32, #tpu.memory_space<hbm>> -> memref<128xi32, #tpu.memory_space<hbm>>
          %dma_wait3A_110 = tpu.memref_slice %arg3[%add3A_106] : memref<81920xi32, #tpu.memory_space<hbm>> -> memref<128xi32, #tpu.memory_space<hbm>>
          tpu.wait_dma2 semaphore(%run_scoped3A : memref<!tpu.dma_semaphore, #tpu.memory_space<semaphore_mem>>) src(%dma_wait3A_110 : memref<128xi32, #tpu.memory_space<hbm>>) dst(%arg5 : memref<128xi32, #tpu.memory_space<vmem>>)
          tpu.yield
        }) : () -> ()
      } else {
      }
      %dma_wait3A_90 = arith.constant 0 : i32
      %dma_wait3A_91 = arith.constant 0 : i32
      %dma_wait3A_92 = tpu.memref_slice %arg2[%dma_wait3A_90, %dma_wait3A_91] : memref<10240x128xi32, #tpu.memory_space<hbm>> -> memref<10240x128xi32, #tpu.memory_space<hbm>>
      tpu.wait_indirect_dma semaphore(%arg9 : memref<!tpu.dma_semaphore, #tpu.memory_space<semaphore_mem>>) src(%dma_wait3A_92 : memref<10240x128xi32, #tpu.memory_space<hbm>>) dst(%arg8 : memref<128x128xi32, #tpu.memory_space<vmem>>)
      %add3A_93 = arith.constant 128 : i32
      %add3A_94 = arith.addi %add3A_70, %add3A_93 : i32
      %dma_start3A_95 = arith.constant 0 : i32
      %dma_start3A_96 = tpu.memref_slice %arg4[%add3A_94, %dma_start3A_95] : memref<81920x128xi32, #tpu.memory_space<hbm>> -> memref<128x128xi32, #tpu.memory_space<hbm>>
      %dma_start3A_97 = arith.constant 0 : i32
      %dma_start3A_98 = tpu.memref_slice %arg4[%add3A_94, %dma_start3A_97] : memref<81920x128xi32, #tpu.memory_space<hbm>> -> memref<128x128xi32, #tpu.memory_space<hbm>>
      tpu.enqueue_dma source(%arg8 : memref<128x128xi32, #tpu.memory_space<vmem>>) target(%dma_start3A_98 : memref<128x128xi32, #tpu.memory_space<hbm>>) target_semaphore(%arg10 : memref<!tpu.dma_semaphore, #tpu.memory_space<semaphore_mem>>)
      %sub3A_99 = arith.constant 1 : i32
      %sub3A_100 = arith.subi %select_n3A_28, %sub3A_99 : i32
      %lt3A_101 = arith.cmpi slt, %add3A_65, %sub3A_100 : i32
      %convert_element_type3A_102 = arith.extui %lt3A_101 : i1 to i32
      %cond3A_103 = arith.constant 0 : i32
      %cond3A_104 = arith.cmpi ne, %convert_element_type3A_102, %cond3A_103 : i32
      scf.if %cond3A_104 {
        %dma_wait3A_105 = arith.constant 0 : i32
        %dma_wait3A_106 = tpu.memref_slice %arg4[%add3A_70, %dma_wait3A_105] : memref<81920x128xi32, #tpu.memory_space<hbm>> -> memref<128x128xi32, #tpu.memory_space<hbm>>
        %dma_wait3A_107 = arith.constant 0 : i32
        %dma_wait3A_108 = tpu.memref_slice %arg4[%add3A_70, %dma_wait3A_107] : memref<81920x128xi32, #tpu.memory_space<hbm>> -> memref<128x128xi32, #tpu.memory_space<hbm>>
        tpu.wait_dma2 semaphore(%arg10 : memref<!tpu.dma_semaphore, #tpu.memory_space<semaphore_mem>>) src(%arg7 : memref<128x128xi32, #tpu.memory_space<vmem>>) dst(%dma_wait3A_108 : memref<128x128xi32, #tpu.memory_space<hbm>>)
        %dma_start3A_109 = arith.constant 0 : i32
        %dma_start3A_110 = arith.constant 0 : i32
        %dma_start3A_111 = tpu.memref_slice %arg2[%dma_start3A_109, %dma_start3A_110] : memref<10240x128xi32, #tpu.memory_space<hbm>> -> memref<10240x128xi32, #tpu.memory_space<hbm>>
        tpu.enqueue_indirect_dma source(%dma_start3A_111 : memref<10240x128xi32, #tpu.memory_space<hbm>>) target(%arg7 : memref<128x128xi32, #tpu.memory_space<vmem>>) offsets(%arg5 : memref<128xi32, #tpu.memory_space<vmem>>) semaphore(%arg9 : memref<!tpu.dma_semaphore, #tpu.memory_space<semaphore_mem>>)
      } else {
      }
    }
    %sub3A_49 = arith.constant 2 : i32
    %sub3A_50 = arith.subi %select_n3A, %sub3A_49 : i32
    %mul3A_51 = arith.constant 128 : i32
    %mul3A_52 = arith.muli %sub3A_50, %mul3A_51 : i32
    %add3A_53 = arith.addi %mul3A_10, %mul3A_52 : i32
    %dma_wait3A = arith.constant 0 : i32
    %dma_wait3A_54 = tpu.memref_slice %arg4[%add3A_53, %dma_wait3A] : memref<81920x128xi32, #tpu.memory_space<hbm>> -> memref<128x128xi32, #tpu.memory_space<hbm>>
    %dma_wait3A_55 = arith.constant 0 : i32
    %dma_wait3A_56 = tpu.memref_slice %arg4[%add3A_53, %dma_wait3A_55] : memref<81920x128xi32, #tpu.memory_space<hbm>> -> memref<128x128xi32, #tpu.memory_space<hbm>>
    tpu.wait_dma2 semaphore(%arg10 : memref<!tpu.dma_semaphore, #tpu.memory_space<semaphore_mem>>) src(%arg7 : memref<128x128xi32, #tpu.memory_space<vmem>>) dst(%dma_wait3A_56 : memref<128x128xi32, #tpu.memory_space<hbm>>)
    %add3A_57 = arith.constant 128 : i32
    %add3A_58 = arith.addi %add3A_53, %add3A_57 : i32
    %dma_wait3A_59 = arith.constant 0 : i32
    %dma_wait3A_60 = tpu.memref_slice %arg4[%add3A_58, %dma_wait3A_59] : memref<81920x128xi32, #tpu.memory_space<hbm>> -> memref<128x128xi32, #tpu.memory_space<hbm>>
    %dma_wait3A_61 = arith.constant 0 : i32
    %dma_wait3A_62 = tpu.memref_slice %arg4[%add3A_58, %dma_wait3A_61] : memref<81920x128xi32, #tpu.memory_space<hbm>> -> memref<128x128xi32, #tpu.memory_space<hbm>>
    tpu.wait_dma2 semaphore(%arg10 : memref<!tpu.dma_semaphore, #tpu.memory_space<semaphore_mem>>) src(%arg8 : memref<128x128xi32, #tpu.memory_space<vmem>>) dst(%dma_wait3A_62 : memref<128x128xi32, #tpu.memory_space<hbm>>)
    return
  }
}

module attributes {stable_mosaic.version = 14 : i64} {
  func.func @body(%arg0: memref<10240x8xf32, #tpu.memory_space<vmem>>, %arg1: memref<10240x8xf32, #tpu.memory_space<vmem>>, %arg2: memref<8x16xf32, #tpu.memory_space<vmem>>, %arg3: memref<8x256xf32, #tpu.memory_space<vmem>>, %arg4: memref<10240x16xf32, #tpu.memory_space<vmem>>, %arg5: memref<10240x256xf32, #tpu.memory_space<vmem>>) attributes {dimension_semantics = [], scalar_prefetch = 0 : i64, scratch_operands = 0 : i64, tpu.core_type = #tpu.core_type<tc>} {
    %get3A = arith.constant 0 : index
    %get3A_0 = arith.constant 0 : index
    %get3A_1 = vector.load %arg0[%get3A, %get3A_0] : memref<10240x8xf32, #tpu.memory_space<vmem>>, vector<10240x8xf32>
    %get3A_2 = arith.constant 0 : index
    %get3A_3 = arith.constant 0 : index
    %get3A_4 = vector.load %arg2[%get3A_2, %get3A_3] : memref<8x16xf32, #tpu.memory_space<vmem>>, vector<8x16xf32>
    %dot_general3A = arith.constant dense<0.000000e+00> : vector<10240x16xf32>
    %dot_general3A_5 = tpu.matmul %get3A_1, %get3A_4, %dot_general3A {dimension_numbers = #tpu.dot_dimension_numbers<[1], [0], [0], [1], [0, 0, 1, 1], [], []>, transpose_lhs_hint = false} : vector<10240x8xf32>, vector<8x16xf32>, vector<10240x16xf32> -> vector<10240x16xf32>
    %swap3A = arith.constant 0 : index
    %swap3A_6 = arith.constant 0 : index
    %swap3A_7 = vector.load %arg4[%swap3A, %swap3A_6] : memref<10240x16xf32, #tpu.memory_space<vmem>>, vector<10240x16xf32>
    tpu.vector_store %arg4[%swap3A, %swap3A_6], %dot_general3A_5 {strides = array<i32>} : memref<10240x16xf32, #tpu.memory_space<vmem>>, vector<10240x16xf32>,
    %get3A_8 = arith.constant 0 : index
    %get3A_9 = arith.constant 0 : index
    %get3A_10 = vector.load %arg1[%get3A_8, %get3A_9] : memref<10240x8xf32, #tpu.memory_space<vmem>>, vector<10240x8xf32>
    %get3A_11 = arith.constant 0 : index
    %get3A_12 = arith.constant 0 : index
    %get3A_13 = vector.load %arg3[%get3A_11, %get3A_12] : memref<8x256xf32, #tpu.memory_space<vmem>>, vector<8x256xf32>
    %dot_general3A_14 = arith.constant dense<0.000000e+00> : vector<10240x256xf32>
    %dot_general3A_15 = tpu.matmul %get3A_10, %get3A_13, %dot_general3A_14 {dimension_numbers = #tpu.dot_dimension_numbers<[1], [0], [0], [1], [0, 0, 1, 1], [], []>, transpose_lhs_hint = false} : vector<10240x8xf32>, vector<8x256xf32>, vector<10240x256xf32> -> vector<10240x256xf32>
    %swap3A_16 = arith.constant 0 : index
    %swap3A_17 = arith.constant 0 : index
    %swap3A_18 = vector.load %arg5[%swap3A_16, %swap3A_17] : memref<10240x256xf32, #tpu.memory_space<vmem>>, vector<10240x256xf32>
    tpu.vector_store %arg5[%swap3A_16, %swap3A_17], %dot_general3A_15 {strides = array<i32>} : memref<10240x256xf32, #tpu.memory_space<vmem>>, vector<10240x256xf32>,
    return
  }
}

module attributes {stable_mosaic.version = 14 : i64} {
  func.func @body(%arg0: i32, %arg1: memref<1024x256xf32, #tpu.memory_space<vmem>>, %arg2: memref<1024x256xf32, #tpu.memory_space<vmem>>, %arg3: memref<1x256xf32, #tpu.memory_space<vmem>>, %arg4: memref<1x256xf32, #tpu.memory_space<vmem>>, %arg5: memref<256x512xf32, #tpu.memory_space<vmem>>, %arg6: memref<1x512xf32, #tpu.memory_space<vmem>>, %arg7: memref<1x512xf32, #tpu.memory_space<vmem>>, %arg8: memref<32x256xf32, #tpu.memory_space<vmem>>, %arg9: memref<1x256xf32, #tpu.memory_space<vmem>>, %arg10: memref<1x256xf32, #tpu.memory_space<vmem>>, %arg11: memref<256x256xf32, #tpu.memory_space<vmem>>, %arg12: memref<1x256xf32, #tpu.memory_space<vmem>>, %arg13: memref<1x256xf32, #tpu.memory_space<vmem>>, %arg14: memref<1024x256xf32, #tpu.memory_space<vmem>>, %arg15: memref<1024x128xi32, #tpu.memory_space<vmem>>) attributes {dimension_semantics = [#tpu.dimension_semantics<arbitrary>], iteration_bounds = array<i64: 10>, scalar_prefetch = 0 : i64, scratch_operands = 0 : i64, tpu.core_type = #tpu.core_type<tc>, window_params = [{transform_indices = @transform_0, window_bounds = array<i64: 1024, 256>}, {transform_indices = @transform_1, window_bounds = array<i64: 1024, 256>}, {pipeline_mode = #tpu.pipeline_mode<synchronous>, transform_indices = @transform_2, window_bounds = array<i64: 1, 256>}, {pipeline_mode = #tpu.pipeline_mode<synchronous>, transform_indices = @transform_3, window_bounds = array<i64: 1, 256>}, {pipeline_mode = #tpu.pipeline_mode<synchronous>, transform_indices = @transform_4, window_bounds = array<i64: 256, 512>}, {pipeline_mode = #tpu.pipeline_mode<synchronous>, transform_indices = @transform_5, window_bounds = array<i64: 1, 512>}, {pipeline_mode = #tpu.pipeline_mode<synchronous>, transform_indices = @transform_6, window_bounds = array<i64: 1, 512>}, {pipeline_mode = #tpu.pipeline_mode<synchronous>, transform_indices = @transform_7, window_bounds = array<i64: 32, 256>}, {pipeline_mode = #tpu.pipeline_mode<synchronous>, transform_indices = @transform_8, window_bounds = array<i64: 1, 256>}, {pipeline_mode = #tpu.pipeline_mode<synchronous>, transform_indices = @transform_9, window_bounds = array<i64: 1, 256>}, {pipeline_mode = #tpu.pipeline_mode<synchronous>, transform_indices = @transform_10, window_bounds = array<i64: 256, 256>}, {pipeline_mode = #tpu.pipeline_mode<synchronous>, transform_indices = @transform_11, window_bounds = array<i64: 1, 256>}, {pipeline_mode = #tpu.pipeline_mode<synchronous>, transform_indices = @transform_12, window_bounds = array<i64: 1, 256>}, {transform_indices = @transform_13, window_bounds = array<i64: 1024, 256>}, {transform_indices = @transform_14, window_bounds = array<i64: 1024, 128>}]} {
    %get3A = arith.constant 0 : index
    %get3A_0 = arith.constant 0 : index
    %get3A_1 = vector.load %arg1[%get3A, %get3A_0] : memref<1024x256xf32, #tpu.memory_space<vmem>>, vector<1024x256xf32>
    %get3A_2 = arith.constant 0 : index
    %get3A_3 = arith.constant 0 : index
    %get3A_4 = vector.load %arg2[%get3A_2, %get3A_3] : memref<1024x256xf32, #tpu.memory_space<vmem>>, vector<1024x256xf32>
    %sub3A = arith.subf %get3A_1, %get3A_4 : vector<1024x256xf32>
    %get3A_5 = arith.constant 0 : index
    %get3A_6 = arith.constant 0 : index
    %get3A_7 = vector.load %arg3[%get3A_5, %get3A_6] : memref<1x256xf32, #tpu.memory_space<vmem>>, vector<1x256xf32>
    %mul3A = vector.broadcast %get3A_7 : vector<1x256xf32> to vector<1024x256xf32>
    %mul3A_8 = arith.mulf %sub3A, %mul3A : vector<1024x256xf32>
    %get3A_9 = arith.constant 0 : index
    %get3A_10 = arith.constant 0 : index
    %get3A_11 = vector.load %arg4[%get3A_9, %get3A_10] : memref<1x256xf32, #tpu.memory_space<vmem>>, vector<1x256xf32>
    %add3A = vector.broadcast %get3A_11 : vector<1x256xf32> to vector<1024x256xf32>
    %add3A_12 = arith.addf %mul3A_8, %add3A : vector<1024x256xf32>
    %integer_pow3A = arith.mulf %add3A_12, %add3A_12 : vector<1024x256xf32>
    %integer_pow3A_13 = arith.mulf %add3A_12, %integer_pow3A : vector<1024x256xf32>
    %mul3A_14 = arith.constant 4.471500e-02 : f32
    %mul3A_15 = vector.broadcast %mul3A_14 : f32 to vector<1024x256xf32>
    %mul3A_16 = arith.mulf %mul3A_15, %integer_pow3A_13 : vector<1024x256xf32>
    %add3A_17 = arith.addf %add3A_12, %mul3A_16 : vector<1024x256xf32>
    %mul3A_18 = arith.constant 0.797884583 : f32
    %mul3A_19 = vector.broadcast %mul3A_18 : f32 to vector<1024x256xf32>
    %mul3A_20 = arith.mulf %mul3A_19, %add3A_17 : vector<1024x256xf32>
    %tanh3A = math.tanh %mul3A_20 : vector<1024x256xf32>
    %add3A_21 = arith.constant 1.000000e+00 : f32
    %add3A_22 = vector.broadcast %add3A_21 : f32 to vector<1024x256xf32>
    %add3A_23 = arith.addf %add3A_22, %tanh3A : vector<1024x256xf32>
    %mul3A_24 = arith.constant 5.000000e-01 : f32
    %mul3A_25 = vector.broadcast %mul3A_24 : f32 to vector<1024x256xf32>
    %mul3A_26 = arith.mulf %mul3A_25, %add3A_23 : vector<1024x256xf32>
    %mul3A_27 = arith.mulf %add3A_12, %mul3A_26 : vector<1024x256xf32>
    %convert_element_type3A = arith.truncf %mul3A_27 : vector<1024x256xf32> to vector<1024x256xbf16>
    %get3A_28 = arith.constant 0 : index
    %get3A_29 = arith.constant 0 : index
    %get3A_30 = vector.load %arg5[%get3A_28, %get3A_29] : memref<256x512xf32, #tpu.memory_space<vmem>>, vector<256x512xf32>
    %convert_element_type3A_31 = arith.truncf %get3A_30 : vector<256x512xf32> to vector<256x512xbf16>
    %dot_general3A = arith.constant dense<0.000000e+00> : vector<1024x512xf32>
    %dot_general3A_32 = tpu.matmul %convert_element_type3A, %convert_element_type3A_31, %dot_general3A {dimension_numbers = #tpu.dot_dimension_numbers<[1], [0], [0], [1], [0, 0, 1, 1], [], []>, transpose_lhs_hint = false} : vector<1024x256xbf16>, vector<256x512xbf16>, vector<1024x512xf32> -> vector<1024x512xf32>
    %get3A_33 = arith.constant 0 : index
    %get3A_34 = arith.constant 0 : index
    %get3A_35 = vector.load %arg6[%get3A_33, %get3A_34] : memref<1x512xf32, #tpu.memory_space<vmem>>, vector<1x512xf32>
    %mul3A_36 = vector.broadcast %get3A_35 : vector<1x512xf32> to vector<1024x512xf32>
    %mul3A_37 = arith.mulf %dot_general3A_32, %mul3A_36 : vector<1024x512xf32>
    %get3A_38 = arith.constant 0 : index
    %get3A_39 = arith.constant 0 : index
    %get3A_40 = vector.load %arg7[%get3A_38, %get3A_39] : memref<1x512xf32, #tpu.memory_space<vmem>>, vector<1x512xf32>
    %add3A_41 = vector.broadcast %get3A_40 : vector<1x512xf32> to vector<1024x512xf32>
    %add3A_42 = arith.addf %mul3A_37, %add3A_41 : vector<1024x512xf32>
    %integer_pow3A_43 = arith.mulf %add3A_42, %add3A_42 : vector<1024x512xf32>
    %integer_pow3A_44 = arith.mulf %add3A_42, %integer_pow3A_43 : vector<1024x512xf32>
    %mul3A_45 = arith.constant 4.471500e-02 : f32
    %mul3A_46 = vector.broadcast %mul3A_45 : f32 to vector<1024x512xf32>
    %mul3A_47 = arith.mulf %mul3A_46, %integer_pow3A_44 : vector<1024x512xf32>
    %add3A_48 = arith.addf %add3A_42, %mul3A_47 : vector<1024x512xf32>
    %mul3A_49 = arith.constant 0.797884583 : f32
    %mul3A_50 = vector.broadcast %mul3A_49 : f32 to vector<1024x512xf32>
    %mul3A_51 = arith.mulf %mul3A_50, %add3A_48 : vector<1024x512xf32>
    %tanh3A_52 = math.tanh %mul3A_51 : vector<1024x512xf32>
    %add3A_53 = arith.constant 1.000000e+00 : f32
    %add3A_54 = vector.broadcast %add3A_53 : f32 to vector<1024x512xf32>
    %add3A_55 = arith.addf %add3A_54, %tanh3A_52 : vector<1024x512xf32>
    %mul3A_56 = arith.constant 5.000000e-01 : f32
    %mul3A_57 = vector.broadcast %mul3A_56 : f32 to vector<1024x512xf32>
    %mul3A_58 = arith.mulf %mul3A_57, %add3A_55 : vector<1024x512xf32>
    %mul3A_59 = arith.mulf %add3A_42, %mul3A_58 : vector<1024x512xf32>
    %convert_element_type3A_60 = arith.truncf %mul3A_59 : vector<1024x512xf32> to vector<1024x512xbf16>
    %get3A_61 = arith.constant 0 : index
    %get3A_62 = arith.constant 0 : index
    %get3A_63 = vector.load %arg8[%get3A_61, %get3A_62] : memref<32x256xf32, #tpu.memory_space<vmem>>, vector<32x256xf32>
    %convert_element_type3A_64 = arith.truncf %get3A_63 : vector<32x256xf32> to vector<32x256xbf16>
    %slice3A = vector.extract_strided_slice %convert_element_type3A_60 {offsets = [0, 0], sizes = [1024, 32], strides = [1, 1]} : vector<1024x512xbf16> to vector<1024x32xbf16>
    %dot_general3A_65 = arith.constant dense<0.000000e+00> : vector<1024x256xf32>
    %dot_general3A_66 = tpu.matmul %slice3A, %convert_element_type3A_64, %dot_general3A_65 {dimension_numbers = #tpu.dot_dimension_numbers<[1], [0], [0], [1], [0, 0, 1, 1], [], []>, transpose_lhs_hint = false} : vector<1024x32xbf16>, vector<32x256xbf16>, vector<1024x256xf32> -> vector<1024x256xf32>
    %slice3A_67 = vector.extract_strided_slice %convert_element_type3A_60 {offsets = [0, 32], sizes = [1024, 32], strides = [1, 1]} : vector<1024x512xbf16> to vector<1024x32xbf16>
    %dot_general3A_68 = arith.constant dense<0.000000e+00> : vector<1024x256xf32>
    %dot_general3A_69 = tpu.matmul %slice3A_67, %convert_element_type3A_64, %dot_general3A_68 {dimension_numbers = #tpu.dot_dimension_numbers<[1], [0], [0], [1], [0, 0, 1, 1], [], []>, transpose_lhs_hint = false} : vector<1024x32xbf16>, vector<32x256xbf16>, vector<1024x256xf32> -> vector<1024x256xf32>
    %max3A = arith.maximumf %dot_general3A_66, %dot_general3A_69 : vector<1024x256xf32>
    %slice3A_70 = vector.extract_strided_slice %convert_element_type3A_60 {offsets = [0, 64], sizes = [1024, 32], strides = [1, 1]} : vector<1024x512xbf16> to vector<1024x32xbf16>
    %dot_general3A_71 = arith.constant dense<0.000000e+00> : vector<1024x256xf32>
    %dot_general3A_72 = tpu.matmul %slice3A_70, %convert_element_type3A_64, %dot_general3A_71 {dimension_numbers = #tpu.dot_dimension_numbers<[1], [0], [0], [1], [0, 0, 1, 1], [], []>, transpose_lhs_hint = false} : vector<1024x32xbf16>, vector<32x256xbf16>, vector<1024x256xf32> -> vector<1024x256xf32>
    %max3A_73 = arith.maximumf %max3A, %dot_general3A_72 : vector<1024x256xf32>
    %slice3A_74 = vector.extract_strided_slice %convert_element_type3A_60 {offsets = [0, 96], sizes = [1024, 32], strides = [1, 1]} : vector<1024x512xbf16> to vector<1024x32xbf16>
    %dot_general3A_75 = arith.constant dense<0.000000e+00> : vector<1024x256xf32>
    %dot_general3A_76 = tpu.matmul %slice3A_74, %convert_element_type3A_64, %dot_general3A_75 {dimension_numbers = #tpu.dot_dimension_numbers<[1], [0], [0], [1], [0, 0, 1, 1], [], []>, transpose_lhs_hint = false} : vector<1024x32xbf16>, vector<32x256xbf16>, vector<1024x256xf32> -> vector<1024x256xf32>
    %max3A_77 = arith.maximumf %max3A_73, %dot_general3A_76 : vector<1024x256xf32>
    %slice3A_78 = vector.extract_strided_slice %convert_element_type3A_60 {offsets = [0, 128], sizes = [1024, 32], strides = [1, 1]} : vector<1024x512xbf16> to vector<1024x32xbf16>
    %dot_general3A_79 = arith.constant dense<0.000000e+00> : vector<1024x256xf32>
    %dot_general3A_80 = tpu.matmul %slice3A_78, %convert_element_type3A_64, %dot_general3A_79 {dimension_numbers = #tpu.dot_dimension_numbers<[1], [0], [0], [1], [0, 0, 1, 1], [], []>, transpose_lhs_hint = false} : vector<1024x32xbf16>, vector<32x256xbf16>, vector<1024x256xf32> -> vector<1024x256xf32>
    %max3A_81 = arith.maximumf %max3A_77, %dot_general3A_80 : vector<1024x256xf32>
    %slice3A_82 = vector.extract_strided_slice %convert_element_type3A_60 {offsets = [0, 160], sizes = [1024, 32], strides = [1, 1]} : vector<1024x512xbf16> to vector<1024x32xbf16>
    %dot_general3A_83 = arith.constant dense<0.000000e+00> : vector<1024x256xf32>
    %dot_general3A_84 = tpu.matmul %slice3A_82, %convert_element_type3A_64, %dot_general3A_83 {dimension_numbers = #tpu.dot_dimension_numbers<[1], [0], [0], [1], [0, 0, 1, 1], [], []>, transpose_lhs_hint = false} : vector<1024x32xbf16>, vector<32x256xbf16>, vector<1024x256xf32> -> vector<1024x256xf32>
    %max3A_85 = arith.maximumf %max3A_81, %dot_general3A_84 : vector<1024x256xf32>
    %slice3A_86 = vector.extract_strided_slice %convert_element_type3A_60 {offsets = [0, 192], sizes = [1024, 32], strides = [1, 1]} : vector<1024x512xbf16> to vector<1024x32xbf16>
    %dot_general3A_87 = arith.constant dense<0.000000e+00> : vector<1024x256xf32>
    %dot_general3A_88 = tpu.matmul %slice3A_86, %convert_element_type3A_64, %dot_general3A_87 {dimension_numbers = #tpu.dot_dimension_numbers<[1], [0], [0], [1], [0, 0, 1, 1], [], []>, transpose_lhs_hint = false} : vector<1024x32xbf16>, vector<32x256xbf16>, vector<1024x256xf32> -> vector<1024x256xf32>
    %max3A_89 = arith.maximumf %max3A_85, %dot_general3A_88 : vector<1024x256xf32>
    %slice3A_90 = vector.extract_strided_slice %convert_element_type3A_60 {offsets = [0, 224], sizes = [1024, 32], strides = [1, 1]} : vector<1024x512xbf16> to vector<1024x32xbf16>
    %dot_general3A_91 = arith.constant dense<0.000000e+00> : vector<1024x256xf32>
    %dot_general3A_92 = tpu.matmul %slice3A_90, %convert_element_type3A_64, %dot_general3A_91 {dimension_numbers = #tpu.dot_dimension_numbers<[1], [0], [0], [1], [0, 0, 1, 1], [], []>, transpose_lhs_hint = false} : vector<1024x32xbf16>, vector<32x256xbf16>, vector<1024x256xf32> -> vector<1024x256xf32>
    %max3A_93 = arith.maximumf %max3A_89, %dot_general3A_92 : vector<1024x256xf32>
    %slice3A_94 = vector.extract_strided_slice %convert_element_type3A_60 {offsets = [0, 256], sizes = [1024, 32], strides = [1, 1]} : vector<1024x512xbf16> to vector<1024x32xbf16>
    %dot_general3A_95 = arith.constant dense<0.000000e+00> : vector<1024x256xf32>
    %dot_general3A_96 = tpu.matmul %slice3A_94, %convert_element_type3A_64, %dot_general3A_95 {dimension_numbers = #tpu.dot_dimension_numbers<[1], [0], [0], [1], [0, 0, 1, 1], [], []>, transpose_lhs_hint = false} : vector<1024x32xbf16>, vector<32x256xbf16>, vector<1024x256xf32> -> vector<1024x256xf32>
    %max3A_97 = arith.maximumf %max3A_93, %dot_general3A_96 : vector<1024x256xf32>
    %slice3A_98 = vector.extract_strided_slice %convert_element_type3A_60 {offsets = [0, 288], sizes = [1024, 32], strides = [1, 1]} : vector<1024x512xbf16> to vector<1024x32xbf16>
    %dot_general3A_99 = arith.constant dense<0.000000e+00> : vector<1024x256xf32>
    %dot_general3A_100 = tpu.matmul %slice3A_98, %convert_element_type3A_64, %dot_general3A_99 {dimension_numbers = #tpu.dot_dimension_numbers<[1], [0], [0], [1], [0, 0, 1, 1], [], []>, transpose_lhs_hint = false} : vector<1024x32xbf16>, vector<32x256xbf16>, vector<1024x256xf32> -> vector<1024x256xf32>
    %max3A_101 = arith.maximumf %max3A_97, %dot_general3A_100 : vector<1024x256xf32>
    %slice3A_102 = vector.extract_strided_slice %convert_element_type3A_60 {offsets = [0, 320], sizes = [1024, 32], strides = [1, 1]} : vector<1024x512xbf16> to vector<1024x32xbf16>
    %dot_general3A_103 = arith.constant dense<0.000000e+00> : vector<1024x256xf32>
    %dot_general3A_104 = tpu.matmul %slice3A_102, %convert_element_type3A_64, %dot_general3A_103 {dimension_numbers = #tpu.dot_dimension_numbers<[1], [0], [0], [1], [0, 0, 1, 1], [], []>, transpose_lhs_hint = false} : vector<1024x32xbf16>, vector<32x256xbf16>, vector<1024x256xf32> -> vector<1024x256xf32>
    %max3A_105 = arith.maximumf %max3A_101, %dot_general3A_104 : vector<1024x256xf32>
    %slice3A_106 = vector.extract_strided_slice %convert_element_type3A_60 {offsets = [0, 352], sizes = [1024, 32], strides = [1, 1]} : vector<1024x512xbf16> to vector<1024x32xbf16>
    %dot_general3A_107 = arith.constant dense<0.000000e+00> : vector<1024x256xf32>
    %dot_general3A_108 = tpu.matmul %slice3A_106, %convert_element_type3A_64, %dot_general3A_107 {dimension_numbers = #tpu.dot_dimension_numbers<[1], [0], [0], [1], [0, 0, 1, 1], [], []>, transpose_lhs_hint = false} : vector<1024x32xbf16>, vector<32x256xbf16>, vector<1024x256xf32> -> vector<1024x256xf32>
    %max3A_109 = arith.maximumf %max3A_105, %dot_general3A_108 : vector<1024x256xf32>
    %slice3A_110 = vector.extract_strided_slice %convert_element_type3A_60 {offsets = [0, 384], sizes = [1024, 32], strides = [1, 1]} : vector<1024x512xbf16> to vector<1024x32xbf16>
    %dot_general3A_111 = arith.constant dense<0.000000e+00> : vector<1024x256xf32>
    %dot_general3A_112 = tpu.matmul %slice3A_110, %convert_element_type3A_64, %dot_general3A_111 {dimension_numbers = #tpu.dot_dimension_numbers<[1], [0], [0], [1], [0, 0, 1, 1], [], []>, transpose_lhs_hint = false} : vector<1024x32xbf16>, vector<32x256xbf16>, vector<1024x256xf32> -> vector<1024x256xf32>
    %max3A_113 = arith.maximumf %max3A_109, %dot_general3A_112 : vector<1024x256xf32>
    %slice3A_114 = vector.extract_strided_slice %convert_element_type3A_60 {offsets = [0, 416], sizes = [1024, 32], strides = [1, 1]} : vector<1024x512xbf16> to vector<1024x32xbf16>
    %dot_general3A_115 = arith.constant dense<0.000000e+00> : vector<1024x256xf32>
    %dot_general3A_116 = tpu.matmul %slice3A_114, %convert_element_type3A_64, %dot_general3A_115 {dimension_numbers = #tpu.dot_dimension_numbers<[1], [0], [0], [1], [0, 0, 1, 1], [], []>, transpose_lhs_hint = false} : vector<1024x32xbf16>, vector<32x256xbf16>, vector<1024x256xf32> -> vector<1024x256xf32>
    %max3A_117 = arith.maximumf %max3A_113, %dot_general3A_116 : vector<1024x256xf32>
    %slice3A_118 = vector.extract_strided_slice %convert_element_type3A_60 {offsets = [0, 448], sizes = [1024, 32], strides = [1, 1]} : vector<1024x512xbf16> to vector<1024x32xbf16>
    %dot_general3A_119 = arith.constant dense<0.000000e+00> : vector<1024x256xf32>
    %dot_general3A_120 = tpu.matmul %slice3A_118, %convert_element_type3A_64, %dot_general3A_119 {dimension_numbers = #tpu.dot_dimension_numbers<[1], [0], [0], [1], [0, 0, 1, 1], [], []>, transpose_lhs_hint = false} : vector<1024x32xbf16>, vector<32x256xbf16>, vector<1024x256xf32> -> vector<1024x256xf32>
    %max3A_121 = arith.maximumf %max3A_117, %dot_general3A_120 : vector<1024x256xf32>
    %slice3A_122 = vector.extract_strided_slice %convert_element_type3A_60 {offsets = [0, 480], sizes = [1024, 32], strides = [1, 1]} : vector<1024x512xbf16> to vector<1024x32xbf16>
    %dot_general3A_123 = arith.constant dense<0.000000e+00> : vector<1024x256xf32>
    %dot_general3A_124 = tpu.matmul %slice3A_122, %convert_element_type3A_64, %dot_general3A_123 {dimension_numbers = #tpu.dot_dimension_numbers<[1], [0], [0], [1], [0, 0, 1, 1], [], []>, transpose_lhs_hint = false} : vector<1024x32xbf16>, vector<32x256xbf16>, vector<1024x256xf32> -> vector<1024x256xf32>
    %max3A_125 = arith.maximumf %max3A_121, %dot_general3A_124 : vector<1024x256xf32>
    %get3A_126 = arith.constant 0 : index
    %get3A_127 = arith.constant 0 : index
    %get3A_128 = vector.load %arg9[%get3A_126, %get3A_127] : memref<1x256xf32, #tpu.memory_space<vmem>>, vector<1x256xf32>
    %mul3A_129 = vector.broadcast %get3A_128 : vector<1x256xf32> to vector<1024x256xf32>
    %mul3A_130 = arith.mulf %max3A_125, %mul3A_129 : vector<1024x256xf32>
    %get3A_131 = arith.constant 0 : index
    %get3A_132 = arith.constant 0 : index
    %get3A_133 = vector.load %arg10[%get3A_131, %get3A_132] : memref<1x256xf32, #tpu.memory_space<vmem>>, vector<1x256xf32>
    %add3A_134 = vector.broadcast %get3A_133 : vector<1x256xf32> to vector<1024x256xf32>
    %add3A_135 = arith.addf %mul3A_130, %add3A_134 : vector<1024x256xf32>
    %swap3A = arith.constant 0 : index
    %swap3A_136 = arith.constant 0 : index
    %swap3A_137 = vector.load %arg14[%swap3A, %swap3A_136] : memref<1024x256xf32, #tpu.memory_space<vmem>>, vector<1024x256xf32>
    tpu.vector_store %arg14[%swap3A, %swap3A_136], %add3A_135 {strides = array<i32>} : memref<1024x256xf32, #tpu.memory_space<vmem>>, vector<1024x256xf32>,
    %convert_element_type3A_138 = arith.truncf %add3A_135 : vector<1024x256xf32> to vector<1024x256xbf16>
    %get3A_139 = arith.constant 0 : index
    %get3A_140 = arith.constant 0 : index
    %get3A_141 = vector.load %arg11[%get3A_139, %get3A_140] : memref<256x256xf32, #tpu.memory_space<vmem>>, vector<256x256xf32>
    %convert_element_type3A_142 = arith.truncf %get3A_141 : vector<256x256xf32> to vector<256x256xbf16>
    %dot_general3A_143 = arith.constant dense<0.000000e+00> : vector<1024x256xf32>
    %dot_general3A_144 = tpu.matmul %convert_element_type3A_138, %convert_element_type3A_142, %dot_general3A_143 {dimension_numbers = #tpu.dot_dimension_numbers<[1], [0], [0], [1], [0, 0, 1, 1], [], []>, transpose_lhs_hint = false} : vector<1024x256xbf16>, vector<256x256xbf16>, vector<1024x256xf32> -> vector<1024x256xf32>
    %get3A_145 = arith.constant 0 : index
    %get3A_146 = arith.constant 0 : index
    %get3A_147 = vector.load %arg12[%get3A_145, %get3A_146] : memref<1x256xf32, #tpu.memory_space<vmem>>, vector<1x256xf32>
    %mul3A_148 = vector.broadcast %get3A_147 : vector<1x256xf32> to vector<1024x256xf32>
    %mul3A_149 = arith.mulf %dot_general3A_144, %mul3A_148 : vector<1024x256xf32>
    %get3A_150 = arith.constant 0 : index
    %get3A_151 = arith.constant 0 : index
    %get3A_152 = vector.load %arg13[%get3A_150, %get3A_151] : memref<1x256xf32, #tpu.memory_space<vmem>>, vector<1x256xf32>
    %add3A_153 = vector.broadcast %get3A_152 : vector<1x256xf32> to vector<1024x256xf32>
    %add3A_154 = arith.addf %mul3A_149, %add3A_153 : vector<1024x256xf32>
    %convert_element_type3A_155 = arith.truncf %add3A_154 : vector<1024x256xf32> to vector<1024x256xbf16>
    %slice3A_156 = vector.extract_strided_slice %convert_element_type3A_155 {offsets = [0, 0], sizes = [1024, 128], strides = [1, 1]} : vector<1024x256xbf16> to vector<1024x128xbf16>
    %bitcast_convert_type3A = tpu.bitcast %slice3A_156 : vector<1024x128xbf16> -> vector<1024x128xi16>
    %convert_element_type3A_157 = arith.extui %bitcast_convert_type3A : vector<1024x128xi16> to vector<1024x128xi32>
    %slice3A_158 = vector.extract_strided_slice %convert_element_type3A_155 {offsets = [0, 128], sizes = [1024, 128], strides = [1, 1]} : vector<1024x256xbf16> to vector<1024x128xbf16>
    %bitcast_convert_type3A_159 = tpu.bitcast %slice3A_158 : vector<1024x128xbf16> -> vector<1024x128xi16>
    %convert_element_type3A_160 = arith.extui %bitcast_convert_type3A_159 : vector<1024x128xi16> to vector<1024x128xi32>
    %shift_left3A = arith.constant 16 : i32
    %shift_left3A_161 = vector.broadcast %shift_left3A : i32 to vector<1024x128xi32>
    %shift_left3A_162 = arith.shli %convert_element_type3A_160, %shift_left3A_161 : vector<1024x128xi32>
    %or3A = arith.ori %convert_element_type3A_157, %shift_left3A_162 : vector<1024x128xi32>
    %bitcast_convert_type3A_163 = tpu.bitcast %or3A : vector<1024x128xi32> -> vector<1024x128xi32>
    %swap3A_164 = arith.constant 0 : index
    %swap3A_165 = arith.constant 0 : index
    %swap3A_166 = vector.load %arg15[%swap3A_164, %swap3A_165] : memref<1024x128xi32, #tpu.memory_space<vmem>>, vector<1024x128xi32>
    tpu.vector_store %arg15[%swap3A_164, %swap3A_165], %bitcast_convert_type3A_163 {strides = array<i32>} : memref<1024x128xi32, #tpu.memory_space<vmem>>, vector<1024x128xi32>,
    return
  }
  func.func @transform_0(%arg0: i32) -> (i32, i32) {
    %c0_i32 = arith.constant 0 : i32
    %c0_i32_0 = arith.constant 0 : i32
    return %arg0, %c0_i32 : i32, i32
  }
  func.func @transform_1(%arg0: i32) -> (i32, i32) {
    %c0_i32 = arith.constant 0 : i32
    %c0_i32_0 = arith.constant 0 : i32
    return %arg0, %c0_i32 : i32, i32
  }
  func.func @transform_2(%arg0: i32) -> (i32, i32) {
    %c0_i32 = arith.constant 0 : i32
    %c0_i32_0 = arith.constant 0 : i32
    %c0_i32_1 = arith.constant 0 : i32
    return %c0_i32, %c0_i32_0 : i32, i32
  }
  func.func @transform_3(%arg0: i32) -> (i32, i32) {
    %c0_i32 = arith.constant 0 : i32
    %c0_i32_0 = arith.constant 0 : i32
    %c0_i32_1 = arith.constant 0 : i32
    return %c0_i32, %c0_i32_0 : i32, i32
  }
  func.func @transform_4(%arg0: i32) -> (i32, i32) {
    %c0_i32 = arith.constant 0 : i32
    %c0_i32_0 = arith.constant 0 : i32
    %c0_i32_1 = arith.constant 0 : i32
    return %c0_i32, %c0_i32_0 : i32, i32
  }
  func.func @transform_5(%arg0: i32) -> (i32, i32) {
    %c0_i32 = arith.constant 0 : i32
    %c0_i32_0 = arith.constant 0 : i32
    %c0_i32_1 = arith.constant 0 : i32
    return %c0_i32, %c0_i32_0 : i32, i32
  }
  func.func @transform_6(%arg0: i32) -> (i32, i32) {
    %c0_i32 = arith.constant 0 : i32
    %c0_i32_0 = arith.constant 0 : i32
    %c0_i32_1 = arith.constant 0 : i32
    return %c0_i32, %c0_i32_0 : i32, i32
  }
  func.func @transform_7(%arg0: i32) -> (i32, i32) {
    %c0_i32 = arith.constant 0 : i32
    %c0_i32_0 = arith.constant 0 : i32
    %c0_i32_1 = arith.constant 0 : i32
    return %c0_i32, %c0_i32_0 : i32, i32
  }
  func.func @transform_8(%arg0: i32) -> (i32, i32) {
    %c0_i32 = arith.constant 0 : i32
    %c0_i32_0 = arith.constant 0 : i32
    %c0_i32_1 = arith.constant 0 : i32
    return %c0_i32, %c0_i32_0 : i32, i32
  }
  func.func @transform_9(%arg0: i32) -> (i32, i32) {
    %c0_i32 = arith.constant 0 : i32
    %c0_i32_0 = arith.constant 0 : i32
    %c0_i32_1 = arith.constant 0 : i32
    return %c0_i32, %c0_i32_0 : i32, i32
  }
  func.func @transform_10(%arg0: i32) -> (i32, i32) {
    %c0_i32 = arith.constant 0 : i32
    %c0_i32_0 = arith.constant 0 : i32
    %c0_i32_1 = arith.constant 0 : i32
    return %c0_i32, %c0_i32_0 : i32, i32
  }
  func.func @transform_11(%arg0: i32) -> (i32, i32) {
    %c0_i32 = arith.constant 0 : i32
    %c0_i32_0 = arith.constant 0 : i32
    %c0_i32_1 = arith.constant 0 : i32
    return %c0_i32, %c0_i32_0 : i32, i32
  }
  func.func @transform_12(%arg0: i32) -> (i32, i32) {
    %c0_i32 = arith.constant 0 : i32
    %c0_i32_0 = arith.constant 0 : i32
    %c0_i32_1 = arith.constant 0 : i32
    return %c0_i32, %c0_i32_0 : i32, i32
  }
  func.func @transform_13(%arg0: i32) -> (i32, i32) {
    %c0_i32 = arith.constant 0 : i32
    %c0_i32_0 = arith.constant 0 : i32
    return %arg0, %c0_i32 : i32, i32
  }
  func.func @transform_14(%arg0: i32) -> (i32, i32) {
    %c0_i32 = arith.constant 0 : i32
    %c0_i32_0 = arith.constant 0 : i32
    return %arg0, %c0_i32 : i32, i32
  }
}

module attributes {stable_mosaic.version = 14 : i64} {
  func.func @body(%arg0: i32, %arg1: memref<1024x256xf32, #tpu.memory_space<vmem>>, %arg2: memref<16x1024x128xi32, #tpu.memory_space<vmem>>, %arg3: memref<1x256xf32, #tpu.memory_space<vmem>>, %arg4: memref<1x256xf32, #tpu.memory_space<vmem>>, %arg5: memref<256x512xf32, #tpu.memory_space<vmem>>, %arg6: memref<512x256xf32, #tpu.memory_space<vmem>>, %arg7: memref<256x512xf32, #tpu.memory_space<vmem>>, %arg8: memref<256x256xf32, #tpu.memory_space<vmem>>, %arg9: memref<256x256xf32, #tpu.memory_space<vmem>>, %arg10: memref<1x256xf32, #tpu.memory_space<vmem>>, %arg11: memref<1x256xf32, #tpu.memory_space<vmem>>, %arg12: memref<256x256xf32, #tpu.memory_space<vmem>>, %arg13: memref<8x256xf32, #tpu.memory_space<vmem>>, %arg14: memref<1024x256xf32, #tpu.memory_space<vmem>>, %arg15: memref<8x256xf32, #tpu.memory_space<vmem>>, %arg16: memref<1x256xf32, #tpu.memory_space<vmem>>) attributes {dimension_semantics = [#tpu.dimension_semantics<arbitrary>], iteration_bounds = array<i64: 5>, scalar_prefetch = 0 : i64, scratch_operands = 1 : i64, tpu.core_type = #tpu.core_type<tc>, window_params = [{transform_indices = @transform_0, window_bounds = array<i64: 1024, 256>}, {transform_indices = @transform_1, window_bounds = array<i64: 16, 1024, 128>}, {pipeline_mode = #tpu.pipeline_mode<synchronous>, transform_indices = @transform_2, window_bounds = array<i64: 1, 256>}, {pipeline_mode = #tpu.pipeline_mode<synchronous>, transform_indices = @transform_3, window_bounds = array<i64: 1, 256>}, {pipeline_mode = #tpu.pipeline_mode<synchronous>, transform_indices = @transform_4, window_bounds = array<i64: 256, 512>}, {pipeline_mode = #tpu.pipeline_mode<synchronous>, transform_indices = @transform_5, window_bounds = array<i64: 512, 256>}, {pipeline_mode = #tpu.pipeline_mode<synchronous>, transform_indices = @transform_6, window_bounds = array<i64: 256, 512>}, {pipeline_mode = #tpu.pipeline_mode<synchronous>, transform_indices = @transform_7, window_bounds = array<i64: 256, 256>}, {pipeline_mode = #tpu.pipeline_mode<synchronous>, transform_indices = @transform_8, window_bounds = array<i64: 256, 256>}, {pipeline_mode = #tpu.pipeline_mode<synchronous>, transform_indices = @transform_9, window_bounds = array<i64: 1, 256>}, {pipeline_mode = #tpu.pipeline_mode<synchronous>, transform_indices = @transform_10, window_bounds = array<i64: 1, 256>}, {pipeline_mode = #tpu.pipeline_mode<synchronous>, transform_indices = @transform_11, window_bounds = array<i64: 256, 256>}, {pipeline_mode = #tpu.pipeline_mode<synchronous>, transform_indices = @transform_12, window_bounds = array<i64: 8, 256>}, {transform_indices = @transform_13, window_bounds = array<i64: 1024, 256>}, {pipeline_mode = #tpu.pipeline_mode<synchronous>, transform_indices = @transform_14, window_bounds = array<i64: 8, 256>}]} {
    %eq3A = arith.constant 0 : i32
    %eq3A_0 = arith.cmpi eq, %arg0, %eq3A : i32
    %convert_element_type3A = arith.extui %eq3A_0 : i1 to i32
    %cond3A = arith.constant 0 : i32
    %cond3A_1 = arith.cmpi ne, %convert_element_type3A, %cond3A : i32
    scf.if %cond3A_1 {
      %get3A_326 = arith.constant 0 : index
      %get3A_327 = arith.constant 0 : index
      %get3A_328 = vector.load %arg13[%get3A_326, %get3A_327] : memref<8x256xf32, #tpu.memory_space<vmem>>, vector<1x256xf32>
      %swap3A_329 = arith.constant 0 : index
      %swap3A_330 = arith.constant 0 : index
      %swap3A_331 = vector.load %arg16[%swap3A_329, %swap3A_330] : memref<1x256xf32, #tpu.memory_space<vmem>>, vector<1x256xf32>
      tpu.vector_store %arg16[%swap3A_329, %swap3A_330], %get3A_328 {strides = array<i32>} : memref<1x256xf32, #tpu.memory_space<vmem>>, vector<1x256xf32>,
    } else {
    }
    %get3A = arith.constant 0 : index
    %get3A_2 = arith.constant 0 : index
    %get3A_3 = arith.constant 0 : index
    %get3A_4 = vector.load %arg2[%get3A, %get3A_2, %get3A_3] : memref<16x1024x128xi32, #tpu.memory_space<vmem>>, vector<16x1024x128xi32>
    %bitcast_convert_type3A = tpu.bitcast %get3A_4 : vector<16x1024x128xi32> -> vector<16x1024x128xi32>
    %and3A = arith.constant 65535 : i32
    %and3A_5 = vector.broadcast %and3A : i32 to vector<16x1024x128xi32>
    %and3A_6 = arith.andi %bitcast_convert_type3A, %and3A_5 : vector<16x1024x128xi32>
    %convert_element_type3A_7 = arith.trunci %and3A_6 : vector<16x1024x128xi32> to vector<16x1024x128xi16>
    %bitcast_convert_type3A_8 = tpu.bitcast %convert_element_type3A_7 : vector<16x1024x128xi16> -> vector<16x1024x128xbf16>
    %shift_right_logical3A = arith.constant 16 : i32
    %shift_right_logical3A_9 = vector.broadcast %shift_right_logical3A : i32 to vector<16x1024x128xi32>
    %shift_right_logical3A_10 = arith.shrui %bitcast_convert_type3A, %shift_right_logical3A_9 : vector<16x1024x128xi32>
    %convert_element_type3A_11 = arith.trunci %shift_right_logical3A_10 : vector<16x1024x128xi32> to vector<16x1024x128xi16>
    %bitcast_convert_type3A_12 = tpu.bitcast %convert_element_type3A_11 : vector<16x1024x128xi16> -> vector<16x1024x128xbf16>
    %slice3A = vector.extract_strided_slice %bitcast_convert_type3A_8 {offsets = [0, 0, 0], sizes = [1, 1024, 128], strides = [1, 1, 1]} : vector<16x1024x128xbf16> to vector<1x1024x128xbf16>
    %squeeze3A = vector.shape_cast %slice3A : vector<1x1024x128xbf16> to vector<1024x128xbf16>
    %slice3A_13 = vector.extract_strided_slice %bitcast_convert_type3A_12 {offsets = [0, 0, 0], sizes = [1, 1024, 128], strides = [1, 1, 1]} : vector<16x1024x128xbf16> to vector<1x1024x128xbf16>
    %squeeze3A_14 = vector.shape_cast %slice3A_13 : vector<1x1024x128xbf16> to vector<1024x128xbf16>
    %slice3A_15 = vector.extract_strided_slice %bitcast_convert_type3A_8 {offsets = [1, 0, 0], sizes = [1, 1024, 128], strides = [1, 1, 1]} : vector<16x1024x128xbf16> to vector<1x1024x128xbf16>
    %squeeze3A_16 = vector.shape_cast %slice3A_15 : vector<1x1024x128xbf16> to vector<1024x128xbf16>
    %max3A = arith.maximumf %squeeze3A, %squeeze3A_16 : vector<1024x128xbf16>
    %slice3A_17 = vector.extract_strided_slice %bitcast_convert_type3A_12 {offsets = [1, 0, 0], sizes = [1, 1024, 128], strides = [1, 1, 1]} : vector<16x1024x128xbf16> to vector<1x1024x128xbf16>
    %squeeze3A_18 = vector.shape_cast %slice3A_17 : vector<1x1024x128xbf16> to vector<1024x128xbf16>
    %max3A_19 = arith.maximumf %squeeze3A_14, %squeeze3A_18 : vector<1024x128xbf16>
    %slice3A_20 = vector.extract_strided_slice %bitcast_convert_type3A_8 {offsets = [2, 0, 0], sizes = [1, 1024, 128], strides = [1, 1, 1]} : vector<16x1024x128xbf16> to vector<1x1024x128xbf16>
    %squeeze3A_21 = vector.shape_cast %slice3A_20 : vector<1x1024x128xbf16> to vector<1024x128xbf16>
    %max3A_22 = arith.maximumf %max3A, %squeeze3A_21 : vector<1024x128xbf16>
    %slice3A_23 = vector.extract_strided_slice %bitcast_convert_type3A_12 {offsets = [2, 0, 0], sizes = [1, 1024, 128], strides = [1, 1, 1]} : vector<16x1024x128xbf16> to vector<1x1024x128xbf16>
    %squeeze3A_24 = vector.shape_cast %slice3A_23 : vector<1x1024x128xbf16> to vector<1024x128xbf16>
    %max3A_25 = arith.maximumf %max3A_19, %squeeze3A_24 : vector<1024x128xbf16>
    %slice3A_26 = vector.extract_strided_slice %bitcast_convert_type3A_8 {offsets = [3, 0, 0], sizes = [1, 1024, 128], strides = [1, 1, 1]} : vector<16x1024x128xbf16> to vector<1x1024x128xbf16>
    %squeeze3A_27 = vector.shape_cast %slice3A_26 : vector<1x1024x128xbf16> to vector<1024x128xbf16>
    %max3A_28 = arith.maximumf %max3A_22, %squeeze3A_27 : vector<1024x128xbf16>
    %slice3A_29 = vector.extract_strided_slice %bitcast_convert_type3A_12 {offsets = [3, 0, 0], sizes = [1, 1024, 128], strides = [1, 1, 1]} : vector<16x1024x128xbf16> to vector<1x1024x128xbf16>
    %squeeze3A_30 = vector.shape_cast %slice3A_29 : vector<1x1024x128xbf16> to vector<1024x128xbf16>
    %max3A_31 = arith.maximumf %max3A_25, %squeeze3A_30 : vector<1024x128xbf16>
    %slice3A_32 = vector.extract_strided_slice %bitcast_convert_type3A_8 {offsets = [4, 0, 0], sizes = [1, 1024, 128], strides = [1, 1, 1]} : vector<16x1024x128xbf16> to vector<1x1024x128xbf16>
    %squeeze3A_33 = vector.shape_cast %slice3A_32 : vector<1x1024x128xbf16> to vector<1024x128xbf16>
    %max3A_34 = arith.maximumf %max3A_28, %squeeze3A_33 : vector<1024x128xbf16>
    %slice3A_35 = vector.extract_strided_slice %bitcast_convert_type3A_12 {offsets = [4, 0, 0], sizes = [1, 1024, 128], strides = [1, 1, 1]} : vector<16x1024x128xbf16> to vector<1x1024x128xbf16>
    %squeeze3A_36 = vector.shape_cast %slice3A_35 : vector<1x1024x128xbf16> to vector<1024x128xbf16>
    %max3A_37 = arith.maximumf %max3A_31, %squeeze3A_36 : vector<1024x128xbf16>
    %slice3A_38 = vector.extract_strided_slice %bitcast_convert_type3A_8 {offsets = [5, 0, 0], sizes = [1, 1024, 128], strides = [1, 1, 1]} : vector<16x1024x128xbf16> to vector<1x1024x128xbf16>
    %squeeze3A_39 = vector.shape_cast %slice3A_38 : vector<1x1024x128xbf16> to vector<1024x128xbf16>
    %max3A_40 = arith.maximumf %max3A_34, %squeeze3A_39 : vector<1024x128xbf16>
    %slice3A_41 = vector.extract_strided_slice %bitcast_convert_type3A_12 {offsets = [5, 0, 0], sizes = [1, 1024, 128], strides = [1, 1, 1]} : vector<16x1024x128xbf16> to vector<1x1024x128xbf16>
    %squeeze3A_42 = vector.shape_cast %slice3A_41 : vector<1x1024x128xbf16> to vector<1024x128xbf16>
    %max3A_43 = arith.maximumf %max3A_37, %squeeze3A_42 : vector<1024x128xbf16>
    %slice3A_44 = vector.extract_strided_slice %bitcast_convert_type3A_8 {offsets = [6, 0, 0], sizes = [1, 1024, 128], strides = [1, 1, 1]} : vector<16x1024x128xbf16> to vector<1x1024x128xbf16>
    %squeeze3A_45 = vector.shape_cast %slice3A_44 : vector<1x1024x128xbf16> to vector<1024x128xbf16>
    %max3A_46 = arith.maximumf %max3A_40, %squeeze3A_45 : vector<1024x128xbf16>
    %slice3A_47 = vector.extract_strided_slice %bitcast_convert_type3A_12 {offsets = [6, 0, 0], sizes = [1, 1024, 128], strides = [1, 1, 1]} : vector<16x1024x128xbf16> to vector<1x1024x128xbf16>
    %squeeze3A_48 = vector.shape_cast %slice3A_47 : vector<1x1024x128xbf16> to vector<1024x128xbf16>
    %max3A_49 = arith.maximumf %max3A_43, %squeeze3A_48 : vector<1024x128xbf16>
    %slice3A_50 = vector.extract_strided_slice %bitcast_convert_type3A_8 {offsets = [7, 0, 0], sizes = [1, 1024, 128], strides = [1, 1, 1]} : vector<16x1024x128xbf16> to vector<1x1024x128xbf16>
    %squeeze3A_51 = vector.shape_cast %slice3A_50 : vector<1x1024x128xbf16> to vector<1024x128xbf16>
    %max3A_52 = arith.maximumf %max3A_46, %squeeze3A_51 : vector<1024x128xbf16>
    %slice3A_53 = vector.extract_strided_slice %bitcast_convert_type3A_12 {offsets = [7, 0, 0], sizes = [1, 1024, 128], strides = [1, 1, 1]} : vector<16x1024x128xbf16> to vector<1x1024x128xbf16>
    %squeeze3A_54 = vector.shape_cast %slice3A_53 : vector<1x1024x128xbf16> to vector<1024x128xbf16>
    %max3A_55 = arith.maximumf %max3A_49, %squeeze3A_54 : vector<1024x128xbf16>
    %slice3A_56 = vector.extract_strided_slice %bitcast_convert_type3A_8 {offsets = [8, 0, 0], sizes = [1, 1024, 128], strides = [1, 1, 1]} : vector<16x1024x128xbf16> to vector<1x1024x128xbf16>
    %squeeze3A_57 = vector.shape_cast %slice3A_56 : vector<1x1024x128xbf16> to vector<1024x128xbf16>
    %max3A_58 = arith.maximumf %max3A_52, %squeeze3A_57 : vector<1024x128xbf16>
    %slice3A_59 = vector.extract_strided_slice %bitcast_convert_type3A_12 {offsets = [8, 0, 0], sizes = [1, 1024, 128], strides = [1, 1, 1]} : vector<16x1024x128xbf16> to vector<1x1024x128xbf16>
    %squeeze3A_60 = vector.shape_cast %slice3A_59 : vector<1x1024x128xbf16> to vector<1024x128xbf16>
    %max3A_61 = arith.maximumf %max3A_55, %squeeze3A_60 : vector<1024x128xbf16>
    %slice3A_62 = vector.extract_strided_slice %bitcast_convert_type3A_8 {offsets = [9, 0, 0], sizes = [1, 1024, 128], strides = [1, 1, 1]} : vector<16x1024x128xbf16> to vector<1x1024x128xbf16>
    %squeeze3A_63 = vector.shape_cast %slice3A_62 : vector<1x1024x128xbf16> to vector<1024x128xbf16>
    %max3A_64 = arith.maximumf %max3A_58, %squeeze3A_63 : vector<1024x128xbf16>
    %slice3A_65 = vector.extract_strided_slice %bitcast_convert_type3A_12 {offsets = [9, 0, 0], sizes = [1, 1024, 128], strides = [1, 1, 1]} : vector<16x1024x128xbf16> to vector<1x1024x128xbf16>
    %squeeze3A_66 = vector.shape_cast %slice3A_65 : vector<1x1024x128xbf16> to vector<1024x128xbf16>
    %max3A_67 = arith.maximumf %max3A_61, %squeeze3A_66 : vector<1024x128xbf16>
    %slice3A_68 = vector.extract_strided_slice %bitcast_convert_type3A_8 {offsets = [10, 0, 0], sizes = [1, 1024, 128], strides = [1, 1, 1]} : vector<16x1024x128xbf16> to vector<1x1024x128xbf16>
    %squeeze3A_69 = vector.shape_cast %slice3A_68 : vector<1x1024x128xbf16> to vector<1024x128xbf16>
    %max3A_70 = arith.maximumf %max3A_64, %squeeze3A_69 : vector<1024x128xbf16>
    %slice3A_71 = vector.extract_strided_slice %bitcast_convert_type3A_12 {offsets = [10, 0, 0], sizes = [1, 1024, 128], strides = [1, 1, 1]} : vector<16x1024x128xbf16> to vector<1x1024x128xbf16>
    %squeeze3A_72 = vector.shape_cast %slice3A_71 : vector<1x1024x128xbf16> to vector<1024x128xbf16>
    %max3A_73 = arith.maximumf %max3A_67, %squeeze3A_72 : vector<1024x128xbf16>
    %slice3A_74 = vector.extract_strided_slice %bitcast_convert_type3A_8 {offsets = [11, 0, 0], sizes = [1, 1024, 128], strides = [1, 1, 1]} : vector<16x1024x128xbf16> to vector<1x1024x128xbf16>
    %squeeze3A_75 = vector.shape_cast %slice3A_74 : vector<1x1024x128xbf16> to vector<1024x128xbf16>
    %max3A_76 = arith.maximumf %max3A_70, %squeeze3A_75 : vector<1024x128xbf16>
    %slice3A_77 = vector.extract_strided_slice %bitcast_convert_type3A_12 {offsets = [11, 0, 0], sizes = [1, 1024, 128], strides = [1, 1, 1]} : vector<16x1024x128xbf16> to vector<1x1024x128xbf16>
    %squeeze3A_78 = vector.shape_cast %slice3A_77 : vector<1x1024x128xbf16> to vector<1024x128xbf16>
    %max3A_79 = arith.maximumf %max3A_73, %squeeze3A_78 : vector<1024x128xbf16>
    %slice3A_80 = vector.extract_strided_slice %bitcast_convert_type3A_8 {offsets = [12, 0, 0], sizes = [1, 1024, 128], strides = [1, 1, 1]} : vector<16x1024x128xbf16> to vector<1x1024x128xbf16>
    %squeeze3A_81 = vector.shape_cast %slice3A_80 : vector<1x1024x128xbf16> to vector<1024x128xbf16>
    %max3A_82 = arith.maximumf %max3A_76, %squeeze3A_81 : vector<1024x128xbf16>
    %slice3A_83 = vector.extract_strided_slice %bitcast_convert_type3A_12 {offsets = [12, 0, 0], sizes = [1, 1024, 128], strides = [1, 1, 1]} : vector<16x1024x128xbf16> to vector<1x1024x128xbf16>
    %squeeze3A_84 = vector.shape_cast %slice3A_83 : vector<1x1024x128xbf16> to vector<1024x128xbf16>
    %max3A_85 = arith.maximumf %max3A_79, %squeeze3A_84 : vector<1024x128xbf16>
    %slice3A_86 = vector.extract_strided_slice %bitcast_convert_type3A_8 {offsets = [13, 0, 0], sizes = [1, 1024, 128], strides = [1, 1, 1]} : vector<16x1024x128xbf16> to vector<1x1024x128xbf16>
    %squeeze3A_87 = vector.shape_cast %slice3A_86 : vector<1x1024x128xbf16> to vector<1024x128xbf16>
    %max3A_88 = arith.maximumf %max3A_82, %squeeze3A_87 : vector<1024x128xbf16>
    %slice3A_89 = vector.extract_strided_slice %bitcast_convert_type3A_12 {offsets = [13, 0, 0], sizes = [1, 1024, 128], strides = [1, 1, 1]} : vector<16x1024x128xbf16> to vector<1x1024x128xbf16>
    %squeeze3A_90 = vector.shape_cast %slice3A_89 : vector<1x1024x128xbf16> to vector<1024x128xbf16>
    %max3A_91 = arith.maximumf %max3A_85, %squeeze3A_90 : vector<1024x128xbf16>
    %slice3A_92 = vector.extract_strided_slice %bitcast_convert_type3A_8 {offsets = [14, 0, 0], sizes = [1, 1024, 128], strides = [1, 1, 1]} : vector<16x1024x128xbf16> to vector<1x1024x128xbf16>
    %squeeze3A_93 = vector.shape_cast %slice3A_92 : vector<1x1024x128xbf16> to vector<1024x128xbf16>
    %max3A_94 = arith.maximumf %max3A_88, %squeeze3A_93 : vector<1024x128xbf16>
    %slice3A_95 = vector.extract_strided_slice %bitcast_convert_type3A_12 {offsets = [14, 0, 0], sizes = [1, 1024, 128], strides = [1, 1, 1]} : vector<16x1024x128xbf16> to vector<1x1024x128xbf16>
    %squeeze3A_96 = vector.shape_cast %slice3A_95 : vector<1x1024x128xbf16> to vector<1024x128xbf16>
    %max3A_97 = arith.maximumf %max3A_91, %squeeze3A_96 : vector<1024x128xbf16>
    %slice3A_98 = vector.extract_strided_slice %bitcast_convert_type3A_8 {offsets = [15, 0, 0], sizes = [1, 1024, 128], strides = [1, 1, 1]} : vector<16x1024x128xbf16> to vector<1x1024x128xbf16>
    %squeeze3A_99 = vector.shape_cast %slice3A_98 : vector<1x1024x128xbf16> to vector<1024x128xbf16>
    %max3A_100 = arith.maximumf %max3A_94, %squeeze3A_99 : vector<1024x128xbf16>
    %slice3A_101 = vector.extract_strided_slice %bitcast_convert_type3A_12 {offsets = [15, 0, 0], sizes = [1, 1024, 128], strides = [1, 1, 1]} : vector<16x1024x128xbf16> to vector<1x1024x128xbf16>
    %squeeze3A_102 = vector.shape_cast %slice3A_101 : vector<1x1024x128xbf16> to vector<1024x128xbf16>
    %max3A_103 = arith.maximumf %max3A_97, %squeeze3A_102 : vector<1024x128xbf16>
    %concatenate3A = tpu.concatenate %max3A_100, %max3A_103 in 1 : vector<1024x128xbf16>, vector<1024x128xbf16> -> vector<1024x256xbf16>
    %convert_element_type3A_104 = arith.extf %concatenate3A : vector<1024x256xbf16> to vector<1024x256xf32>
    %get3A_105 = arith.constant 0 : index
    %get3A_106 = arith.constant 0 : index
    %get3A_107 = vector.load %arg1[%get3A_105, %get3A_106] : memref<1024x256xf32, #tpu.memory_space<vmem>>, vector<1024x256xf32>
    %add3A = arith.addf %get3A_107, %convert_element_type3A_104 : vector<1024x256xf32>
    %get3A_108 = arith.constant 0 : index
    %get3A_109 = arith.constant 0 : index
    %get3A_110 = vector.load %arg3[%get3A_108, %get3A_109] : memref<1x256xf32, #tpu.memory_space<vmem>>, vector<1x256xf32>
    %mul3A = vector.broadcast %get3A_110 : vector<1x256xf32> to vector<1024x256xf32>
    %mul3A_111 = arith.mulf %add3A, %mul3A : vector<1024x256xf32>
    %get3A_112 = arith.constant 0 : index
    %get3A_113 = arith.constant 0 : index
    %get3A_114 = vector.load %arg4[%get3A_112, %get3A_113] : memref<1x256xf32, #tpu.memory_space<vmem>>, vector<1x256xf32>
    %add3A_115 = vector.broadcast %get3A_114 : vector<1x256xf32> to vector<1024x256xf32>
    %add3A_116 = arith.addf %mul3A_111, %add3A_115 : vector<1024x256xf32>
    %convert_element_type3A_117 = arith.truncf %add3A_116 : vector<1024x256xf32> to vector<1024x256xbf16>
    %get3A_118 = arith.constant 0 : index
    %get3A_119 = arith.constant 0 : index
    %get3A_120 = vector.load %arg5[%get3A_118, %get3A_119] : memref<256x512xf32, #tpu.memory_space<vmem>>, vector<256x512xf32>
    %convert_element_type3A_121 = arith.truncf %get3A_120 : vector<256x512xf32> to vector<256x512xbf16>
    %dot_general3A = arith.constant dense<0.000000e+00> : vector<1024x512xf32>
    %dot_general3A_122 = tpu.matmul %convert_element_type3A_117, %convert_element_type3A_121, %dot_general3A {dimension_numbers = #tpu.dot_dimension_numbers<[1], [0], [0], [1], [0, 0, 1, 1], [], []>, transpose_lhs_hint = false} : vector<1024x256xbf16>, vector<256x512xbf16>, vector<1024x512xf32> -> vector<1024x512xf32>
    %integer_pow3A = arith.mulf %dot_general3A_122, %dot_general3A_122 : vector<1024x512xf32>
    %integer_pow3A_123 = arith.mulf %dot_general3A_122, %integer_pow3A : vector<1024x512xf32>
    %mul3A_124 = arith.constant 4.471500e-02 : f32
    %mul3A_125 = vector.broadcast %mul3A_124 : f32 to vector<1024x512xf32>
    %mul3A_126 = arith.mulf %mul3A_125, %integer_pow3A_123 : vector<1024x512xf32>
    %add3A_127 = arith.addf %dot_general3A_122, %mul3A_126 : vector<1024x512xf32>
    %mul3A_128 = arith.constant 0.797884583 : f32
    %mul3A_129 = vector.broadcast %mul3A_128 : f32 to vector<1024x512xf32>
    %mul3A_130 = arith.mulf %mul3A_129, %add3A_127 : vector<1024x512xf32>
    %tanh3A = math.tanh %mul3A_130 : vector<1024x512xf32>
    %add3A_131 = arith.constant 1.000000e+00 : f32
    %add3A_132 = vector.broadcast %add3A_131 : f32 to vector<1024x512xf32>
    %add3A_133 = arith.addf %add3A_132, %tanh3A : vector<1024x512xf32>
    %mul3A_134 = arith.constant 5.000000e-01 : f32
    %mul3A_135 = vector.broadcast %mul3A_134 : f32 to vector<1024x512xf32>
    %mul3A_136 = arith.mulf %mul3A_135, %add3A_133 : vector<1024x512xf32>
    %mul3A_137 = arith.mulf %dot_general3A_122, %mul3A_136 : vector<1024x512xf32>
    %convert_element_type3A_138 = arith.truncf %mul3A_137 : vector<1024x512xf32> to vector<1024x512xbf16>
    %get3A_139 = arith.constant 0 : index
    %get3A_140 = arith.constant 0 : index
    %get3A_141 = vector.load %arg6[%get3A_139, %get3A_140] : memref<512x256xf32, #tpu.memory_space<vmem>>, vector<512x256xf32>
    %convert_element_type3A_142 = arith.truncf %get3A_141 : vector<512x256xf32> to vector<512x256xbf16>
    %dot_general3A_143 = arith.constant dense<0.000000e+00> : vector<1024x256xf32>
    %dot_general3A_144 = tpu.matmul %convert_element_type3A_138, %convert_element_type3A_142, %dot_general3A_143 {dimension_numbers = #tpu.dot_dimension_numbers<[1], [0], [0], [1], [0, 0, 1, 1], [], []>, transpose_lhs_hint = false} : vector<1024x512xbf16>, vector<512x256xbf16>, vector<1024x256xf32> -> vector<1024x256xf32>
    %add3A_145 = arith.addf %add3A, %dot_general3A_144 : vector<1024x256xf32>
    %convert_element_type3A_146 = arith.truncf %add3A_145 : vector<1024x256xf32> to vector<1024x256xbf16>
    %get3A_147 = arith.constant 0 : index
    %get3A_148 = arith.constant 0 : index
    %get3A_149 = vector.load %arg7[%get3A_147, %get3A_148] : memref<256x512xf32, #tpu.memory_space<vmem>>, vector<256x512xf32>
    %convert_element_type3A_150 = arith.truncf %get3A_149 : vector<256x512xf32> to vector<256x512xbf16>
    %dot_general3A_151 = arith.constant dense<0.000000e+00> : vector<1024x512xf32>
    %dot_general3A_152 = tpu.matmul %convert_element_type3A_146, %convert_element_type3A_150, %dot_general3A_151 {dimension_numbers = #tpu.dot_dimension_numbers<[1], [0], [0], [1], [0, 0, 1, 1], [], []>, transpose_lhs_hint = false} : vector<1024x256xbf16>, vector<256x512xbf16>, vector<1024x512xf32> -> vector<1024x512xf32>
    %slice3A_153 = vector.extract_strided_slice %dot_general3A_152 {offsets = [0, 0], sizes = [1024, 256], strides = [1, 1]} : vector<1024x512xf32> to vector<1024x256xf32>
    %slice3A_154 = vector.extract_strided_slice %dot_general3A_152 {offsets = [0, 256], sizes = [1024, 256], strides = [1, 1]} : vector<1024x512xf32> to vector<1024x256xf32>
    %get3A_155 = arith.constant 0 : index
    %get3A_156 = arith.constant 0 : index
    %get3A_157 = vector.load %arg8[%get3A_155, %get3A_156] : memref<256x256xf32, #tpu.memory_space<vmem>>, vector<256x256xf32>
    %convert_element_type3A_158 = arith.truncf %get3A_157 : vector<256x256xf32> to vector<256x256xbf16>
    %dot_general3A_159 = arith.constant dense<0.000000e+00> : vector<1024x256xf32>
    %dot_general3A_160 = tpu.matmul %convert_element_type3A_146, %convert_element_type3A_158, %dot_general3A_159 {dimension_numbers = #tpu.dot_dimension_numbers<[1], [0], [0], [1], [0, 0, 1, 1], [], []>, transpose_lhs_hint = false} : vector<1024x256xbf16>, vector<256x256xbf16>, vector<1024x256xf32> -> vector<1024x256xf32>
    %logistic3A = arith.negf %dot_general3A_160 : vector<1024x256xf32>
    %logistic3A_161 = math.exp %logistic3A : vector<1024x256xf32>
    %logistic3A_162 = arith.constant 1.000000e+00 : f32
    %logistic3A_163 = vector.broadcast %logistic3A_162 : f32 to vector<1024x256xf32>
    %logistic3A_164 = arith.addf %logistic3A_163, %logistic3A_161 : vector<1024x256xf32>
    %logistic3A_165 = arith.divf %logistic3A_163, %logistic3A_164 : vector<1024x256xf32>
    %broadcast_in_dim3A = arith.constant 0.000000e+00 : f32
    %broadcast_in_dim3A_166 = vector.broadcast %broadcast_in_dim3A : f32 to vector<1x256xf32>
    %slice3A_167 = vector.extract_strided_slice %slice3A_153 {offsets = [0, 0], sizes = [1023, 256], strides = [1, 1]} : vector<1024x256xf32> to vector<1023x256xf32>
    %concatenate3A_168 = tpu.concatenate %broadcast_in_dim3A_166, %slice3A_167 in 0 : vector<1x256xf32>, vector<1023x256xf32> -> vector<1024x256xf32>
    %mul3A_169 = arith.mulf %logistic3A_165, %concatenate3A_168 : vector<1024x256xf32>
    %add3A_170 = arith.addf %slice3A_153, %mul3A_169 : vector<1024x256xf32>
    %broadcast_in_dim3A_171 = arith.constant 1.000000e+00 : f32
    %broadcast_in_dim3A_172 = vector.broadcast %broadcast_in_dim3A_171 : f32 to vector<1x256xf32>
    %slice3A_173 = vector.extract_strided_slice %logistic3A_165 {offsets = [0, 0], sizes = [1023, 256], strides = [1, 1]} : vector<1024x256xf32> to vector<1023x256xf32>
    %concatenate3A_174 = tpu.concatenate %broadcast_in_dim3A_172, %slice3A_173 in 0 : vector<1x256xf32>, vector<1023x256xf32> -> vector<1024x256xf32>
    %mul3A_175 = arith.mulf %logistic3A_165, %concatenate3A_174 : vector<1024x256xf32>
    %broadcast_in_dim3A_176 = arith.constant 0.000000e+00 : f32
    %broadcast_in_dim3A_177 = vector.broadcast %broadcast_in_dim3A_176 : f32 to vector<2x256xf32>
    %slice3A_178 = vector.extract_strided_slice %add3A_170 {offsets = [0, 0], sizes = [1022, 256], strides = [1, 1]} : vector<1024x256xf32> to vector<1022x256xf32>
    %concatenate3A_179 = tpu.concatenate %broadcast_in_dim3A_177, %slice3A_178 in 0 : vector<2x256xf32>, vector<1022x256xf32> -> vector<1024x256xf32>
    %mul3A_180 = arith.mulf %mul3A_175, %concatenate3A_179 : vector<1024x256xf32>
    %add3A_181 = arith.addf %add3A_170, %mul3A_180 : vector<1024x256xf32>
    %broadcast_in_dim3A_182 = arith.constant 1.000000e+00 : f32
    %broadcast_in_dim3A_183 = vector.broadcast %broadcast_in_dim3A_182 : f32 to vector<2x256xf32>
    %slice3A_184 = vector.extract_strided_slice %mul3A_175 {offsets = [0, 0], sizes = [1022, 256], strides = [1, 1]} : vector<1024x256xf32> to vector<1022x256xf32>
    %concatenate3A_185 = tpu.concatenate %broadcast_in_dim3A_183, %slice3A_184 in 0 : vector<2x256xf32>, vector<1022x256xf32> -> vector<1024x256xf32>
    %mul3A_186 = arith.mulf %mul3A_175, %concatenate3A_185 : vector<1024x256xf32>
    %broadcast_in_dim3A_187 = arith.constant 0.000000e+00 : f32
    %broadcast_in_dim3A_188 = vector.broadcast %broadcast_in_dim3A_187 : f32 to vector<4x256xf32>
    %slice3A_189 = vector.extract_strided_slice %add3A_181 {offsets = [0, 0], sizes = [1020, 256], strides = [1, 1]} : vector<1024x256xf32> to vector<1020x256xf32>
    %concatenate3A_190 = tpu.concatenate %broadcast_in_dim3A_188, %slice3A_189 in 0 : vector<4x256xf32>, vector<1020x256xf32> -> vector<1024x256xf32>
    %mul3A_191 = arith.mulf %mul3A_186, %concatenate3A_190 : vector<1024x256xf32>
    %add3A_192 = arith.addf %add3A_181, %mul3A_191 : vector<1024x256xf32>
    %broadcast_in_dim3A_193 = arith.constant 1.000000e+00 : f32
    %broadcast_in_dim3A_194 = vector.broadcast %broadcast_in_dim3A_193 : f32 to vector<4x256xf32>
    %slice3A_195 = vector.extract_strided_slice %mul3A_186 {offsets = [0, 0], sizes = [1020, 256], strides = [1, 1]} : vector<1024x256xf32> to vector<1020x256xf32>
    %concatenate3A_196 = tpu.concatenate %broadcast_in_dim3A_194, %slice3A_195 in 0 : vector<4x256xf32>, vector<1020x256xf32> -> vector<1024x256xf32>
    %mul3A_197 = arith.mulf %mul3A_186, %concatenate3A_196 : vector<1024x256xf32>
    %broadcast_in_dim3A_198 = arith.constant 0.000000e+00 : f32
    %broadcast_in_dim3A_199 = vector.broadcast %broadcast_in_dim3A_198 : f32 to vector<8x256xf32>
    %slice3A_200 = vector.extract_strided_slice %add3A_192 {offsets = [0, 0], sizes = [1016, 256], strides = [1, 1]} : vector<1024x256xf32> to vector<1016x256xf32>
    %concatenate3A_201 = tpu.concatenate %broadcast_in_dim3A_199, %slice3A_200 in 0 : vector<8x256xf32>, vector<1016x256xf32> -> vector<1024x256xf32>
    %mul3A_202 = arith.mulf %mul3A_197, %concatenate3A_201 : vector<1024x256xf32>
    %add3A_203 = arith.addf %add3A_192, %mul3A_202 : vector<1024x256xf32>
    %broadcast_in_dim3A_204 = arith.constant 1.000000e+00 : f32
    %broadcast_in_dim3A_205 = vector.broadcast %broadcast_in_dim3A_204 : f32 to vector<8x256xf32>
    %slice3A_206 = vector.extract_strided_slice %mul3A_197 {offsets = [0, 0], sizes = [1016, 256], strides = [1, 1]} : vector<1024x256xf32> to vector<1016x256xf32>
    %concatenate3A_207 = tpu.concatenate %broadcast_in_dim3A_205, %slice3A_206 in 0 : vector<8x256xf32>, vector<1016x256xf32> -> vector<1024x256xf32>
    %mul3A_208 = arith.mulf %mul3A_197, %concatenate3A_207 : vector<1024x256xf32>
    %broadcast_in_dim3A_209 = arith.constant 0.000000e+00 : f32
    %broadcast_in_dim3A_210 = vector.broadcast %broadcast_in_dim3A_209 : f32 to vector<16x256xf32>
    %slice3A_211 = vector.extract_strided_slice %add3A_203 {offsets = [0, 0], sizes = [1008, 256], strides = [1, 1]} : vector<1024x256xf32> to vector<1008x256xf32>
    %concatenate3A_212 = tpu.concatenate %broadcast_in_dim3A_210, %slice3A_211 in 0 : vector<16x256xf32>, vector<1008x256xf32> -> vector<1024x256xf32>
    %mul3A_213 = arith.mulf %mul3A_208, %concatenate3A_212 : vector<1024x256xf32>
    %add3A_214 = arith.addf %add3A_203, %mul3A_213 : vector<1024x256xf32>
    %broadcast_in_dim3A_215 = arith.constant 1.000000e+00 : f32
    %broadcast_in_dim3A_216 = vector.broadcast %broadcast_in_dim3A_215 : f32 to vector<16x256xf32>
    %slice3A_217 = vector.extract_strided_slice %mul3A_208 {offsets = [0, 0], sizes = [1008, 256], strides = [1, 1]} : vector<1024x256xf32> to vector<1008x256xf32>
    %concatenate3A_218 = tpu.concatenate %broadcast_in_dim3A_216, %slice3A_217 in 0 : vector<16x256xf32>, vector<1008x256xf32> -> vector<1024x256xf32>
    %mul3A_219 = arith.mulf %mul3A_208, %concatenate3A_218 : vector<1024x256xf32>
    %broadcast_in_dim3A_220 = arith.constant 0.000000e+00 : f32
    %broadcast_in_dim3A_221 = vector.broadcast %broadcast_in_dim3A_220 : f32 to vector<32x256xf32>
    %slice3A_222 = vector.extract_strided_slice %add3A_214 {offsets = [0, 0], sizes = [992, 256], strides = [1, 1]} : vector<1024x256xf32> to vector<992x256xf32>
    %concatenate3A_223 = tpu.concatenate %broadcast_in_dim3A_221, %slice3A_222 in 0 : vector<32x256xf32>, vector<992x256xf32> -> vector<1024x256xf32>
    %mul3A_224 = arith.mulf %mul3A_219, %concatenate3A_223 : vector<1024x256xf32>
    %add3A_225 = arith.addf %add3A_214, %mul3A_224 : vector<1024x256xf32>
    %broadcast_in_dim3A_226 = arith.constant 1.000000e+00 : f32
    %broadcast_in_dim3A_227 = vector.broadcast %broadcast_in_dim3A_226 : f32 to vector<32x256xf32>
    %slice3A_228 = vector.extract_strided_slice %mul3A_219 {offsets = [0, 0], sizes = [992, 256], strides = [1, 1]} : vector<1024x256xf32> to vector<992x256xf32>
    %concatenate3A_229 = tpu.concatenate %broadcast_in_dim3A_227, %slice3A_228 in 0 : vector<32x256xf32>, vector<992x256xf32> -> vector<1024x256xf32>
    %mul3A_230 = arith.mulf %mul3A_219, %concatenate3A_229 : vector<1024x256xf32>
    %broadcast_in_dim3A_231 = arith.constant 0.000000e+00 : f32
    %broadcast_in_dim3A_232 = vector.broadcast %broadcast_in_dim3A_231 : f32 to vector<64x256xf32>
    %slice3A_233 = vector.extract_strided_slice %add3A_225 {offsets = [0, 0], sizes = [960, 256], strides = [1, 1]} : vector<1024x256xf32> to vector<960x256xf32>
    %concatenate3A_234 = tpu.concatenate %broadcast_in_dim3A_232, %slice3A_233 in 0 : vector<64x256xf32>, vector<960x256xf32> -> vector<1024x256xf32>
    %mul3A_235 = arith.mulf %mul3A_230, %concatenate3A_234 : vector<1024x256xf32>
    %add3A_236 = arith.addf %add3A_225, %mul3A_235 : vector<1024x256xf32>
    %broadcast_in_dim3A_237 = arith.constant 1.000000e+00 : f32
    %broadcast_in_dim3A_238 = vector.broadcast %broadcast_in_dim3A_237 : f32 to vector<64x256xf32>
    %slice3A_239 = vector.extract_strided_slice %mul3A_230 {offsets = [0, 0], sizes = [960, 256], strides = [1, 1]} : vector<1024x256xf32> to vector<960x256xf32>
    %concatenate3A_240 = tpu.concatenate %broadcast_in_dim3A_238, %slice3A_239 in 0 : vector<64x256xf32>, vector<960x256xf32> -> vector<1024x256xf32>
    %mul3A_241 = arith.mulf %mul3A_230, %concatenate3A_240 : vector<1024x256xf32>
    %broadcast_in_dim3A_242 = arith.constant 0.000000e+00 : f32
    %broadcast_in_dim3A_243 = vector.broadcast %broadcast_in_dim3A_242 : f32 to vector<128x256xf32>
    %slice3A_244 = vector.extract_strided_slice %add3A_236 {offsets = [0, 0], sizes = [896, 256], strides = [1, 1]} : vector<1024x256xf32> to vector<896x256xf32>
    %concatenate3A_245 = tpu.concatenate %broadcast_in_dim3A_243, %slice3A_244 in 0 : vector<128x256xf32>, vector<896x256xf32> -> vector<1024x256xf32>
    %mul3A_246 = arith.mulf %mul3A_241, %concatenate3A_245 : vector<1024x256xf32>
    %add3A_247 = arith.addf %add3A_236, %mul3A_246 : vector<1024x256xf32>
    %broadcast_in_dim3A_248 = arith.constant 1.000000e+00 : f32
    %broadcast_in_dim3A_249 = vector.broadcast %broadcast_in_dim3A_248 : f32 to vector<128x256xf32>
    %slice3A_250 = vector.extract_strided_slice %mul3A_241 {offsets = [0, 0], sizes = [896, 256], strides = [1, 1]} : vector<1024x256xf32> to vector<896x256xf32>
    %concatenate3A_251 = tpu.concatenate %broadcast_in_dim3A_249, %slice3A_250 in 0 : vector<128x256xf32>, vector<896x256xf32> -> vector<1024x256xf32>
    %mul3A_252 = arith.mulf %mul3A_241, %concatenate3A_251 : vector<1024x256xf32>
    %broadcast_in_dim3A_253 = arith.constant 0.000000e+00 : f32
    %broadcast_in_dim3A_254 = vector.broadcast %broadcast_in_dim3A_253 : f32 to vector<256x256xf32>
    %slice3A_255 = vector.extract_strided_slice %add3A_247 {offsets = [0, 0], sizes = [768, 256], strides = [1, 1]} : vector<1024x256xf32> to vector<768x256xf32>
    %concatenate3A_256 = tpu.concatenate %broadcast_in_dim3A_254, %slice3A_255 in 0 : vector<256x256xf32>, vector<768x256xf32> -> vector<1024x256xf32>
    %mul3A_257 = arith.mulf %mul3A_252, %concatenate3A_256 : vector<1024x256xf32>
    %add3A_258 = arith.addf %add3A_247, %mul3A_257 : vector<1024x256xf32>
    %broadcast_in_dim3A_259 = arith.constant 1.000000e+00 : f32
    %broadcast_in_dim3A_260 = vector.broadcast %broadcast_in_dim3A_259 : f32 to vector<256x256xf32>
    %slice3A_261 = vector.extract_strided_slice %mul3A_252 {offsets = [0, 0], sizes = [768, 256], strides = [1, 1]} : vector<1024x256xf32> to vector<768x256xf32>
    %concatenate3A_262 = tpu.concatenate %broadcast_in_dim3A_260, %slice3A_261 in 0 : vector<256x256xf32>, vector<768x256xf32> -> vector<1024x256xf32>
    %mul3A_263 = arith.mulf %mul3A_252, %concatenate3A_262 : vector<1024x256xf32>
    %broadcast_in_dim3A_264 = arith.constant 0.000000e+00 : f32
    %broadcast_in_dim3A_265 = vector.broadcast %broadcast_in_dim3A_264 : f32 to vector<512x256xf32>
    %slice3A_266 = vector.extract_strided_slice %add3A_258 {offsets = [0, 0], sizes = [512, 256], strides = [1, 1]} : vector<1024x256xf32> to vector<512x256xf32>
    %concatenate3A_267 = tpu.concatenate %broadcast_in_dim3A_265, %slice3A_266 in 0 : vector<512x256xf32>, vector<512x256xf32> -> vector<1024x256xf32>
    %mul3A_268 = arith.mulf %mul3A_263, %concatenate3A_267 : vector<1024x256xf32>
    %add3A_269 = arith.addf %add3A_258, %mul3A_268 : vector<1024x256xf32>
    %broadcast_in_dim3A_270 = arith.constant 1.000000e+00 : f32
    %broadcast_in_dim3A_271 = vector.broadcast %broadcast_in_dim3A_270 : f32 to vector<512x256xf32>
    %slice3A_272 = vector.extract_strided_slice %mul3A_263 {offsets = [0, 0], sizes = [512, 256], strides = [1, 1]} : vector<1024x256xf32> to vector<512x256xf32>
    %concatenate3A_273 = tpu.concatenate %broadcast_in_dim3A_271, %slice3A_272 in 0 : vector<512x256xf32>, vector<512x256xf32> -> vector<1024x256xf32>
    %mul3A_274 = arith.mulf %mul3A_263, %concatenate3A_273 : vector<1024x256xf32>
    %get3A_275 = arith.constant 0 : index
    %get3A_276 = arith.constant 0 : index
    %get3A_277 = vector.load %arg16[%get3A_275, %get3A_276] : memref<1x256xf32, #tpu.memory_space<vmem>>, vector<1x256xf32>
    %mul3A_278 = vector.broadcast %get3A_277 : vector<1x256xf32> to vector<1024x256xf32>
    %mul3A_279 = arith.mulf %mul3A_274, %mul3A_278 : vector<1024x256xf32>
    %add3A_280 = arith.addf %add3A_269, %mul3A_279 : vector<1024x256xf32>
    %slice3A_281 = vector.extract_strided_slice %add3A_280 {offsets = [1023, 0], sizes = [1, 256], strides = [1, 1]} : vector<1024x256xf32> to vector<1x256xf32>
    %swap3A = arith.constant 0 : index
    %swap3A_282 = arith.constant 0 : index
    %swap3A_283 = vector.load %arg16[%swap3A, %swap3A_282] : memref<1x256xf32, #tpu.memory_space<vmem>>, vector<1x256xf32>
    tpu.vector_store %arg16[%swap3A, %swap3A_282], %slice3A_281 {strides = array<i32>} : memref<1x256xf32, #tpu.memory_space<vmem>>, vector<1x256xf32>,
    %slice3A_284 = vector.extract_strided_slice %add3A_280 {offsets = [1023, 0], sizes = [1, 256], strides = [1, 1]} : vector<1024x256xf32> to vector<1x256xf32>
    %broadcast_in_dim3A_285 = vector.shape_cast %slice3A_284 : vector<1x256xf32> to vector<1x256xf32>
    %broadcast_in_dim3A_286 = vector.broadcast %broadcast_in_dim3A_285 : vector<1x256xf32> to vector<8x256xf32>
    %swap3A_287 = arith.constant 0 : index
    %swap3A_288 = arith.constant 0 : index
    %swap3A_289 = vector.load %arg15[%swap3A_287, %swap3A_288] : memref<8x256xf32, #tpu.memory_space<vmem>>, vector<8x256xf32>
    tpu.vector_store %arg15[%swap3A_287, %swap3A_288], %broadcast_in_dim3A_286 {strides = array<i32>} : memref<8x256xf32, #tpu.memory_space<vmem>>, vector<8x256xf32>,
    %logistic3A_290 = arith.negf %slice3A_154 : vector<1024x256xf32>
    %logistic3A_291 = math.exp %logistic3A_290 : vector<1024x256xf32>
    %logistic3A_292 = arith.constant 1.000000e+00 : f32
    %logistic3A_293 = vector.broadcast %logistic3A_292 : f32 to vector<1024x256xf32>
    %logistic3A_294 = arith.addf %logistic3A_293, %logistic3A_291 : vector<1024x256xf32>
    %logistic3A_295 = arith.divf %logistic3A_293, %logistic3A_294 : vector<1024x256xf32>
    %mul3A_296 = arith.mulf %slice3A_154, %logistic3A_295 : vector<1024x256xf32>
    %mul3A_297 = arith.mulf %mul3A_296, %add3A_280 : vector<1024x256xf32>
    %convert_element_type3A_298 = arith.truncf %mul3A_297 : vector<1024x256xf32> to vector<1024x256xbf16>
    %get3A_299 = arith.constant 0 : index
    %get3A_300 = arith.constant 0 : index
    %get3A_301 = vector.load %arg9[%get3A_299, %get3A_300] : memref<256x256xf32, #tpu.memory_space<vmem>>, vector<256x256xf32>
    %convert_element_type3A_302 = arith.truncf %get3A_301 : vector<256x256xf32> to vector<256x256xbf16>
    %dot_general3A_303 = arith.constant dense<0.000000e+00> : vector<1024x256xf32>
    %dot_general3A_304 = tpu.matmul %convert_element_type3A_298, %convert_element_type3A_302, %dot_general3A_303 {dimension_numbers = #tpu.dot_dimension_numbers<[1], [0], [0], [1], [0, 0, 1, 1], [], []>, transpose_lhs_hint = false} : vector<1024x256xbf16>, vector<256x256xbf16>, vector<1024x256xf32> -> vector<1024x256xf32>
    %add3A_305 = arith.addf %add3A_145, %dot_general3A_304 : vector<1024x256xf32>
    %get3A_306 = arith.constant 0 : index
    %get3A_307 = arith.constant 0 : index
    %get3A_308 = vector.load %arg10[%get3A_306, %get3A_307] : memref<1x256xf32, #tpu.memory_space<vmem>>, vector<1x256xf32>
    %mul3A_309 = vector.broadcast %get3A_308 : vector<1x256xf32> to vector<1024x256xf32>
    %mul3A_310 = arith.mulf %add3A_305, %mul3A_309 : vector<1024x256xf32>
    %get3A_311 = arith.constant 0 : index
    %get3A_312 = arith.constant 0 : index
    %get3A_313 = vector.load %arg11[%get3A_311, %get3A_312] : memref<1x256xf32, #tpu.memory_space<vmem>>, vector<1x256xf32>
    %add3A_314 = vector.broadcast %get3A_313 : vector<1x256xf32> to vector<1024x256xf32>
    %add3A_315 = arith.addf %mul3A_310, %add3A_314 : vector<1024x256xf32>
    %convert_element_type3A_316 = arith.truncf %add3A_315 : vector<1024x256xf32> to vector<1024x256xbf16>
    %get3A_317 = arith.constant 0 : index
    %get3A_318 = arith.constant 0 : index
    %get3A_319 = vector.load %arg12[%get3A_317, %get3A_318] : memref<256x256xf32, #tpu.memory_space<vmem>>, vector<256x256xf32>
    %convert_element_type3A_320 = arith.truncf %get3A_319 : vector<256x256xf32> to vector<256x256xbf16>
    %dot_general3A_321 = arith.constant dense<0.000000e+00> : vector<1024x256xf32>
    %dot_general3A_322 = tpu.matmul %convert_element_type3A_316, %convert_element_type3A_320, %dot_general3A_321 {dimension_numbers = #tpu.dot_dimension_numbers<[1], [0], [0], [1], [0, 0, 1, 1], [], []>, transpose_lhs_hint = false} : vector<1024x256xbf16>, vector<256x256xbf16>, vector<1024x256xf32> -> vector<1024x256xf32>
    %swap3A_323 = arith.constant 0 : index
    %swap3A_324 = arith.constant 0 : index
    %swap3A_325 = vector.load %arg14[%swap3A_323, %swap3A_324] : memref<1024x256xf32, #tpu.memory_space<vmem>>, vector<1024x256xf32>
    tpu.vector_store %arg14[%swap3A_323, %swap3A_324], %dot_general3A_322 {strides = array<i32>} : memref<1024x256xf32, #tpu.memory_space<vmem>>, vector<1024x256xf32>,
    return
  }
  func.func @transform_0(%arg0: i32) -> (i32, i32) {
    %add3A = arith.constant 0 : i32
    %add3A_0 = arith.addi %arg0, %add3A : i32
    %c0_i32 = arith.constant 0 : i32
    %c0_i32_1 = arith.constant 0 : i32
    return %add3A_0, %c0_i32 : i32, i32
  }
  func.func @transform_1(%arg0: i32) -> (i32, i32, i32) {
    %c0_i32 = arith.constant 0 : i32
    %c0_i32_0 = arith.constant 0 : i32
    %c0_i32_1 = arith.constant 0 : i32
    return %c0_i32, %arg0, %c0_i32_0 : i32, i32, i32
  }
  func.func @transform_2(%arg0: i32) -> (i32, i32) {
    %c0_i32 = arith.constant 0 : i32
    %c0_i32_0 = arith.constant 0 : i32
    %c0_i32_1 = arith.constant 0 : i32
    return %c0_i32, %c0_i32_0 : i32, i32
  }
  func.func @transform_3(%arg0: i32) -> (i32, i32) {
    %c0_i32 = arith.constant 0 : i32
    %c0_i32_0 = arith.constant 0 : i32
    %c0_i32_1 = arith.constant 0 : i32
    return %c0_i32, %c0_i32_0 : i32, i32
  }
  func.func @transform_4(%arg0: i32) -> (i32, i32) {
    %c0_i32 = arith.constant 0 : i32
    %c0_i32_0 = arith.constant 0 : i32
    %c0_i32_1 = arith.constant 0 : i32
    return %c0_i32, %c0_i32_0 : i32, i32
  }
  func.func @transform_5(%arg0: i32) -> (i32, i32) {
    %c0_i32 = arith.constant 0 : i32
    %c0_i32_0 = arith.constant 0 : i32
    %c0_i32_1 = arith.constant 0 : i32
    return %c0_i32, %c0_i32_0 : i32, i32
  }
  func.func @transform_6(%arg0: i32) -> (i32, i32) {
    %c0_i32 = arith.constant 0 : i32
    %c0_i32_0 = arith.constant 0 : i32
    %c0_i32_1 = arith.constant 0 : i32
    return %c0_i32, %c0_i32_0 : i32, i32
  }
  func.func @transform_7(%arg0: i32) -> (i32, i32) {
    %c0_i32 = arith.constant 0 : i32
    %c0_i32_0 = arith.constant 0 : i32
    %c0_i32_1 = arith.constant 0 : i32
    return %c0_i32, %c0_i32_0 : i32, i32
  }
  func.func @transform_8(%arg0: i32) -> (i32, i32) {
    %c0_i32 = arith.constant 0 : i32
    %c0_i32_0 = arith.constant 0 : i32
    %c0_i32_1 = arith.constant 0 : i32
    return %c0_i32, %c0_i32_0 : i32, i32
  }
  func.func @transform_9(%arg0: i32) -> (i32, i32) {
    %c0_i32 = arith.constant 0 : i32
    %c0_i32_0 = arith.constant 0 : i32
    %c0_i32_1 = arith.constant 0 : i32
    return %c0_i32, %c0_i32_0 : i32, i32
  }
  func.func @transform_10(%arg0: i32) -> (i32, i32) {
    %c0_i32 = arith.constant 0 : i32
    %c0_i32_0 = arith.constant 0 : i32
    %c0_i32_1 = arith.constant 0 : i32
    return %c0_i32, %c0_i32_0 : i32, i32
  }
  func.func @transform_11(%arg0: i32) -> (i32, i32) {
    %c0_i32 = arith.constant 0 : i32
    %c0_i32_0 = arith.constant 0 : i32
    %c0_i32_1 = arith.constant 0 : i32
    return %c0_i32, %c0_i32_0 : i32, i32
  }
  func.func @transform_12(%arg0: i32) -> (i32, i32) {
    %c0_i32 = arith.constant 0 : i32
    %c0_i32_0 = arith.constant 0 : i32
    %c0_i32_1 = arith.constant 0 : i32
    return %c0_i32, %c0_i32_0 : i32, i32
  }
  func.func @transform_13(%arg0: i32) -> (i32, i32) {
    %c0_i32 = arith.constant 0 : i32
    %c0_i32_0 = arith.constant 0 : i32
    return %arg0, %c0_i32 : i32, i32
  }
  func.func @transform_14(%arg0: i32) -> (i32, i32) {
    %c0_i32 = arith.constant 0 : i32
    %c0_i32_0 = arith.constant 0 : i32
    %c0_i32_1 = arith.constant 0 : i32
    return %c0_i32, %c0_i32_0 : i32, i32
  }
}

module attributes {stable_mosaic.version = 14 : i64} {
  func.func @body(%arg0: i32, %arg1: memref<1024x256xf32, #tpu.memory_space<vmem>>, %arg2: memref<16x1024x128xi32, #tpu.memory_space<vmem>>, %arg3: memref<1x256xf32, #tpu.memory_space<vmem>>, %arg4: memref<1x256xf32, #tpu.memory_space<vmem>>, %arg5: memref<256x512xf32, #tpu.memory_space<vmem>>, %arg6: memref<512x256xf32, #tpu.memory_space<vmem>>, %arg7: memref<256x512xf32, #tpu.memory_space<vmem>>, %arg8: memref<256x256xf32, #tpu.memory_space<vmem>>, %arg9: memref<256x256xf32, #tpu.memory_space<vmem>>, %arg10: memref<1x256xf32, #tpu.memory_space<vmem>>, %arg11: memref<1x256xf32, #tpu.memory_space<vmem>>, %arg12: memref<256x256xf32, #tpu.memory_space<vmem>>, %arg13: memref<8x256xf32, #tpu.memory_space<vmem>>, %arg14: memref<1024x256xf32, #tpu.memory_space<vmem>>, %arg15: memref<8x256xf32, #tpu.memory_space<vmem>>, %arg16: memref<1x256xf32, #tpu.memory_space<vmem>>) attributes {dimension_semantics = [#tpu.dimension_semantics<arbitrary>], iteration_bounds = array<i64: 5>, scalar_prefetch = 0 : i64, scratch_operands = 1 : i64, tpu.core_type = #tpu.core_type<tc>, window_params = [{transform_indices = @transform_0, window_bounds = array<i64: 1024, 256>}, {transform_indices = @transform_1, window_bounds = array<i64: 16, 1024, 128>}, {pipeline_mode = #tpu.pipeline_mode<synchronous>, transform_indices = @transform_2, window_bounds = array<i64: 1, 256>}, {pipeline_mode = #tpu.pipeline_mode<synchronous>, transform_indices = @transform_3, window_bounds = array<i64: 1, 256>}, {pipeline_mode = #tpu.pipeline_mode<synchronous>, transform_indices = @transform_4, window_bounds = array<i64: 256, 512>}, {pipeline_mode = #tpu.pipeline_mode<synchronous>, transform_indices = @transform_5, window_bounds = array<i64: 512, 256>}, {pipeline_mode = #tpu.pipeline_mode<synchronous>, transform_indices = @transform_6, window_bounds = array<i64: 256, 512>}, {pipeline_mode = #tpu.pipeline_mode<synchronous>, transform_indices = @transform_7, window_bounds = array<i64: 256, 256>}, {pipeline_mode = #tpu.pipeline_mode<synchronous>, transform_indices = @transform_8, window_bounds = array<i64: 256, 256>}, {pipeline_mode = #tpu.pipeline_mode<synchronous>, transform_indices = @transform_9, window_bounds = array<i64: 1, 256>}, {pipeline_mode = #tpu.pipeline_mode<synchronous>, transform_indices = @transform_10, window_bounds = array<i64: 1, 256>}, {pipeline_mode = #tpu.pipeline_mode<synchronous>, transform_indices = @transform_11, window_bounds = array<i64: 256, 256>}, {pipeline_mode = #tpu.pipeline_mode<synchronous>, transform_indices = @transform_12, window_bounds = array<i64: 8, 256>}, {transform_indices = @transform_13, window_bounds = array<i64: 1024, 256>}, {pipeline_mode = #tpu.pipeline_mode<synchronous>, transform_indices = @transform_14, window_bounds = array<i64: 8, 256>}]} {
    %eq3A = arith.constant 0 : i32
    %eq3A_0 = arith.cmpi eq, %arg0, %eq3A : i32
    %convert_element_type3A = arith.extui %eq3A_0 : i1 to i32
    %cond3A = arith.constant 0 : i32
    %cond3A_1 = arith.cmpi ne, %convert_element_type3A, %cond3A : i32
    scf.if %cond3A_1 {
      %get3A_326 = arith.constant 0 : index
      %get3A_327 = arith.constant 0 : index
      %get3A_328 = vector.load %arg13[%get3A_326, %get3A_327] : memref<8x256xf32, #tpu.memory_space<vmem>>, vector<1x256xf32>
      %swap3A_329 = arith.constant 0 : index
      %swap3A_330 = arith.constant 0 : index
      %swap3A_331 = vector.load %arg16[%swap3A_329, %swap3A_330] : memref<1x256xf32, #tpu.memory_space<vmem>>, vector<1x256xf32>
      tpu.vector_store %arg16[%swap3A_329, %swap3A_330], %get3A_328 {strides = array<i32>} : memref<1x256xf32, #tpu.memory_space<vmem>>, vector<1x256xf32>,
    } else {
    }
    %get3A = arith.constant 0 : index
    %get3A_2 = arith.constant 0 : index
    %get3A_3 = arith.constant 0 : index
    %get3A_4 = vector.load %arg2[%get3A, %get3A_2, %get3A_3] : memref<16x1024x128xi32, #tpu.memory_space<vmem>>, vector<16x1024x128xi32>
    %bitcast_convert_type3A = tpu.bitcast %get3A_4 : vector<16x1024x128xi32> -> vector<16x1024x128xi32>
    %and3A = arith.constant 65535 : i32
    %and3A_5 = vector.broadcast %and3A : i32 to vector<16x1024x128xi32>
    %and3A_6 = arith.andi %bitcast_convert_type3A, %and3A_5 : vector<16x1024x128xi32>
    %convert_element_type3A_7 = arith.trunci %and3A_6 : vector<16x1024x128xi32> to vector<16x1024x128xi16>
    %bitcast_convert_type3A_8 = tpu.bitcast %convert_element_type3A_7 : vector<16x1024x128xi16> -> vector<16x1024x128xbf16>
    %shift_right_logical3A = arith.constant 16 : i32
    %shift_right_logical3A_9 = vector.broadcast %shift_right_logical3A : i32 to vector<16x1024x128xi32>
    %shift_right_logical3A_10 = arith.shrui %bitcast_convert_type3A, %shift_right_logical3A_9 : vector<16x1024x128xi32>
    %convert_element_type3A_11 = arith.trunci %shift_right_logical3A_10 : vector<16x1024x128xi32> to vector<16x1024x128xi16>
    %bitcast_convert_type3A_12 = tpu.bitcast %convert_element_type3A_11 : vector<16x1024x128xi16> -> vector<16x1024x128xbf16>
    %slice3A = vector.extract_strided_slice %bitcast_convert_type3A_8 {offsets = [0, 0, 0], sizes = [1, 1024, 128], strides = [1, 1, 1]} : vector<16x1024x128xbf16> to vector<1x1024x128xbf16>
    %squeeze3A = vector.shape_cast %slice3A : vector<1x1024x128xbf16> to vector<1024x128xbf16>
    %slice3A_13 = vector.extract_strided_slice %bitcast_convert_type3A_12 {offsets = [0, 0, 0], sizes = [1, 1024, 128], strides = [1, 1, 1]} : vector<16x1024x128xbf16> to vector<1x1024x128xbf16>
    %squeeze3A_14 = vector.shape_cast %slice3A_13 : vector<1x1024x128xbf16> to vector<1024x128xbf16>
    %slice3A_15 = vector.extract_strided_slice %bitcast_convert_type3A_8 {offsets = [1, 0, 0], sizes = [1, 1024, 128], strides = [1, 1, 1]} : vector<16x1024x128xbf16> to vector<1x1024x128xbf16>
    %squeeze3A_16 = vector.shape_cast %slice3A_15 : vector<1x1024x128xbf16> to vector<1024x128xbf16>
    %max3A = arith.maximumf %squeeze3A, %squeeze3A_16 : vector<1024x128xbf16>
    %slice3A_17 = vector.extract_strided_slice %bitcast_convert_type3A_12 {offsets = [1, 0, 0], sizes = [1, 1024, 128], strides = [1, 1, 1]} : vector<16x1024x128xbf16> to vector<1x1024x128xbf16>
    %squeeze3A_18 = vector.shape_cast %slice3A_17 : vector<1x1024x128xbf16> to vector<1024x128xbf16>
    %max3A_19 = arith.maximumf %squeeze3A_14, %squeeze3A_18 : vector<1024x128xbf16>
    %slice3A_20 = vector.extract_strided_slice %bitcast_convert_type3A_8 {offsets = [2, 0, 0], sizes = [1, 1024, 128], strides = [1, 1, 1]} : vector<16x1024x128xbf16> to vector<1x1024x128xbf16>
    %squeeze3A_21 = vector.shape_cast %slice3A_20 : vector<1x1024x128xbf16> to vector<1024x128xbf16>
    %max3A_22 = arith.maximumf %max3A, %squeeze3A_21 : vector<1024x128xbf16>
    %slice3A_23 = vector.extract_strided_slice %bitcast_convert_type3A_12 {offsets = [2, 0, 0], sizes = [1, 1024, 128], strides = [1, 1, 1]} : vector<16x1024x128xbf16> to vector<1x1024x128xbf16>
    %squeeze3A_24 = vector.shape_cast %slice3A_23 : vector<1x1024x128xbf16> to vector<1024x128xbf16>
    %max3A_25 = arith.maximumf %max3A_19, %squeeze3A_24 : vector<1024x128xbf16>
    %slice3A_26 = vector.extract_strided_slice %bitcast_convert_type3A_8 {offsets = [3, 0, 0], sizes = [1, 1024, 128], strides = [1, 1, 1]} : vector<16x1024x128xbf16> to vector<1x1024x128xbf16>
    %squeeze3A_27 = vector.shape_cast %slice3A_26 : vector<1x1024x128xbf16> to vector<1024x128xbf16>
    %max3A_28 = arith.maximumf %max3A_22, %squeeze3A_27 : vector<1024x128xbf16>
    %slice3A_29 = vector.extract_strided_slice %bitcast_convert_type3A_12 {offsets = [3, 0, 0], sizes = [1, 1024, 128], strides = [1, 1, 1]} : vector<16x1024x128xbf16> to vector<1x1024x128xbf16>
    %squeeze3A_30 = vector.shape_cast %slice3A_29 : vector<1x1024x128xbf16> to vector<1024x128xbf16>
    %max3A_31 = arith.maximumf %max3A_25, %squeeze3A_30 : vector<1024x128xbf16>
    %slice3A_32 = vector.extract_strided_slice %bitcast_convert_type3A_8 {offsets = [4, 0, 0], sizes = [1, 1024, 128], strides = [1, 1, 1]} : vector<16x1024x128xbf16> to vector<1x1024x128xbf16>
    %squeeze3A_33 = vector.shape_cast %slice3A_32 : vector<1x1024x128xbf16> to vector<1024x128xbf16>
    %max3A_34 = arith.maximumf %max3A_28, %squeeze3A_33 : vector<1024x128xbf16>
    %slice3A_35 = vector.extract_strided_slice %bitcast_convert_type3A_12 {offsets = [4, 0, 0], sizes = [1, 1024, 128], strides = [1, 1, 1]} : vector<16x1024x128xbf16> to vector<1x1024x128xbf16>
    %squeeze3A_36 = vector.shape_cast %slice3A_35 : vector<1x1024x128xbf16> to vector<1024x128xbf16>
    %max3A_37 = arith.maximumf %max3A_31, %squeeze3A_36 : vector<1024x128xbf16>
    %slice3A_38 = vector.extract_strided_slice %bitcast_convert_type3A_8 {offsets = [5, 0, 0], sizes = [1, 1024, 128], strides = [1, 1, 1]} : vector<16x1024x128xbf16> to vector<1x1024x128xbf16>
    %squeeze3A_39 = vector.shape_cast %slice3A_38 : vector<1x1024x128xbf16> to vector<1024x128xbf16>
    %max3A_40 = arith.maximumf %max3A_34, %squeeze3A_39 : vector<1024x128xbf16>
    %slice3A_41 = vector.extract_strided_slice %bitcast_convert_type3A_12 {offsets = [5, 0, 0], sizes = [1, 1024, 128], strides = [1, 1, 1]} : vector<16x1024x128xbf16> to vector<1x1024x128xbf16>
    %squeeze3A_42 = vector.shape_cast %slice3A_41 : vector<1x1024x128xbf16> to vector<1024x128xbf16>
    %max3A_43 = arith.maximumf %max3A_37, %squeeze3A_42 : vector<1024x128xbf16>
    %slice3A_44 = vector.extract_strided_slice %bitcast_convert_type3A_8 {offsets = [6, 0, 0], sizes = [1, 1024, 128], strides = [1, 1, 1]} : vector<16x1024x128xbf16> to vector<1x1024x128xbf16>
    %squeeze3A_45 = vector.shape_cast %slice3A_44 : vector<1x1024x128xbf16> to vector<1024x128xbf16>
    %max3A_46 = arith.maximumf %max3A_40, %squeeze3A_45 : vector<1024x128xbf16>
    %slice3A_47 = vector.extract_strided_slice %bitcast_convert_type3A_12 {offsets = [6, 0, 0], sizes = [1, 1024, 128], strides = [1, 1, 1]} : vector<16x1024x128xbf16> to vector<1x1024x128xbf16>
    %squeeze3A_48 = vector.shape_cast %slice3A_47 : vector<1x1024x128xbf16> to vector<1024x128xbf16>
    %max3A_49 = arith.maximumf %max3A_43, %squeeze3A_48 : vector<1024x128xbf16>
    %slice3A_50 = vector.extract_strided_slice %bitcast_convert_type3A_8 {offsets = [7, 0, 0], sizes = [1, 1024, 128], strides = [1, 1, 1]} : vector<16x1024x128xbf16> to vector<1x1024x128xbf16>
    %squeeze3A_51 = vector.shape_cast %slice3A_50 : vector<1x1024x128xbf16> to vector<1024x128xbf16>
    %max3A_52 = arith.maximumf %max3A_46, %squeeze3A_51 : vector<1024x128xbf16>
    %slice3A_53 = vector.extract_strided_slice %bitcast_convert_type3A_12 {offsets = [7, 0, 0], sizes = [1, 1024, 128], strides = [1, 1, 1]} : vector<16x1024x128xbf16> to vector<1x1024x128xbf16>
    %squeeze3A_54 = vector.shape_cast %slice3A_53 : vector<1x1024x128xbf16> to vector<1024x128xbf16>
    %max3A_55 = arith.maximumf %max3A_49, %squeeze3A_54 : vector<1024x128xbf16>
    %slice3A_56 = vector.extract_strided_slice %bitcast_convert_type3A_8 {offsets = [8, 0, 0], sizes = [1, 1024, 128], strides = [1, 1, 1]} : vector<16x1024x128xbf16> to vector<1x1024x128xbf16>
    %squeeze3A_57 = vector.shape_cast %slice3A_56 : vector<1x1024x128xbf16> to vector<1024x128xbf16>
    %max3A_58 = arith.maximumf %max3A_52, %squeeze3A_57 : vector<1024x128xbf16>
    %slice3A_59 = vector.extract_strided_slice %bitcast_convert_type3A_12 {offsets = [8, 0, 0], sizes = [1, 1024, 128], strides = [1, 1, 1]} : vector<16x1024x128xbf16> to vector<1x1024x128xbf16>
    %squeeze3A_60 = vector.shape_cast %slice3A_59 : vector<1x1024x128xbf16> to vector<1024x128xbf16>
    %max3A_61 = arith.maximumf %max3A_55, %squeeze3A_60 : vector<1024x128xbf16>
    %slice3A_62 = vector.extract_strided_slice %bitcast_convert_type3A_8 {offsets = [9, 0, 0], sizes = [1, 1024, 128], strides = [1, 1, 1]} : vector<16x1024x128xbf16> to vector<1x1024x128xbf16>
    %squeeze3A_63 = vector.shape_cast %slice3A_62 : vector<1x1024x128xbf16> to vector<1024x128xbf16>
    %max3A_64 = arith.maximumf %max3A_58, %squeeze3A_63 : vector<1024x128xbf16>
    %slice3A_65 = vector.extract_strided_slice %bitcast_convert_type3A_12 {offsets = [9, 0, 0], sizes = [1, 1024, 128], strides = [1, 1, 1]} : vector<16x1024x128xbf16> to vector<1x1024x128xbf16>
    %squeeze3A_66 = vector.shape_cast %slice3A_65 : vector<1x1024x128xbf16> to vector<1024x128xbf16>
    %max3A_67 = arith.maximumf %max3A_61, %squeeze3A_66 : vector<1024x128xbf16>
    %slice3A_68 = vector.extract_strided_slice %bitcast_convert_type3A_8 {offsets = [10, 0, 0], sizes = [1, 1024, 128], strides = [1, 1, 1]} : vector<16x1024x128xbf16> to vector<1x1024x128xbf16>
    %squeeze3A_69 = vector.shape_cast %slice3A_68 : vector<1x1024x128xbf16> to vector<1024x128xbf16>
    %max3A_70 = arith.maximumf %max3A_64, %squeeze3A_69 : vector<1024x128xbf16>
    %slice3A_71 = vector.extract_strided_slice %bitcast_convert_type3A_12 {offsets = [10, 0, 0], sizes = [1, 1024, 128], strides = [1, 1, 1]} : vector<16x1024x128xbf16> to vector<1x1024x128xbf16>
    %squeeze3A_72 = vector.shape_cast %slice3A_71 : vector<1x1024x128xbf16> to vector<1024x128xbf16>
    %max3A_73 = arith.maximumf %max3A_67, %squeeze3A_72 : vector<1024x128xbf16>
    %slice3A_74 = vector.extract_strided_slice %bitcast_convert_type3A_8 {offsets = [11, 0, 0], sizes = [1, 1024, 128], strides = [1, 1, 1]} : vector<16x1024x128xbf16> to vector<1x1024x128xbf16>
    %squeeze3A_75 = vector.shape_cast %slice3A_74 : vector<1x1024x128xbf16> to vector<1024x128xbf16>
    %max3A_76 = arith.maximumf %max3A_70, %squeeze3A_75 : vector<1024x128xbf16>
    %slice3A_77 = vector.extract_strided_slice %bitcast_convert_type3A_12 {offsets = [11, 0, 0], sizes = [1, 1024, 128], strides = [1, 1, 1]} : vector<16x1024x128xbf16> to vector<1x1024x128xbf16>
    %squeeze3A_78 = vector.shape_cast %slice3A_77 : vector<1x1024x128xbf16> to vector<1024x128xbf16>
    %max3A_79 = arith.maximumf %max3A_73, %squeeze3A_78 : vector<1024x128xbf16>
    %slice3A_80 = vector.extract_strided_slice %bitcast_convert_type3A_8 {offsets = [12, 0, 0], sizes = [1, 1024, 128], strides = [1, 1, 1]} : vector<16x1024x128xbf16> to vector<1x1024x128xbf16>
    %squeeze3A_81 = vector.shape_cast %slice3A_80 : vector<1x1024x128xbf16> to vector<1024x128xbf16>
    %max3A_82 = arith.maximumf %max3A_76, %squeeze3A_81 : vector<1024x128xbf16>
    %slice3A_83 = vector.extract_strided_slice %bitcast_convert_type3A_12 {offsets = [12, 0, 0], sizes = [1, 1024, 128], strides = [1, 1, 1]} : vector<16x1024x128xbf16> to vector<1x1024x128xbf16>
    %squeeze3A_84 = vector.shape_cast %slice3A_83 : vector<1x1024x128xbf16> to vector<1024x128xbf16>
    %max3A_85 = arith.maximumf %max3A_79, %squeeze3A_84 : vector<1024x128xbf16>
    %slice3A_86 = vector.extract_strided_slice %bitcast_convert_type3A_8 {offsets = [13, 0, 0], sizes = [1, 1024, 128], strides = [1, 1, 1]} : vector<16x1024x128xbf16> to vector<1x1024x128xbf16>
    %squeeze3A_87 = vector.shape_cast %slice3A_86 : vector<1x1024x128xbf16> to vector<1024x128xbf16>
    %max3A_88 = arith.maximumf %max3A_82, %squeeze3A_87 : vector<1024x128xbf16>
    %slice3A_89 = vector.extract_strided_slice %bitcast_convert_type3A_12 {offsets = [13, 0, 0], sizes = [1, 1024, 128], strides = [1, 1, 1]} : vector<16x1024x128xbf16> to vector<1x1024x128xbf16>
    %squeeze3A_90 = vector.shape_cast %slice3A_89 : vector<1x1024x128xbf16> to vector<1024x128xbf16>
    %max3A_91 = arith.maximumf %max3A_85, %squeeze3A_90 : vector<1024x128xbf16>
    %slice3A_92 = vector.extract_strided_slice %bitcast_convert_type3A_8 {offsets = [14, 0, 0], sizes = [1, 1024, 128], strides = [1, 1, 1]} : vector<16x1024x128xbf16> to vector<1x1024x128xbf16>
    %squeeze3A_93 = vector.shape_cast %slice3A_92 : vector<1x1024x128xbf16> to vector<1024x128xbf16>
    %max3A_94 = arith.maximumf %max3A_88, %squeeze3A_93 : vector<1024x128xbf16>
    %slice3A_95 = vector.extract_strided_slice %bitcast_convert_type3A_12 {offsets = [14, 0, 0], sizes = [1, 1024, 128], strides = [1, 1, 1]} : vector<16x1024x128xbf16> to vector<1x1024x128xbf16>
    %squeeze3A_96 = vector.shape_cast %slice3A_95 : vector<1x1024x128xbf16> to vector<1024x128xbf16>
    %max3A_97 = arith.maximumf %max3A_91, %squeeze3A_96 : vector<1024x128xbf16>
    %slice3A_98 = vector.extract_strided_slice %bitcast_convert_type3A_8 {offsets = [15, 0, 0], sizes = [1, 1024, 128], strides = [1, 1, 1]} : vector<16x1024x128xbf16> to vector<1x1024x128xbf16>
    %squeeze3A_99 = vector.shape_cast %slice3A_98 : vector<1x1024x128xbf16> to vector<1024x128xbf16>
    %max3A_100 = arith.maximumf %max3A_94, %squeeze3A_99 : vector<1024x128xbf16>
    %slice3A_101 = vector.extract_strided_slice %bitcast_convert_type3A_12 {offsets = [15, 0, 0], sizes = [1, 1024, 128], strides = [1, 1, 1]} : vector<16x1024x128xbf16> to vector<1x1024x128xbf16>
    %squeeze3A_102 = vector.shape_cast %slice3A_101 : vector<1x1024x128xbf16> to vector<1024x128xbf16>
    %max3A_103 = arith.maximumf %max3A_97, %squeeze3A_102 : vector<1024x128xbf16>
    %concatenate3A = tpu.concatenate %max3A_100, %max3A_103 in 1 : vector<1024x128xbf16>, vector<1024x128xbf16> -> vector<1024x256xbf16>
    %convert_element_type3A_104 = arith.extf %concatenate3A : vector<1024x256xbf16> to vector<1024x256xf32>
    %get3A_105 = arith.constant 0 : index
    %get3A_106 = arith.constant 0 : index
    %get3A_107 = vector.load %arg1[%get3A_105, %get3A_106] : memref<1024x256xf32, #tpu.memory_space<vmem>>, vector<1024x256xf32>
    %add3A = arith.addf %get3A_107, %convert_element_type3A_104 : vector<1024x256xf32>
    %get3A_108 = arith.constant 0 : index
    %get3A_109 = arith.constant 0 : index
    %get3A_110 = vector.load %arg3[%get3A_108, %get3A_109] : memref<1x256xf32, #tpu.memory_space<vmem>>, vector<1x256xf32>
    %mul3A = vector.broadcast %get3A_110 : vector<1x256xf32> to vector<1024x256xf32>
    %mul3A_111 = arith.mulf %add3A, %mul3A : vector<1024x256xf32>
    %get3A_112 = arith.constant 0 : index
    %get3A_113 = arith.constant 0 : index
    %get3A_114 = vector.load %arg4[%get3A_112, %get3A_113] : memref<1x256xf32, #tpu.memory_space<vmem>>, vector<1x256xf32>
    %add3A_115 = vector.broadcast %get3A_114 : vector<1x256xf32> to vector<1024x256xf32>
    %add3A_116 = arith.addf %mul3A_111, %add3A_115 : vector<1024x256xf32>
    %convert_element_type3A_117 = arith.truncf %add3A_116 : vector<1024x256xf32> to vector<1024x256xbf16>
    %get3A_118 = arith.constant 0 : index
    %get3A_119 = arith.constant 0 : index
    %get3A_120 = vector.load %arg5[%get3A_118, %get3A_119] : memref<256x512xf32, #tpu.memory_space<vmem>>, vector<256x512xf32>
    %convert_element_type3A_121 = arith.truncf %get3A_120 : vector<256x512xf32> to vector<256x512xbf16>
    %dot_general3A = arith.constant dense<0.000000e+00> : vector<1024x512xf32>
    %dot_general3A_122 = tpu.matmul %convert_element_type3A_117, %convert_element_type3A_121, %dot_general3A {dimension_numbers = #tpu.dot_dimension_numbers<[1], [0], [0], [1], [0, 0, 1, 1], [], []>, transpose_lhs_hint = false} : vector<1024x256xbf16>, vector<256x512xbf16>, vector<1024x512xf32> -> vector<1024x512xf32>
    %integer_pow3A = arith.mulf %dot_general3A_122, %dot_general3A_122 : vector<1024x512xf32>
    %integer_pow3A_123 = arith.mulf %dot_general3A_122, %integer_pow3A : vector<1024x512xf32>
    %mul3A_124 = arith.constant 4.471500e-02 : f32
    %mul3A_125 = vector.broadcast %mul3A_124 : f32 to vector<1024x512xf32>
    %mul3A_126 = arith.mulf %mul3A_125, %integer_pow3A_123 : vector<1024x512xf32>
    %add3A_127 = arith.addf %dot_general3A_122, %mul3A_126 : vector<1024x512xf32>
    %mul3A_128 = arith.constant 0.797884583 : f32
    %mul3A_129 = vector.broadcast %mul3A_128 : f32 to vector<1024x512xf32>
    %mul3A_130 = arith.mulf %mul3A_129, %add3A_127 : vector<1024x512xf32>
    %tanh3A = math.tanh %mul3A_130 : vector<1024x512xf32>
    %add3A_131 = arith.constant 1.000000e+00 : f32
    %add3A_132 = vector.broadcast %add3A_131 : f32 to vector<1024x512xf32>
    %add3A_133 = arith.addf %add3A_132, %tanh3A : vector<1024x512xf32>
    %mul3A_134 = arith.constant 5.000000e-01 : f32
    %mul3A_135 = vector.broadcast %mul3A_134 : f32 to vector<1024x512xf32>
    %mul3A_136 = arith.mulf %mul3A_135, %add3A_133 : vector<1024x512xf32>
    %mul3A_137 = arith.mulf %dot_general3A_122, %mul3A_136 : vector<1024x512xf32>
    %convert_element_type3A_138 = arith.truncf %mul3A_137 : vector<1024x512xf32> to vector<1024x512xbf16>
    %get3A_139 = arith.constant 0 : index
    %get3A_140 = arith.constant 0 : index
    %get3A_141 = vector.load %arg6[%get3A_139, %get3A_140] : memref<512x256xf32, #tpu.memory_space<vmem>>, vector<512x256xf32>
    %convert_element_type3A_142 = arith.truncf %get3A_141 : vector<512x256xf32> to vector<512x256xbf16>
    %dot_general3A_143 = arith.constant dense<0.000000e+00> : vector<1024x256xf32>
    %dot_general3A_144 = tpu.matmul %convert_element_type3A_138, %convert_element_type3A_142, %dot_general3A_143 {dimension_numbers = #tpu.dot_dimension_numbers<[1], [0], [0], [1], [0, 0, 1, 1], [], []>, transpose_lhs_hint = false} : vector<1024x512xbf16>, vector<512x256xbf16>, vector<1024x256xf32> -> vector<1024x256xf32>
    %add3A_145 = arith.addf %add3A, %dot_general3A_144 : vector<1024x256xf32>
    %convert_element_type3A_146 = arith.truncf %add3A_145 : vector<1024x256xf32> to vector<1024x256xbf16>
    %get3A_147 = arith.constant 0 : index
    %get3A_148 = arith.constant 0 : index
    %get3A_149 = vector.load %arg7[%get3A_147, %get3A_148] : memref<256x512xf32, #tpu.memory_space<vmem>>, vector<256x512xf32>
    %convert_element_type3A_150 = arith.truncf %get3A_149 : vector<256x512xf32> to vector<256x512xbf16>
    %dot_general3A_151 = arith.constant dense<0.000000e+00> : vector<1024x512xf32>
    %dot_general3A_152 = tpu.matmul %convert_element_type3A_146, %convert_element_type3A_150, %dot_general3A_151 {dimension_numbers = #tpu.dot_dimension_numbers<[1], [0], [0], [1], [0, 0, 1, 1], [], []>, transpose_lhs_hint = false} : vector<1024x256xbf16>, vector<256x512xbf16>, vector<1024x512xf32> -> vector<1024x512xf32>
    %slice3A_153 = vector.extract_strided_slice %dot_general3A_152 {offsets = [0, 0], sizes = [1024, 256], strides = [1, 1]} : vector<1024x512xf32> to vector<1024x256xf32>
    %slice3A_154 = vector.extract_strided_slice %dot_general3A_152 {offsets = [0, 256], sizes = [1024, 256], strides = [1, 1]} : vector<1024x512xf32> to vector<1024x256xf32>
    %get3A_155 = arith.constant 0 : index
    %get3A_156 = arith.constant 0 : index
    %get3A_157 = vector.load %arg8[%get3A_155, %get3A_156] : memref<256x256xf32, #tpu.memory_space<vmem>>, vector<256x256xf32>
    %convert_element_type3A_158 = arith.truncf %get3A_157 : vector<256x256xf32> to vector<256x256xbf16>
    %dot_general3A_159 = arith.constant dense<0.000000e+00> : vector<1024x256xf32>
    %dot_general3A_160 = tpu.matmul %convert_element_type3A_146, %convert_element_type3A_158, %dot_general3A_159 {dimension_numbers = #tpu.dot_dimension_numbers<[1], [0], [0], [1], [0, 0, 1, 1], [], []>, transpose_lhs_hint = false} : vector<1024x256xbf16>, vector<256x256xbf16>, vector<1024x256xf32> -> vector<1024x256xf32>
    %logistic3A = arith.negf %dot_general3A_160 : vector<1024x256xf32>
    %logistic3A_161 = math.exp %logistic3A : vector<1024x256xf32>
    %logistic3A_162 = arith.constant 1.000000e+00 : f32
    %logistic3A_163 = vector.broadcast %logistic3A_162 : f32 to vector<1024x256xf32>
    %logistic3A_164 = arith.addf %logistic3A_163, %logistic3A_161 : vector<1024x256xf32>
    %logistic3A_165 = arith.divf %logistic3A_163, %logistic3A_164 : vector<1024x256xf32>
    %broadcast_in_dim3A = arith.constant 0.000000e+00 : f32
    %broadcast_in_dim3A_166 = vector.broadcast %broadcast_in_dim3A : f32 to vector<1x256xf32>
    %slice3A_167 = vector.extract_strided_slice %slice3A_153 {offsets = [0, 0], sizes = [1023, 256], strides = [1, 1]} : vector<1024x256xf32> to vector<1023x256xf32>
    %concatenate3A_168 = tpu.concatenate %broadcast_in_dim3A_166, %slice3A_167 in 0 : vector<1x256xf32>, vector<1023x256xf32> -> vector<1024x256xf32>
    %mul3A_169 = arith.mulf %logistic3A_165, %concatenate3A_168 : vector<1024x256xf32>
    %add3A_170 = arith.addf %slice3A_153, %mul3A_169 : vector<1024x256xf32>
    %broadcast_in_dim3A_171 = arith.constant 1.000000e+00 : f32
    %broadcast_in_dim3A_172 = vector.broadcast %broadcast_in_dim3A_171 : f32 to vector<1x256xf32>
    %slice3A_173 = vector.extract_strided_slice %logistic3A_165 {offsets = [0, 0], sizes = [1023, 256], strides = [1, 1]} : vector<1024x256xf32> to vector<1023x256xf32>
    %concatenate3A_174 = tpu.concatenate %broadcast_in_dim3A_172, %slice3A_173 in 0 : vector<1x256xf32>, vector<1023x256xf32> -> vector<1024x256xf32>
    %mul3A_175 = arith.mulf %logistic3A_165, %concatenate3A_174 : vector<1024x256xf32>
    %broadcast_in_dim3A_176 = arith.constant 0.000000e+00 : f32
    %broadcast_in_dim3A_177 = vector.broadcast %broadcast_in_dim3A_176 : f32 to vector<2x256xf32>
    %slice3A_178 = vector.extract_strided_slice %add3A_170 {offsets = [0, 0], sizes = [1022, 256], strides = [1, 1]} : vector<1024x256xf32> to vector<1022x256xf32>
    %concatenate3A_179 = tpu.concatenate %broadcast_in_dim3A_177, %slice3A_178 in 0 : vector<2x256xf32>, vector<1022x256xf32> -> vector<1024x256xf32>
    %mul3A_180 = arith.mulf %mul3A_175, %concatenate3A_179 : vector<1024x256xf32>
    %add3A_181 = arith.addf %add3A_170, %mul3A_180 : vector<1024x256xf32>
    %broadcast_in_dim3A_182 = arith.constant 1.000000e+00 : f32
    %broadcast_in_dim3A_183 = vector.broadcast %broadcast_in_dim3A_182 : f32 to vector<2x256xf32>
    %slice3A_184 = vector.extract_strided_slice %mul3A_175 {offsets = [0, 0], sizes = [1022, 256], strides = [1, 1]} : vector<1024x256xf32> to vector<1022x256xf32>
    %concatenate3A_185 = tpu.concatenate %broadcast_in_dim3A_183, %slice3A_184 in 0 : vector<2x256xf32>, vector<1022x256xf32> -> vector<1024x256xf32>
    %mul3A_186 = arith.mulf %mul3A_175, %concatenate3A_185 : vector<1024x256xf32>
    %broadcast_in_dim3A_187 = arith.constant 0.000000e+00 : f32
    %broadcast_in_dim3A_188 = vector.broadcast %broadcast_in_dim3A_187 : f32 to vector<4x256xf32>
    %slice3A_189 = vector.extract_strided_slice %add3A_181 {offsets = [0, 0], sizes = [1020, 256], strides = [1, 1]} : vector<1024x256xf32> to vector<1020x256xf32>
    %concatenate3A_190 = tpu.concatenate %broadcast_in_dim3A_188, %slice3A_189 in 0 : vector<4x256xf32>, vector<1020x256xf32> -> vector<1024x256xf32>
    %mul3A_191 = arith.mulf %mul3A_186, %concatenate3A_190 : vector<1024x256xf32>
    %add3A_192 = arith.addf %add3A_181, %mul3A_191 : vector<1024x256xf32>
    %broadcast_in_dim3A_193 = arith.constant 1.000000e+00 : f32
    %broadcast_in_dim3A_194 = vector.broadcast %broadcast_in_dim3A_193 : f32 to vector<4x256xf32>
    %slice3A_195 = vector.extract_strided_slice %mul3A_186 {offsets = [0, 0], sizes = [1020, 256], strides = [1, 1]} : vector<1024x256xf32> to vector<1020x256xf32>
    %concatenate3A_196 = tpu.concatenate %broadcast_in_dim3A_194, %slice3A_195 in 0 : vector<4x256xf32>, vector<1020x256xf32> -> vector<1024x256xf32>
    %mul3A_197 = arith.mulf %mul3A_186, %concatenate3A_196 : vector<1024x256xf32>
    %broadcast_in_dim3A_198 = arith.constant 0.000000e+00 : f32
    %broadcast_in_dim3A_199 = vector.broadcast %broadcast_in_dim3A_198 : f32 to vector<8x256xf32>
    %slice3A_200 = vector.extract_strided_slice %add3A_192 {offsets = [0, 0], sizes = [1016, 256], strides = [1, 1]} : vector<1024x256xf32> to vector<1016x256xf32>
    %concatenate3A_201 = tpu.concatenate %broadcast_in_dim3A_199, %slice3A_200 in 0 : vector<8x256xf32>, vector<1016x256xf32> -> vector<1024x256xf32>
    %mul3A_202 = arith.mulf %mul3A_197, %concatenate3A_201 : vector<1024x256xf32>
    %add3A_203 = arith.addf %add3A_192, %mul3A_202 : vector<1024x256xf32>
    %broadcast_in_dim3A_204 = arith.constant 1.000000e+00 : f32
    %broadcast_in_dim3A_205 = vector.broadcast %broadcast_in_dim3A_204 : f32 to vector<8x256xf32>
    %slice3A_206 = vector.extract_strided_slice %mul3A_197 {offsets = [0, 0], sizes = [1016, 256], strides = [1, 1]} : vector<1024x256xf32> to vector<1016x256xf32>
    %concatenate3A_207 = tpu.concatenate %broadcast_in_dim3A_205, %slice3A_206 in 0 : vector<8x256xf32>, vector<1016x256xf32> -> vector<1024x256xf32>
    %mul3A_208 = arith.mulf %mul3A_197, %concatenate3A_207 : vector<1024x256xf32>
    %broadcast_in_dim3A_209 = arith.constant 0.000000e+00 : f32
    %broadcast_in_dim3A_210 = vector.broadcast %broadcast_in_dim3A_209 : f32 to vector<16x256xf32>
    %slice3A_211 = vector.extract_strided_slice %add3A_203 {offsets = [0, 0], sizes = [1008, 256], strides = [1, 1]} : vector<1024x256xf32> to vector<1008x256xf32>
    %concatenate3A_212 = tpu.concatenate %broadcast_in_dim3A_210, %slice3A_211 in 0 : vector<16x256xf32>, vector<1008x256xf32> -> vector<1024x256xf32>
    %mul3A_213 = arith.mulf %mul3A_208, %concatenate3A_212 : vector<1024x256xf32>
    %add3A_214 = arith.addf %add3A_203, %mul3A_213 : vector<1024x256xf32>
    %broadcast_in_dim3A_215 = arith.constant 1.000000e+00 : f32
    %broadcast_in_dim3A_216 = vector.broadcast %broadcast_in_dim3A_215 : f32 to vector<16x256xf32>
    %slice3A_217 = vector.extract_strided_slice %mul3A_208 {offsets = [0, 0], sizes = [1008, 256], strides = [1, 1]} : vector<1024x256xf32> to vector<1008x256xf32>
    %concatenate3A_218 = tpu.concatenate %broadcast_in_dim3A_216, %slice3A_217 in 0 : vector<16x256xf32>, vector<1008x256xf32> -> vector<1024x256xf32>
    %mul3A_219 = arith.mulf %mul3A_208, %concatenate3A_218 : vector<1024x256xf32>
    %broadcast_in_dim3A_220 = arith.constant 0.000000e+00 : f32
    %broadcast_in_dim3A_221 = vector.broadcast %broadcast_in_dim3A_220 : f32 to vector<32x256xf32>
    %slice3A_222 = vector.extract_strided_slice %add3A_214 {offsets = [0, 0], sizes = [992, 256], strides = [1, 1]} : vector<1024x256xf32> to vector<992x256xf32>
    %concatenate3A_223 = tpu.concatenate %broadcast_in_dim3A_221, %slice3A_222 in 0 : vector<32x256xf32>, vector<992x256xf32> -> vector<1024x256xf32>
    %mul3A_224 = arith.mulf %mul3A_219, %concatenate3A_223 : vector<1024x256xf32>
    %add3A_225 = arith.addf %add3A_214, %mul3A_224 : vector<1024x256xf32>
    %broadcast_in_dim3A_226 = arith.constant 1.000000e+00 : f32
    %broadcast_in_dim3A_227 = vector.broadcast %broadcast_in_dim3A_226 : f32 to vector<32x256xf32>
    %slice3A_228 = vector.extract_strided_slice %mul3A_219 {offsets = [0, 0], sizes = [992, 256], strides = [1, 1]} : vector<1024x256xf32> to vector<992x256xf32>
    %concatenate3A_229 = tpu.concatenate %broadcast_in_dim3A_227, %slice3A_228 in 0 : vector<32x256xf32>, vector<992x256xf32> -> vector<1024x256xf32>
    %mul3A_230 = arith.mulf %mul3A_219, %concatenate3A_229 : vector<1024x256xf32>
    %broadcast_in_dim3A_231 = arith.constant 0.000000e+00 : f32
    %broadcast_in_dim3A_232 = vector.broadcast %broadcast_in_dim3A_231 : f32 to vector<64x256xf32>
    %slice3A_233 = vector.extract_strided_slice %add3A_225 {offsets = [0, 0], sizes = [960, 256], strides = [1, 1]} : vector<1024x256xf32> to vector<960x256xf32>
    %concatenate3A_234 = tpu.concatenate %broadcast_in_dim3A_232, %slice3A_233 in 0 : vector<64x256xf32>, vector<960x256xf32> -> vector<1024x256xf32>
    %mul3A_235 = arith.mulf %mul3A_230, %concatenate3A_234 : vector<1024x256xf32>
    %add3A_236 = arith.addf %add3A_225, %mul3A_235 : vector<1024x256xf32>
    %broadcast_in_dim3A_237 = arith.constant 1.000000e+00 : f32
    %broadcast_in_dim3A_238 = vector.broadcast %broadcast_in_dim3A_237 : f32 to vector<64x256xf32>
    %slice3A_239 = vector.extract_strided_slice %mul3A_230 {offsets = [0, 0], sizes = [960, 256], strides = [1, 1]} : vector<1024x256xf32> to vector<960x256xf32>
    %concatenate3A_240 = tpu.concatenate %broadcast_in_dim3A_238, %slice3A_239 in 0 : vector<64x256xf32>, vector<960x256xf32> -> vector<1024x256xf32>
    %mul3A_241 = arith.mulf %mul3A_230, %concatenate3A_240 : vector<1024x256xf32>
    %broadcast_in_dim3A_242 = arith.constant 0.000000e+00 : f32
    %broadcast_in_dim3A_243 = vector.broadcast %broadcast_in_dim3A_242 : f32 to vector<128x256xf32>
    %slice3A_244 = vector.extract_strided_slice %add3A_236 {offsets = [0, 0], sizes = [896, 256], strides = [1, 1]} : vector<1024x256xf32> to vector<896x256xf32>
    %concatenate3A_245 = tpu.concatenate %broadcast_in_dim3A_243, %slice3A_244 in 0 : vector<128x256xf32>, vector<896x256xf32> -> vector<1024x256xf32>
    %mul3A_246 = arith.mulf %mul3A_241, %concatenate3A_245 : vector<1024x256xf32>
    %add3A_247 = arith.addf %add3A_236, %mul3A_246 : vector<1024x256xf32>
    %broadcast_in_dim3A_248 = arith.constant 1.000000e+00 : f32
    %broadcast_in_dim3A_249 = vector.broadcast %broadcast_in_dim3A_248 : f32 to vector<128x256xf32>
    %slice3A_250 = vector.extract_strided_slice %mul3A_241 {offsets = [0, 0], sizes = [896, 256], strides = [1, 1]} : vector<1024x256xf32> to vector<896x256xf32>
    %concatenate3A_251 = tpu.concatenate %broadcast_in_dim3A_249, %slice3A_250 in 0 : vector<128x256xf32>, vector<896x256xf32> -> vector<1024x256xf32>
    %mul3A_252 = arith.mulf %mul3A_241, %concatenate3A_251 : vector<1024x256xf32>
    %broadcast_in_dim3A_253 = arith.constant 0.000000e+00 : f32
    %broadcast_in_dim3A_254 = vector.broadcast %broadcast_in_dim3A_253 : f32 to vector<256x256xf32>
    %slice3A_255 = vector.extract_strided_slice %add3A_247 {offsets = [0, 0], sizes = [768, 256], strides = [1, 1]} : vector<1024x256xf32> to vector<768x256xf32>
    %concatenate3A_256 = tpu.concatenate %broadcast_in_dim3A_254, %slice3A_255 in 0 : vector<256x256xf32>, vector<768x256xf32> -> vector<1024x256xf32>
    %mul3A_257 = arith.mulf %mul3A_252, %concatenate3A_256 : vector<1024x256xf32>
    %add3A_258 = arith.addf %add3A_247, %mul3A_257 : vector<1024x256xf32>
    %broadcast_in_dim3A_259 = arith.constant 1.000000e+00 : f32
    %broadcast_in_dim3A_260 = vector.broadcast %broadcast_in_dim3A_259 : f32 to vector<256x256xf32>
    %slice3A_261 = vector.extract_strided_slice %mul3A_252 {offsets = [0, 0], sizes = [768, 256], strides = [1, 1]} : vector<1024x256xf32> to vector<768x256xf32>
    %concatenate3A_262 = tpu.concatenate %broadcast_in_dim3A_260, %slice3A_261 in 0 : vector<256x256xf32>, vector<768x256xf32> -> vector<1024x256xf32>
    %mul3A_263 = arith.mulf %mul3A_252, %concatenate3A_262 : vector<1024x256xf32>
    %broadcast_in_dim3A_264 = arith.constant 0.000000e+00 : f32
    %broadcast_in_dim3A_265 = vector.broadcast %broadcast_in_dim3A_264 : f32 to vector<512x256xf32>
    %slice3A_266 = vector.extract_strided_slice %add3A_258 {offsets = [0, 0], sizes = [512, 256], strides = [1, 1]} : vector<1024x256xf32> to vector<512x256xf32>
    %concatenate3A_267 = tpu.concatenate %broadcast_in_dim3A_265, %slice3A_266 in 0 : vector<512x256xf32>, vector<512x256xf32> -> vector<1024x256xf32>
    %mul3A_268 = arith.mulf %mul3A_263, %concatenate3A_267 : vector<1024x256xf32>
    %add3A_269 = arith.addf %add3A_258, %mul3A_268 : vector<1024x256xf32>
    %broadcast_in_dim3A_270 = arith.constant 1.000000e+00 : f32
    %broadcast_in_dim3A_271 = vector.broadcast %broadcast_in_dim3A_270 : f32 to vector<512x256xf32>
    %slice3A_272 = vector.extract_strided_slice %mul3A_263 {offsets = [0, 0], sizes = [512, 256], strides = [1, 1]} : vector<1024x256xf32> to vector<512x256xf32>
    %concatenate3A_273 = tpu.concatenate %broadcast_in_dim3A_271, %slice3A_272 in 0 : vector<512x256xf32>, vector<512x256xf32> -> vector<1024x256xf32>
    %mul3A_274 = arith.mulf %mul3A_263, %concatenate3A_273 : vector<1024x256xf32>
    %get3A_275 = arith.constant 0 : index
    %get3A_276 = arith.constant 0 : index
    %get3A_277 = vector.load %arg16[%get3A_275, %get3A_276] : memref<1x256xf32, #tpu.memory_space<vmem>>, vector<1x256xf32>
    %mul3A_278 = vector.broadcast %get3A_277 : vector<1x256xf32> to vector<1024x256xf32>
    %mul3A_279 = arith.mulf %mul3A_274, %mul3A_278 : vector<1024x256xf32>
    %add3A_280 = arith.addf %add3A_269, %mul3A_279 : vector<1024x256xf32>
    %slice3A_281 = vector.extract_strided_slice %add3A_280 {offsets = [1023, 0], sizes = [1, 256], strides = [1, 1]} : vector<1024x256xf32> to vector<1x256xf32>
    %swap3A = arith.constant 0 : index
    %swap3A_282 = arith.constant 0 : index
    %swap3A_283 = vector.load %arg16[%swap3A, %swap3A_282] : memref<1x256xf32, #tpu.memory_space<vmem>>, vector<1x256xf32>
    tpu.vector_store %arg16[%swap3A, %swap3A_282], %slice3A_281 {strides = array<i32>} : memref<1x256xf32, #tpu.memory_space<vmem>>, vector<1x256xf32>,
    %slice3A_284 = vector.extract_strided_slice %add3A_280 {offsets = [1023, 0], sizes = [1, 256], strides = [1, 1]} : vector<1024x256xf32> to vector<1x256xf32>
    %broadcast_in_dim3A_285 = vector.shape_cast %slice3A_284 : vector<1x256xf32> to vector<1x256xf32>
    %broadcast_in_dim3A_286 = vector.broadcast %broadcast_in_dim3A_285 : vector<1x256xf32> to vector<8x256xf32>
    %swap3A_287 = arith.constant 0 : index
    %swap3A_288 = arith.constant 0 : index
    %swap3A_289 = vector.load %arg15[%swap3A_287, %swap3A_288] : memref<8x256xf32, #tpu.memory_space<vmem>>, vector<8x256xf32>
    tpu.vector_store %arg15[%swap3A_287, %swap3A_288], %broadcast_in_dim3A_286 {strides = array<i32>} : memref<8x256xf32, #tpu.memory_space<vmem>>, vector<8x256xf32>,
    %logistic3A_290 = arith.negf %slice3A_154 : vector<1024x256xf32>
    %logistic3A_291 = math.exp %logistic3A_290 : vector<1024x256xf32>
    %logistic3A_292 = arith.constant 1.000000e+00 : f32
    %logistic3A_293 = vector.broadcast %logistic3A_292 : f32 to vector<1024x256xf32>
    %logistic3A_294 = arith.addf %logistic3A_293, %logistic3A_291 : vector<1024x256xf32>
    %logistic3A_295 = arith.divf %logistic3A_293, %logistic3A_294 : vector<1024x256xf32>
    %mul3A_296 = arith.mulf %slice3A_154, %logistic3A_295 : vector<1024x256xf32>
    %mul3A_297 = arith.mulf %mul3A_296, %add3A_280 : vector<1024x256xf32>
    %convert_element_type3A_298 = arith.truncf %mul3A_297 : vector<1024x256xf32> to vector<1024x256xbf16>
    %get3A_299 = arith.constant 0 : index
    %get3A_300 = arith.constant 0 : index
    %get3A_301 = vector.load %arg9[%get3A_299, %get3A_300] : memref<256x256xf32, #tpu.memory_space<vmem>>, vector<256x256xf32>
    %convert_element_type3A_302 = arith.truncf %get3A_301 : vector<256x256xf32> to vector<256x256xbf16>
    %dot_general3A_303 = arith.constant dense<0.000000e+00> : vector<1024x256xf32>
    %dot_general3A_304 = tpu.matmul %convert_element_type3A_298, %convert_element_type3A_302, %dot_general3A_303 {dimension_numbers = #tpu.dot_dimension_numbers<[1], [0], [0], [1], [0, 0, 1, 1], [], []>, transpose_lhs_hint = false} : vector<1024x256xbf16>, vector<256x256xbf16>, vector<1024x256xf32> -> vector<1024x256xf32>
    %add3A_305 = arith.addf %add3A_145, %dot_general3A_304 : vector<1024x256xf32>
    %get3A_306 = arith.constant 0 : index
    %get3A_307 = arith.constant 0 : index
    %get3A_308 = vector.load %arg10[%get3A_306, %get3A_307] : memref<1x256xf32, #tpu.memory_space<vmem>>, vector<1x256xf32>
    %mul3A_309 = vector.broadcast %get3A_308 : vector<1x256xf32> to vector<1024x256xf32>
    %mul3A_310 = arith.mulf %add3A_305, %mul3A_309 : vector<1024x256xf32>
    %get3A_311 = arith.constant 0 : index
    %get3A_312 = arith.constant 0 : index
    %get3A_313 = vector.load %arg11[%get3A_311, %get3A_312] : memref<1x256xf32, #tpu.memory_space<vmem>>, vector<1x256xf32>
    %add3A_314 = vector.broadcast %get3A_313 : vector<1x256xf32> to vector<1024x256xf32>
    %add3A_315 = arith.addf %mul3A_310, %add3A_314 : vector<1024x256xf32>
    %convert_element_type3A_316 = arith.truncf %add3A_315 : vector<1024x256xf32> to vector<1024x256xbf16>
    %get3A_317 = arith.constant 0 : index
    %get3A_318 = arith.constant 0 : index
    %get3A_319 = vector.load %arg12[%get3A_317, %get3A_318] : memref<256x256xf32, #tpu.memory_space<vmem>>, vector<256x256xf32>
    %convert_element_type3A_320 = arith.truncf %get3A_319 : vector<256x256xf32> to vector<256x256xbf16>
    %dot_general3A_321 = arith.constant dense<0.000000e+00> : vector<1024x256xf32>
    %dot_general3A_322 = tpu.matmul %convert_element_type3A_316, %convert_element_type3A_320, %dot_general3A_321 {dimension_numbers = #tpu.dot_dimension_numbers<[1], [0], [0], [1], [0, 0, 1, 1], [], []>, transpose_lhs_hint = false} : vector<1024x256xbf16>, vector<256x256xbf16>, vector<1024x256xf32> -> vector<1024x256xf32>
    %swap3A_323 = arith.constant 0 : index
    %swap3A_324 = arith.constant 0 : index
    %swap3A_325 = vector.load %arg14[%swap3A_323, %swap3A_324] : memref<1024x256xf32, #tpu.memory_space<vmem>>, vector<1024x256xf32>
    tpu.vector_store %arg14[%swap3A_323, %swap3A_324], %dot_general3A_322 {strides = array<i32>} : memref<1024x256xf32, #tpu.memory_space<vmem>>, vector<1024x256xf32>,
    return
  }
  func.func @transform_0(%arg0: i32) -> (i32, i32) {
    %add3A = arith.constant 5 : i32
    %add3A_0 = arith.addi %arg0, %add3A : i32
    %c0_i32 = arith.constant 0 : i32
    %c0_i32_1 = arith.constant 0 : i32
    return %add3A_0, %c0_i32 : i32, i32
  }
  func.func @transform_1(%arg0: i32) -> (i32, i32, i32) {
    %c0_i32 = arith.constant 0 : i32
    %c0_i32_0 = arith.constant 0 : i32
    %c0_i32_1 = arith.constant 0 : i32
    return %c0_i32, %arg0, %c0_i32_0 : i32, i32, i32
  }
  func.func @transform_2(%arg0: i32) -> (i32, i32) {
    %c0_i32 = arith.constant 0 : i32
    %c0_i32_0 = arith.constant 0 : i32
    %c0_i32_1 = arith.constant 0 : i32
    return %c0_i32, %c0_i32_0 : i32, i32
  }
  func.func @transform_3(%arg0: i32) -> (i32, i32) {
    %c0_i32 = arith.constant 0 : i32
    %c0_i32_0 = arith.constant 0 : i32
    %c0_i32_1 = arith.constant 0 : i32
    return %c0_i32, %c0_i32_0 : i32, i32
  }
  func.func @transform_4(%arg0: i32) -> (i32, i32) {
    %c0_i32 = arith.constant 0 : i32
    %c0_i32_0 = arith.constant 0 : i32
    %c0_i32_1 = arith.constant 0 : i32
    return %c0_i32, %c0_i32_0 : i32, i32
  }
  func.func @transform_5(%arg0: i32) -> (i32, i32) {
    %c0_i32 = arith.constant 0 : i32
    %c0_i32_0 = arith.constant 0 : i32
    %c0_i32_1 = arith.constant 0 : i32
    return %c0_i32, %c0_i32_0 : i32, i32
  }
  func.func @transform_6(%arg0: i32) -> (i32, i32) {
    %c0_i32 = arith.constant 0 : i32
    %c0_i32_0 = arith.constant 0 : i32
    %c0_i32_1 = arith.constant 0 : i32
    return %c0_i32, %c0_i32_0 : i32, i32
  }
  func.func @transform_7(%arg0: i32) -> (i32, i32) {
    %c0_i32 = arith.constant 0 : i32
    %c0_i32_0 = arith.constant 0 : i32
    %c0_i32_1 = arith.constant 0 : i32
    return %c0_i32, %c0_i32_0 : i32, i32
  }
  func.func @transform_8(%arg0: i32) -> (i32, i32) {
    %c0_i32 = arith.constant 0 : i32
    %c0_i32_0 = arith.constant 0 : i32
    %c0_i32_1 = arith.constant 0 : i32
    return %c0_i32, %c0_i32_0 : i32, i32
  }
  func.func @transform_9(%arg0: i32) -> (i32, i32) {
    %c0_i32 = arith.constant 0 : i32
    %c0_i32_0 = arith.constant 0 : i32
    %c0_i32_1 = arith.constant 0 : i32
    return %c0_i32, %c0_i32_0 : i32, i32
  }
  func.func @transform_10(%arg0: i32) -> (i32, i32) {
    %c0_i32 = arith.constant 0 : i32
    %c0_i32_0 = arith.constant 0 : i32
    %c0_i32_1 = arith.constant 0 : i32
    return %c0_i32, %c0_i32_0 : i32, i32
  }
  func.func @transform_11(%arg0: i32) -> (i32, i32) {
    %c0_i32 = arith.constant 0 : i32
    %c0_i32_0 = arith.constant 0 : i32
    %c0_i32_1 = arith.constant 0 : i32
    return %c0_i32, %c0_i32_0 : i32, i32
  }
  func.func @transform_12(%arg0: i32) -> (i32, i32) {
    %c0_i32 = arith.constant 0 : i32
    %c0_i32_0 = arith.constant 0 : i32
    %c0_i32_1 = arith.constant 0 : i32
    return %c0_i32, %c0_i32_0 : i32, i32
  }
  func.func @transform_13(%arg0: i32) -> (i32, i32) {
    %c0_i32 = arith.constant 0 : i32
    %c0_i32_0 = arith.constant 0 : i32
    return %arg0, %c0_i32 : i32, i32
  }
  func.func @transform_14(%arg0: i32) -> (i32, i32) {
    %c0_i32 = arith.constant 0 : i32
    %c0_i32_0 = arith.constant 0 : i32
    %c0_i32_1 = arith.constant 0 : i32
    return %c0_i32, %c0_i32_0 : i32, i32
  }
}

</mosaic_0001>

<sc_bundles>
// kernel: kernel.12.cloned.1.call-start
scs
__scs_entry_jumppad:
0x0: {  	(pc) =	sbr.rel $0x88, $3  }
0x1: {  	(tag) =	ssettag $0x0;
	lr =	simm.s32 $0x1  }
0x2: {  	[smem:$0x3F88] =	sst lr;
	_ =	strace $0xD0000000  }
0x3: {  	_ = 	snop  }
0x4: {  	_ = 	snop  }
0x5: {  	_ = 	snop  }
0x6: {  	_ = 	snop  }
0x7: {  	_ = 	snop  }
__scs_overlays_trampoline_lowered:
0x8: {  	[smem:$0x3F97] =	sst s0  }
0x9: {  	[smem:$0x3F98] =	sst s1  }
0xa: {  	[smem:$0x3F99] =	sst s2  }
0xb: {  	[smem:$0x3F9A] =	sst s3  }
0xc: {  	[smem:$0x3F9B] =	sst s4  }
0xd: {  	[smem:$0x3F9C] =	sst s5  }
0xe: {  	[smem:$0x3F9D] =	sst s6  }
0xf: {  	[smem:$0x3F9E] =	sst s7  }
0x10: {  	[smem:$0x3F9F] =	sst s8  }
0x11: {  	[smem:$0x3FA0] =	sst s9;
	s0 =	simm.s32 @!p0 $0x0  }
0x12: {  	s1 =	sld [smem:$0x3F86];
	s0 =	simm.s32 @p0 $0x1  }
0x13: {  	[smem:$0x3FA1] =	sst s0;
	s0 =	simm.s32 @!p1 $0x0  }
0x14: {  	s2 =	sld [smem:$0x3F85];
	s0 =	simm.s32 @p1 $0x1  }
0x15: {  	[smem:$0x3FA2] =	sst s0;
	s0 =	simm.s32 @!p2 $0x0  }
0x16: {  	s3 =	sld [smem:$0x3FDB];
	s0 =	simm.s32 @p2 $0x1  }
0x17: {  	s4 =	simm.s32 $0x1BF5;
	[smem:$0x3FA4] =	sst s0  }
0x18: {  	s0 =	sld [smem:$0x3F87];
	_ =	swait.ge [sflag:s4], $0x0  }
0x19: {  	s7 =	sld [smem:$0x3F88]  }
0x1a: {  	s8 =	sadd.s32 $0xFFFFE003, lr  }
0x1b: {  	s9 =	sadd.s32 $0xFFFFFEF7, lr;
	s5 =	simm.s32 $0xFFFFFFFF;
	p2 =	slt.u32 s8, $0xFFFFF086  }
0x1c: {  	p1 =	slt.u32 s9, $0xF7A;
	s5 =	simm.s32 @!p2 $0x0  }
0x1d: {  	s5 =	simm.s32 @p1 $0x1;
	p0 =	seq.s32 s7, s2  }
0x1e: {  	s7 =	smul.u32 @!p0 $0xF7A, s2;
	p2 =	seq.s32 @!p0 s5, $0x0  }
0x1f: {  	s9 =	smul.u32 $0xF7A, s1;
	s8 =	simm.s32 @!p0 $0x1BF5;
	p2 =	por !p2, p0  }
0x20: {  	[sflag:s8] =	ssyncset.s32 @!p0 $0xFFFFF086;
	s6 =	sadd.s32 @!p0 s3, s7;
	s7 =	simm.s32 @!p0 $0x108  }
0x21: {  	s3 =	sadd.s32 s3, s9;
	s6 =	sadd.s32 @!p0 $0x88, s6;
	s7 =	simm.s32 @p2 $0x1082  }
0x22: {  	[simem:s7], [sflag:s8] =	dma.local @!p0 [hbm:s6], $0xF7A  }
0x23: {  	s9 =	sor.u32 $0xD0000000, s2;
	s6 =	simm.s32 $0x108;
	_ =	swait.ge @!p0 [sflag:s8], $0x0  }
0x24: {  	s3 =	sadd.s32 $0x88, s3;
	s6 =	simm.s32 @!p1 $0x1082;
	[sflag:s4] =	ssyncset.s32 $0xFFFFF086  }
0x25: {  	[simem:s6], [sflag:s4] =	dma.local [hbm:s3], $0xF7A  }
0x26: {  	[smem:$0x3F88] =	sst s1;
	(tag) =	ssettag s2;
	_ =	strace s9  }
0x27: {  	s1 =	sld [smem:$0x3F98]  }
0x28: {  	s2 =	sld [smem:$0x3F99]  }
0x29: {  	s4 =	sld [smem:$0x3F9B]  }
0x2a: {  	p0 =	seq.s32 s5, $0x0;
	s5 =	sld [smem:$0x3F9C]  }
0x2b: {  	s6 =	sld [smem:$0x3F9D]  }
0x2c: {  	s7 =	sld [smem:$0x3F9E]  }
0x2d: {  	s3 =	simm.s32 $0x108;
	s8 =	sld [smem:$0x3F9F]  }
0x2e: {  	s3 =	simm.s32 @!p0 $0x1082;
	s9 =	sld [smem:$0x3FA0]  }
0x2f: {  	lr =	sadd.s32 s0, s3;
	s0 =	sld [smem:$0x3F97]  }
0x30: {  	s3 =	sld [smem:$0x3F9A]  }
0x31: {  	[smem:$0x3FA3] =	sst s10  }
0x32: {  	s10 =	sld [smem:$0x3FA1];
	_ =	sdelay $0x3  }
0x33: {  	p0 =	seq.s32 s10, $0x1;
	s10 =	sld [smem:$0x3FA3];
	_ =	sdelay $0x3  }
0x34: {  	[smem:$0x3FA3] =	sst s10  }
0x35: {  	s10 =	sld [smem:$0x3FA2];
	_ =	sdelay $0x3  }
0x36: {  	p1 =	seq.s32 s10, $0x1;
	s10 =	sld [smem:$0x3FA3];
	_ =	sdelay $0x3  }
0x37: {  	[smem:$0x3FA3] =	sst s10  }
0x38: {  	s10 =	sld [smem:$0x3FA4]  }
0x39: {  	_ = 	snop;
	(pc) =	sbr.ind lr, $3  }
0x3a: {  	_ = 	snop  }
0x3b: {  	_ = 	snop  }
0x3c: {  	p2 =	seq.s32 s10, $0x1;
	s10 =	sld [smem:$0x3FA3]  }
0x3d: {  	_ =	shalt  }
0x3e: {  	_ =	shalt  }
0x3f: {  	_ =	shalt  }
0x40: {  	_ =	shalt  }
0x41: {  	_ =	shalt  }
0x42: {  	_ =	shalt  }
0x43: {  	_ =	shalt  }
0x44: {  	_ =	shalt  }
0x45: {  	_ =	shalt  }
0x46: {  	_ =	shalt  }
0x47: {  	_ =	shalt  }
0x48: {  	_ =	shalt  }
0x49: {  	_ =	shalt  }
0x4a: {  	_ =	shalt  }
0x4b: {  	_ =	shalt  }
0x4c: {  	_ =	shalt  }
0x4d: {  	_ =	shalt  }
0x4e: {  	_ =	shalt  }
0x4f: {  	_ =	shalt  }
0x50: {  	_ =	shalt  }
0x51: {  	_ =	shalt  }
0x52: {  	_ =	shalt  }
0x53: {  	_ =	shalt  }
0x54: {  	_ =	shalt  }
0x55: {  	_ =	shalt  }
0x56: {  	_ =	shalt  }
0x57: {  	_ =	shalt  }
0x58: {  	_ =	shalt  }
0x59: {  	_ =	shalt  }
0x5a: {  	_ =	shalt  }
0x5b: {  	_ =	shalt  }
0x5c: {  	_ =	shalt  }
0x5d: {  	_ =	shalt  }
0x5e: {  	_ =	shalt  }
0x5f: {  	_ =	shalt  }
0x60: {  	_ =	shalt  }
0x61: {  	_ =	shalt  }
0x62: {  	_ =	shalt  }
0x63: {  	_ =	shalt  }
0x64: {  	_ =	shalt  }
0x65: {  	_ =	shalt  }
0x66: {  	_ =	shalt  }
0x67: {  	_ =	shalt  }
0x68: {  	_ =	shalt  }
0x69: {  	_ =	shalt  }
0x6a: {  	_ =	shalt  }
0x6b: {  	_ =	shalt  }
0x6c: {  	_ =	shalt  }
0x6d: {  	_ =	shalt  }
0x6e: {  	_ =	shalt  }
0x6f: {  	_ =	shalt  }
0x70: {  	_ =	shalt  }
0x71: {  	_ =	shalt  }
0x72: {  	_ =	shalt  }
0x73: {  	_ =	shalt  }
0x74: {  	_ =	shalt  }
0x75: {  	_ =	shalt  }
0x76: {  	_ =	shalt  }
0x77: {  	_ =	shalt  }
0x78: {  	_ =	shalt  }
0x79: {  	_ =	shalt  }
0x7a: {  	_ =	shalt  }
0x7b: {  	_ =	shalt  }
0x7c: {  	_ =	shalt  }
0x7d: {  	_ =	shalt  }
0x7e: {  	_ =	shalt  }
0x7f: {  	_ =	shalt  }
0x80: {  	_ =	shalt  }
0x81: {  	_ =	shalt  }
0x82: {  	_ =	shalt  }
0x83: {  	_ =	shalt  }
0x84: {  	_ =	shalt  }
0x85: {  	_ =	shalt  }
0x86: {  	_ =	shalt  }
0x87: {  	_ =	shalt  }
.Lfunc_end0:
.L_simem_size_0:
called_computation.1_lowered:
.L_overlay_start_0:
0x88: {  	s2 =	sld [smem:$0x3FD9]  }
0x89: {  	s3 =	sld [smem:$0x3FFE];
	_ =	sdelay $0x1  }
0x8a: {  	s1 =	srdreg.scid  }
0x8b: {  	s0 =	sand.u32 $0x1, s1  }
0x8c: {  	s17 =	sshll.u32 s0, $0xA;
	s2 =	sadd.s32 s3, s2  }
0x8d: {  	s2 =	sadd.s32 s2, s17  }
0x8e: {  	[smem:$0x3FAF] =	sst s2  }
0x8f: {  	_ = 	snop  }
0x90: {  	s2 =	sld [smem:$0x3FD0];
	(tm) =	ssettm $0x1  }
0x91: {  	s18 =	sld [smem:$0x3FFB];
	_ =	sdelay $0x3  }
0x92: {  	_ =	strace s18  }
0x93: {  	s3 =	sld [smem:$0x3FFC];
	_ =	sdelay $0x3  }
0x94: {  	_ =	strace s3  }
0x95: {  	s3 =	sld [smem:$0x3FFD];
	_ =	sdelay $0x3  }
0x96: {  	_ =	strace s3  }
0x97: {  	_ =	strace $0x8FFFFFFF  }
0x98: {  	s19 =	sld [smem:$0x3FDB];
	_ =	sdelay $0x1  }
0x99: {  	s4 =	simm.s32 $_scs_section_size  }
0x9a: {  	s5 =	simm.s32 $_size__tile_overlayer_lowered;
	s6 =	simm.s32 $_tile_overlayer_lowered  }
0x9b: {  	s22 =	simm.s32 $0x1BFF;
	s21 =	sshll.u32 s6, $0x1;
	s3 =	sadd.s32 s4, s19  }
0x9c: {  	s7 =	simm.s32 $0x0;
	s20 =	sshll.u32 s5, $0x1;
	s5 =	sadd.s32 s21, s3  }
0x9d: {  	[timem:s7], [sflag:s22] =	dma.local [hbm:s5], s20  }
0x9e: {  	_ =	swait.ge [sflag:s22], s20  }
0x9f: {  	s4 =	ssub.s32 $0x0, s20;
	[sflag:s22] =	ssyncset.done $0x0  }
0xa0: {  	[sflag:s22] =	ssyncadd.s32 s4;
	_ =	sdelay $0x1  }
0xa1: {  	s23 =	simm.s32 $0x1B8B  }
0xa2: {  	_ =	swait.ge [sflag:s23], $0x1  }
0xa3: {  	[sflag:s23] =	ssyncset.done $0x0  }
0xa4: {  	s25 =	simm.s32 $0x1B8E;
	s24 =	sld [smem:$0x3FFE];
	[sflag:s23] =	ssyncadd.s32 $0xFFFFFFFF  }
0xa5: {  	s26 =	simm.s32 $execute0_lowered;
	[smem:$0x3FD2] =	sst s25  }
0xa6: {  	s5 =	sshll.u32 s26, $0x1;
	_ =	strace $0x80000049;
	[dreg:$0x1] =	wrdreg $0xFFFFFFFF  }
0xa7: {  	s28 =	simm.s32 $_size_execute0_lowered;
	s3 =	sadd.s32 s3, s5;
	[dreg:$0x0] =	wrdreg $0x0  }
0xa8: {  	s5 =	sshll.u32 s28, $0x1;
	[dreg:$0x2] =	wrdreg s3  }
0xa9: {  	[dreg:$0x3] =	wrdreg s5  }
0xaa: {  	[dreg:$0x4] =	wrdreg $0xC0  }
0xab: {  	_ =	task [dreg:s7], $0x5FFFF  }
0xac: {  	[dreg:$0x1] =	wrdreg $0xFFFFFFFF  }
0xad: {  	[dreg:$0x0] =	wrdreg $0x60  }
0xae: {  	[dreg:$0x2] =	wrdreg s2  }
0xaf: {  	[dreg:$0x3] =	wrdreg s24  }
0xb0: {  	[dreg:$0x4] =	wrdreg $0x9  }
0xb1: {  	_ =	task.clear_ibuf [dreg:s7], $0x5FFFF;
	_ =	strace $0x90000049  }
0xb2: {  	s29 =	simm.s32 $0x9;
	_ =	strace $0x8000004B  }
0xb3: {  	_ =	swait.ge [sflag:s29], $0x1  }
0xb4: {  	[sflag:s29] =	ssyncadd.s32 $0xFFFFFFFF  }
0xb5: {  	_ =	strace $0x9000004B  }
0xb6: {  	_ =	sfence  }
0xb7: {  	s30 =	sld [smem:$0x0];
	_ =	sdelay $0x2  }
0xb8: {  	s31 =	sshll.u32 s1, $0xD;
	s1 =	sshrl.u32 s1, $0x2  }
0xb9: {  	s3 =	sand.u32 $0x4000, s31;
	s1 =	sadd.s32 s1, s30  }
0xba: {  	s0 =	sor.u32 s3, s0;
	s1 =	sshll.u32 s1, $0x11  }
0xbb: {  	s0 =	sor.u32 s1, s0  }
0xbc: {  	s0 =	sadd.s32 $0x8F2B, s0  }
0xbd: {  	[sflag:s0] =	ssyncadd.remote.s32 $0x1  }
0xbe: {  	_ =	sfence.sel $0xFFFF  }
0xbf: {  	[dreg:$0x0] =	wrdreg $0xFFFFFFFF;
	(pc) =	sbr.abs _section_cstart, $3  }
0xc0: {  	[dreg:$0x1] =	wrdreg $0xFFFFFFFF  }
0xc1: {  	_ =	task.clear_ibuf [dreg:s7], $0x2FFFF;
	_ =	strace $0x9FFFFFFF  }
0xc2: {  	(tm) =	ssettm $0x7FFFFFFF  }
0xc3: {  	_ =	shalt  }
tec
execute0_lowered:
.L_overlay_start_1:
0x0: {  	(tag) =	ssettag $0x1  }
0x1: {  	s2 =	rddreg [dreg:$0x0]  }
0x2: {  	s4 =	rddreg [dreg:$0x1]  }
0x3: {  	s0 =	rddreg [dreg:$0x2];
	s1 =	stileid.u32  }
0x4: {  	s3 =	simm.s32 $0x0;
	s5 =	srdreg.scid;
	s13 =	simm.s32 $0x3  }
0x5: {  	s14 =	simm.s32 $0x80;
	s15 =	simm.s32 $0x100;
	s16 =	simm.s32 $0x4100  }
0x6: {  	s17 =	simm.s32 $0x1;
	s18 =	simm.s32 $0x2;
	s19 =	simm.s32 $0x0  }
0x7: {  	s6 =	smul.u32 $0xA00, s1;
	[smem:$0x7FF] =	sst s3;
	s5 =	sand.u32 $0x1, s5  }
0x8: {  	s8 =	sadd.s32 $0xA9800, s4;
	p0 =	seq.s32 s5, $0x0;
	s5 =	ssub.s32 $0x2, s5  }
0x9: {  	s9 =	sadd.s32 $0xAC000, s4;
	s7 =	sadd.s32 $0xA000, s6;
	s30 =	sshrl.u32 s5, $0x1  }
0xa: {  	_ =	strace $0x8000004A;
	s7 =	smov.u32 @p0 s6;
	s5 =	ssub.s32 s5, s30  }
.Ltmp0:
0xb: {  	s6 =	sshrl.u32 s7, $0x3;
	s10 =	sor.u32 $0x80, s7;
	(pc) =	sbr.rel .LBB2_1-.Ltmp0, $4  }
0xc: {  	s5 =	smax.u32 s5, $0x1;
	s7 =	sshll.u32 s7, $0x4;
	s4 =	sadd.s32 s8, s6  }
0xd: {  	s31 =	sshrl.u32 s10, $0x3;
	s7 =	sadd.s32 s9, s7;
	s10 =	sshll.u32 s10, $0x4  }
0xe: {  	s6 =	sadd.s32 s8, s31;
	s8 =	sadd.s32 $0x20, s4;
	s9 =	sadd.s32 s9, s10  }
0xf: {  	s10 =	sadd.s32 $0x1000, s7;
	s11 =	sadd.s32 $0x30, s4;
	s12 =	sadd.s32 $0x40, s4  }
.LBB2_4:
0x10: {  	_ =	swait.ge [sflag:s17], $0x4000  }
0x11: {  	[sflag:s17] =	ssyncset.done $0x0  }
0x12: {  	s19 =	sadd.s32 $0x1, s19;
	[sflag:s17] =	ssyncadd.s32 $0xFFFFC000  }
0x13: {  	[hbm4b:s22+s3] =	stream.linear.scatter [tilespmem:s16], [sflag:$0x2], $0x4000, $0x38;
	[tilespmem:$0x8100] =	vst v63  }
0x14: {  	p0 =	sne.s32 s19, s5;
	_ =	swait.ge [sflag:s18], $0x4000  }
.Ltmp1:
0x15: {  	[sflag:s18] =	ssyncset.done $0x0;
	(pc) =	sbr.rel @!p0 .LBB2_5-.Ltmp1, $4  }
0x16: {  	[sflag:s18] =	ssyncadd.s32 $0xFFFFC000  }
0x17: {  	_ =	swait.ge [sflag:s18], $0x4000  }
0x18: {  	[sflag:s18] =	ssyncset.done $0x0  }
0x19: {  	[sflag:s18] =	ssyncadd.s32 $0xFFFFC000  }
.LBB2_1:
0x1a: {  	[tilespmem:s3], [sflag:$0x3] =	stream.linear.gather [hbm4b:s4+s3], $0x80, $0x38;
	[tilespmem:$0x8100] =	vst v63  }
0x1b: {  	_ =	swait.ge [sflag:s13], $0x80  }
0x1c: {  	[sflag:s13] =	ssyncset.done $0x0  }
0x1d: {  	[sflag:s13] =	ssyncadd.s32 $0xFFFFFF80  }
0x1e: {  	[tilespmem:s15], [sflag:$0x1] =	stream.indirect.gather [hbm4b:s2+s14], $0x80, s3, s14, $0xb8;
	[tilespmem:$0x8100] =	vst v63  }
0x1f: {  	_ = 	snop  }
0x20: {  	[tilespmem:s14], [sflag:$0x3] =	stream.linear.gather [hbm4b:s6+s3], $0x80, $0x38;
	[tilespmem:$0x8100] =	vst v63  }
0x21: {  	_ =	swait.ge [sflag:s13], $0x80  }
0x22: {  	[sflag:s13] =	ssyncset.done $0x0  }
0x23: {  	[sflag:s13] =	ssyncadd.s32 $0xFFFFFF80  }
0x24: {  	[tilespmem:s16], [sflag:$0x1] =	stream.indirect.gather [hbm4b:s2+s14], $0x80, s14, s14, $0xb8;
	[tilespmem:$0x8100] =	vst v63  }
0x25: {  	_ =	swait.ge [sflag:s17], $0x4000  }
0x26: {  	[sflag:s17] =	ssyncset.done $0x0  }
0x27: {  	[sflag:s17] =	ssyncadd.s32 $0xFFFFC000  }
0x28: {  	[hbm4b:s7+s3] =	stream.linear.scatter [tilespmem:s15], [sflag:$0x2], $0x4000, $0x38;
	[tilespmem:$0x8100] =	vst v63  }
0x29: {  	_ = 	snop  }
0x2a: {  	[tilespmem:s3], [sflag:$0x3] =	stream.linear.gather [hbm4b:s8+s3], $0x80, $0x38;
	[tilespmem:$0x8100] =	vst v63  }
0x2b: {  	_ =	swait.ge [sflag:s13], $0x80  }
0x2c: {  	[sflag:s13] =	ssyncset.done $0x0  }
0x2d: {  	[sflag:s13] =	ssyncadd.s32 $0xFFFFFF80  }
0x2e: {  	_ =	swait.ge [sflag:s17], $0x4000  }
0x2f: {  	[sflag:s17] =	ssyncset.done $0x0  }
0x30: {  	[sflag:s17] =	ssyncadd.s32 $0xFFFFC000  }
0x31: {  	[hbm4b:s9+s3] =	stream.linear.scatter [tilespmem:s16], [sflag:$0x2], $0x4000, $0x38;
	[tilespmem:$0x8100] =	vst v63  }
0x32: {  	_ =	swait.ge [sflag:s18], $0x4000  }
0x33: {  	[sflag:s18] =	ssyncset.done $0x0  }
0x34: {  	s20 =	smov.u32 s10;
	s21 =	simm.s32 $0x0;
	[sflag:s18] =	ssyncadd.s32 $0xFFFFC000  }
0x35: {  	[tilespmem:s15], [sflag:$0x1] =	stream.indirect.gather [hbm4b:s2+s14], $0x80, s3, s14, $0xb8;
	[tilespmem:$0x8100] =	vst v63  }
.LBB2_2:
0x36: {  	s22 =	sadd.s32 s21, s11  }
0x37: {  	[tilespmem:s14], [sflag:$0x3] =	stream.linear.gather [hbm4b:s22+s3], $0x80, $0x38;
	[tilespmem:$0x8100] =	vst v63  }
0x38: {  	_ =	swait.ge [sflag:s13], $0x80  }
0x39: {  	[sflag:s13] =	ssyncset.done $0x0  }
0x3a: {  	[sflag:s13] =	ssyncadd.s32 $0xFFFFFF80  }
0x3b: {  	_ =	swait.ge [sflag:s18], $0x4000  }
0x3c: {  	[sflag:s18] =	ssyncset.done $0x0  }
0x3d: {  	p0 =	seq.s32 s21, $0x100;
	[sflag:s18] =	ssyncadd.s32 $0xFFFFC000  }
0x3e: {  	[tilespmem:s16], [sflag:$0x1] =	stream.indirect.gather [hbm4b:s2+s14], $0x80, s14, s14, $0xb8;
	[tilespmem:$0x8100] =	vst v63  }
.Ltmp2:
0x3f: {  	_ = 	snop;
	(pc) =	sbr.rel @p0 .LBB2_4-.Ltmp2, $4  }
0x40: {  	_ =	swait.ge [sflag:s17], $0x4000  }
0x41: {  	[sflag:s17] =	ssyncset.done $0x0  }
0x42: {  	s22 =	sadd.s32 $0x800, s20;
	[sflag:s17] =	ssyncadd.s32 $0xFFFFC000  }
0x43: {  	[hbm4b:s20+s3] =	stream.linear.scatter [tilespmem:s15], [sflag:$0x2], $0x4000, $0x38;
	[tilespmem:$0x8100] =	vst v63  }
0x44: {  	s23 =	sadd.s32 s21, s12  }
0x45: {  	[tilespmem:s3], [sflag:$0x3] =	stream.linear.gather [hbm4b:s23+s3], $0x80, $0x38;
	[tilespmem:$0x8100] =	vst v63  }
0x46: {  	_ =	swait.ge [sflag:s13], $0x80  }
0x47: {  	[sflag:s13] =	ssyncset.done $0x0  }
0x48: {  	[sflag:s13] =	ssyncadd.s32 $0xFFFFFF80  }
0x49: {  	_ =	swait.ge [sflag:s17], $0x4000  }
0x4a: {  	[sflag:s17] =	ssyncset.done $0x0  }
0x4b: {  	[sflag:s17] =	ssyncadd.s32 $0xFFFFC000  }
0x4c: {  	[hbm4b:s22+s3] =	stream.linear.scatter [tilespmem:s16], [sflag:$0x2], $0x4000, $0x38;
	[tilespmem:$0x8100] =	vst v63  }
.Ltmp3:
0x4d: {  	_ = 	snop;
	(pc) =	sbr.rel .LBB2_2-.Ltmp3, $4  }
0x4e: {  	_ =	swait.ge [sflag:s18], $0x4000  }
0x4f: {  	[sflag:s18] =	ssyncset.done $0x0  }
0x50: {  	s21 =	sadd.s32 $0x20, s21;
	s20 =	sadd.s32 $0x1000, s20;
	[sflag:s18] =	ssyncadd.s32 $0xFFFFC000  }
0x51: {  	[tilespmem:s15], [sflag:$0x1] =	stream.indirect.gather [hbm4b:s2+s14], $0x80, s3, s14, $0xb8;
	[tilespmem:$0x8100] =	vst v63  }
.LBB2_5:
0x52: {  	_ =	sfence.sel $0x180000  }
0x53: {  	[bflag:$0x0] =	sbarrier.arrive $0xFFFF  }
0x54: {  	p0 =	sne.s32 s1, $0x0;
	_ =	strace $0x9000004A  }
0x55: {  	s0 =	sadd.s32 @!p0 $0x100000, s0;
	[bflag:$0x2] =	sbarrier.arrive $0xFFFF  }
0x56: {  	[sflag:s0] =	ssyncadd.tile.s32 @!p0 $0x1;
	_ =	shalt  }
.Lfunc_end2:
_tile_overlayer_lowered:
.L_overlay_start_2:
0x57: {  	(tag) =	ssettag $0x2  }
0x58: {  	s0 =	rddreg [dreg:$0x0];
	s2 =	stileid.u32  }
0x59: {  	s1 =	rddreg [dreg:$0x1];
	p0 =	sne.s32 s2, $0x0  }
0x5a: {  	s3 =	rddreg [dreg:$0x2];
	[bflag:$0x3] =	sbarrier.arrive $0xFFFF;
	s2 =	simm.s32 @!p0 $0x1C03  }
0x5b: {  	[timem:s3], [sflag:s2] =	dma.local @!p0 [hbm:s0], s1  }
0x5c: {  	s0 =	simm.s32 @!p0 $0x3  }
0x5d: {  	_ =	swait.ge @!p0 [sflag:s0], s1  }
0x5e: {  	s1 =	ssub.s32 @!p0 $0x0, s1;
	[sflag:s0] =	ssyncset.done @!p0 $0x0  }
0x5f: {  	[sflag:s0] =	ssyncadd.s32 @!p0 s1  }
0x60: {  	[bflag:$0x3] =	sbarrier.arrive $0xFFFF  }
0x61: {  	_ =	shalt  }

// kernel: kernel.15.cloned.1.call-start
scs
__scs_entry_jumppad:
0x0: {  	(pc) =	sbr.rel $0x88, $3  }
0x1: {  	(tag) =	ssettag $0x0;
	lr =	simm.s32 $0x1  }
0x2: {  	[smem:$0x3F88] =	sst lr;
	_ =	strace $0xD0000000  }
0x3: {  	_ = 	snop  }
0x4: {  	_ = 	snop  }
0x5: {  	_ = 	snop  }
0x6: {  	_ = 	snop  }
0x7: {  	_ = 	snop  }
__scs_overlays_trampoline_lowered:
0x8: {  	[smem:$0x3F97] =	sst s0  }
0x9: {  	[smem:$0x3F98] =	sst s1  }
0xa: {  	[smem:$0x3F99] =	sst s2  }
0xb: {  	[smem:$0x3F9A] =	sst s3  }
0xc: {  	[smem:$0x3F9B] =	sst s4  }
0xd: {  	[smem:$0x3F9C] =	sst s5  }
0xe: {  	[smem:$0x3F9D] =	sst s6  }
0xf: {  	[smem:$0x3F9E] =	sst s7  }
0x10: {  	[smem:$0x3F9F] =	sst s8  }
0x11: {  	[smem:$0x3FA0] =	sst s9;
	s0 =	simm.s32 @!p0 $0x0  }
0x12: {  	s1 =	sld [smem:$0x3F86];
	s0 =	simm.s32 @p0 $0x1  }
0x13: {  	[smem:$0x3FA1] =	sst s0;
	s0 =	simm.s32 @!p1 $0x0  }
0x14: {  	s2 =	sld [smem:$0x3F85];
	s0 =	simm.s32 @p1 $0x1  }
0x15: {  	[smem:$0x3FA2] =	sst s0;
	s0 =	simm.s32 @!p2 $0x0  }
0x16: {  	s3 =	sld [smem:$0x3FDB];
	s0 =	simm.s32 @p2 $0x1  }
0x17: {  	s4 =	simm.s32 $0x1BF5;
	[smem:$0x3FA4] =	sst s0  }
0x18: {  	s0 =	sld [smem:$0x3F87];
	_ =	swait.ge [sflag:s4], $0x0  }
0x19: {  	s7 =	sld [smem:$0x3F88]  }
0x1a: {  	s8 =	sadd.s32 $0xFFFFE003, lr  }
0x1b: {  	s9 =	sadd.s32 $0xFFFFFEF7, lr;
	s5 =	simm.s32 $0xFFFFFFFF;
	p2 =	slt.u32 s8, $0xFFFFF086  }
0x1c: {  	p1 =	slt.u32 s9, $0xF7A;
	s5 =	simm.s32 @!p2 $0x0  }
0x1d: {  	s5 =	simm.s32 @p1 $0x1;
	p0 =	seq.s32 s7, s2  }
0x1e: {  	s7 =	smul.u32 @!p0 $0xF7A, s2;
	p2 =	seq.s32 @!p0 s5, $0x0  }
0x1f: {  	s9 =	smul.u32 $0xF7A, s1;
	s8 =	simm.s32 @!p0 $0x1BF5;
	p2 =	por !p2, p0  }
0x20: {  	[sflag:s8] =	ssyncset.s32 @!p0 $0xFFFFF086;
	s6 =	sadd.s32 @!p0 s3, s7;
	s7 =	simm.s32 @!p0 $0x108  }
0x21: {  	s3 =	sadd.s32 s3, s9;
	s6 =	sadd.s32 @!p0 $0x88, s6;
	s7 =	simm.s32 @p2 $0x1082  }
0x22: {  	[simem:s7], [sflag:s8] =	dma.local @!p0 [hbm:s6], $0xF7A  }
0x23: {  	s9 =	sor.u32 $0xD0000000, s2;
	s6 =	simm.s32 $0x108;
	_ =	swait.ge @!p0 [sflag:s8], $0x0  }
0x24: {  	s3 =	sadd.s32 $0x88, s3;
	s6 =	simm.s32 @!p1 $0x1082;
	[sflag:s4] =	ssyncset.s32 $0xFFFFF086  }
0x25: {  	[simem:s6], [sflag:s4] =	dma.local [hbm:s3], $0xF7A  }
0x26: {  	[smem:$0x3F88] =	sst s1;
	(tag) =	ssettag s2;
	_ =	strace s9  }
0x27: {  	s1 =	sld [smem:$0x3F98]  }
0x28: {  	s2 =	sld [smem:$0x3F99]  }
0x29: {  	s4 =	sld [smem:$0x3F9B]  }
0x2a: {  	p0 =	seq.s32 s5, $0x0;
	s5 =	sld [smem:$0x3F9C]  }
0x2b: {  	s6 =	sld [smem:$0x3F9D]  }
0x2c: {  	s7 =	sld [smem:$0x3F9E]  }
0x2d: {  	s3 =	simm.s32 $0x108;
	s8 =	sld [smem:$0x3F9F]  }
0x2e: {  	s3 =	simm.s32 @!p0 $0x1082;
	s9 =	sld [smem:$0x3FA0]  }
0x2f: {  	lr =	sadd.s32 s0, s3;
	s0 =	sld [smem:$0x3F97]  }
0x30: {  	s3 =	sld [smem:$0x3F9A]  }
0x31: {  	[smem:$0x3FA3] =	sst s10  }
0x32: {  	s10 =	sld [smem:$0x3FA1];
	_ =	sdelay $0x3  }
0x33: {  	p0 =	seq.s32 s10, $0x1;
	s10 =	sld [smem:$0x3FA3];
	_ =	sdelay $0x3  }
0x34: {  	[smem:$0x3FA3] =	sst s10  }
0x35: {  	s10 =	sld [smem:$0x3FA2];
	_ =	sdelay $0x3  }
0x36: {  	p1 =	seq.s32 s10, $0x1;
	s10 =	sld [smem:$0x3FA3];
	_ =	sdelay $0x3  }
0x37: {  	[smem:$0x3FA3] =	sst s10  }
0x38: {  	s10 =	sld [smem:$0x3FA4]  }
0x39: {  	_ = 	snop;
	(pc) =	sbr.ind lr, $3  }
0x3a: {  	_ = 	snop  }
0x3b: {  	_ = 	snop  }
0x3c: {  	p2 =	seq.s32 s10, $0x1;
	s10 =	sld [smem:$0x3FA3]  }
0x3d: {  	_ =	shalt  }
0x3e: {  	_ =	shalt  }
0x3f: {  	_ =	shalt  }
0x40: {  	_ =	shalt  }
0x41: {  	_ =	shalt  }
0x42: {  	_ =	shalt  }
0x43: {  	_ =	shalt  }
0x44: {  	_ =	shalt  }
0x45: {  	_ =	shalt  }
0x46: {  	_ =	shalt  }
0x47: {  	_ =	shalt  }
0x48: {  	_ =	shalt  }
0x49: {  	_ =	shalt  }
0x4a: {  	_ =	shalt  }
0x4b: {  	_ =	shalt  }
0x4c: {  	_ =	shalt  }
0x4d: {  	_ =	shalt  }
0x4e: {  	_ =	shalt  }
0x4f: {  	_ =	shalt  }
0x50: {  	_ =	shalt  }
0x51: {  	_ =	shalt  }
0x52: {  	_ =	shalt  }
0x53: {  	_ =	shalt  }
0x54: {  	_ =	shalt  }
0x55: {  	_ =	shalt  }
0x56: {  	_ =	shalt  }
0x57: {  	_ =	shalt  }
0x58: {  	_ =	shalt  }
0x59: {  	_ =	shalt  }
0x5a: {  	_ =	shalt  }
0x5b: {  	_ =	shalt  }
0x5c: {  	_ =	shalt  }
0x5d: {  	_ =	shalt  }
0x5e: {  	_ =	shalt  }
0x5f: {  	_ =	shalt  }
0x60: {  	_ =	shalt  }
0x61: {  	_ =	shalt  }
0x62: {  	_ =	shalt  }
0x63: {  	_ =	shalt  }
0x64: {  	_ =	shalt  }
0x65: {  	_ =	shalt  }
0x66: {  	_ =	shalt  }
0x67: {  	_ =	shalt  }
0x68: {  	_ =	shalt  }
0x69: {  	_ =	shalt  }
0x6a: {  	_ =	shalt  }
0x6b: {  	_ =	shalt  }
0x6c: {  	_ =	shalt  }
0x6d: {  	_ =	shalt  }
0x6e: {  	_ =	shalt  }
0x6f: {  	_ =	shalt  }
0x70: {  	_ =	shalt  }
0x71: {  	_ =	shalt  }
0x72: {  	_ =	shalt  }
0x73: {  	_ =	shalt  }
0x74: {  	_ =	shalt  }
0x75: {  	_ =	shalt  }
0x76: {  	_ =	shalt  }
0x77: {  	_ =	shalt  }
0x78: {  	_ =	shalt  }
0x79: {  	_ =	shalt  }
0x7a: {  	_ =	shalt  }
0x7b: {  	_ =	shalt  }
0x7c: {  	_ =	shalt  }
0x7d: {  	_ =	shalt  }
0x7e: {  	_ =	shalt  }
0x7f: {  	_ =	shalt  }
0x80: {  	_ =	shalt  }
0x81: {  	_ =	shalt  }
0x82: {  	_ =	shalt  }
0x83: {  	_ =	shalt  }
0x84: {  	_ =	shalt  }
0x85: {  	_ =	shalt  }
0x86: {  	_ =	shalt  }
0x87: {  	_ =	shalt  }
.Lfunc_end0:
.L_simem_size_0:
called_computation.2_lowered:
.L_overlay_start_0:
0x88: {  	s2 =	sld [smem:$0x3FD9]  }
0x89: {  	s3 =	sld [smem:$0x3FFE];
	_ =	sdelay $0x1  }
0x8a: {  	s1 =	srdreg.scid  }
0x8b: {  	s0 =	sand.u32 $0x1, s1  }
0x8c: {  	s17 =	sshll.u32 s0, $0xA;
	s2 =	sadd.s32 s3, s2  }
0x8d: {  	s2 =	sadd.s32 s2, s17  }
0x8e: {  	[smem:$0x3FAF] =	sst s2  }
0x8f: {  	_ = 	snop  }
0x90: {  	s18 =	sld [smem:$0x3FD0];
	(tm) =	ssettm $0x1  }
0x91: {  	s19 =	sld [smem:$0x3FFB];
	_ =	sdelay $0x3  }
0x92: {  	_ =	strace s19  }
0x93: {  	s2 =	sld [smem:$0x3FFC];
	_ =	sdelay $0x3  }
0x94: {  	_ =	strace s2  }
0x95: {  	s2 =	sld [smem:$0x3FFD];
	_ =	sdelay $0x3  }
0x96: {  	_ =	strace s2  }
0x97: {  	_ =	strace $0x8FFFFFFF  }
0x98: {  	s20 =	sld [smem:$0x3FDB];
	_ =	sdelay $0x1  }
0x99: {  	s4 =	simm.s32 $_scs_section_size  }
0x9a: {  	s5 =	simm.s32 $_size__tile_overlayer_lowered;
	s6 =	simm.s32 $_tile_overlayer_lowered  }
0x9b: {  	s7 =	simm.s32 $0x1BFF;
	s21 =	sshll.u32 s6, $0x1;
	s4 =	sadd.s32 s4, s20  }
0x9c: {  	s22 =	simm.s32 $0x0;
	s5 =	sshll.u32 s5, $0x1;
	s6 =	sadd.s32 s21, s4  }
0x9d: {  	[timem:s22], [sflag:s7] =	dma.local [hbm:s6], s5  }
0x9e: {  	_ =	swait.ge [sflag:s7], s5  }
0x9f: {  	s5 =	ssub.s32 $0x0, s5;
	[sflag:s7] =	ssyncset.done $0x0  }
0xa0: {  	[sflag:s7] =	ssyncadd.s32 s5;
	_ =	sdelay $0x1  }
0xa1: {  	s23 =	simm.s32 $0x1B8B  }
0xa2: {  	_ =	swait.ge [sflag:s23], $0x1  }
0xa3: {  	[sflag:s23] =	ssyncset.done $0x0  }
0xa4: {  	[sflag:s23] =	ssyncadd.s32 $0xFFFFFFFF  }
0xa5: {  	s5 =	sld [smem:$0x0]  }
0xa6: {  	s6 =	sand.u32 $0xFFFFFFFE, s1  }
0xa7: {  	p0 =	sne.s32 s1, s6  }
0xa8: {  	s6 =	sshll.u32 @p0 s6, $0xE  }
0xa9: {  	s6 =	sadd.s32 @p0 $0x11B8D, s6;
	s7 =	sshll.u32 @p0 s5, $0x11  }
0xaa: {  	s6 =	sor.u32 @p0 s7, s6  }
0xab: {  	[sflag:s6] =	ssyncadd.remote.s32 @p0 $0x1;
	_ =	sdelay $0x1  }
0xac: {  	s6 =	simm.s32 @p0 $0x1B8D  }
0xad: {  	_ =	swait.eq @p0 [sflag:s6], $0x1  }
0xae: {  	[sflag:s6] =	ssyncadd.s32 @p0 $0xFFFFFFFF  }
0xaf: {  	s7 =	sshll.u32 @!p0 s1, $0xE  }
0xb0: {  	s7 =	sor.u32 @!p0 $0x4000, s7;
	s6 =	simm.s32 @!p0 $0x1B8D  }
0xb1: {  	s5 =	sshll.u32 @!p0 s5, $0x11;
	s7 =	sadd.s32 @!p0 $0x11B8D, s7;
	_ =	swait.eq @!p0 [sflag:s6], $0x1  }
0xb2: {  	s5 =	sor.u32 @!p0 s5, s7;
	[sflag:s6] =	ssyncadd.s32 @!p0 $0xFFFFFFFF  }
0xb3: {  	s25 =	simm.s32 $0x1B8E;
	s24 =	sld [smem:$0x3FFE];
	[sflag:s5] =	ssyncadd.remote.s32 @!p0 $0x1  }
0xb4: {  	s26 =	simm.s32 $execute0_lowered;
	[smem:$0x3FD2] =	sst s25  }
0xb5: {  	s6 =	sshll.u32 s26, $0x1;
	_ =	strace $0x8000004C;
	[dreg:$0x1] =	wrdreg $0xFFFFFFFF  }
0xb6: {  	s28 =	simm.s32 $_size_execute0_lowered;
	s4 =	sadd.s32 s4, s6;
	[dreg:$0x0] =	wrdreg $0x0  }
0xb7: {  	s6 =	sshll.u32 s28, $0x1;
	[dreg:$0x2] =	wrdreg s4  }
0xb8: {  	[dreg:$0x3] =	wrdreg s6  }
0xb9: {  	[dreg:$0x4] =	wrdreg $0xC0  }
0xba: {  	_ =	task [dreg:s22], $0x5FFFF  }
0xbb: {  	[dreg:$0x1] =	wrdreg $0xFFFFFFFF  }
0xbc: {  	[dreg:$0x0] =	wrdreg $0x60  }
0xbd: {  	[dreg:$0x2] =	wrdreg s18  }
0xbe: {  	[dreg:$0x3] =	wrdreg s24  }
0xbf: {  	[dreg:$0x4] =	wrdreg $0xA  }
0xc0: {  	_ =	task.clear_ibuf [dreg:s22], $0x5FFFF;
	_ =	strace $0x9000004C  }
0xc1: {  	s29 =	simm.s32 $0xA;
	_ =	strace $0x8000004E  }
0xc2: {  	_ =	swait.ge [sflag:s29], $0x1  }
0xc3: {  	[sflag:s29] =	ssyncadd.s32 $0xFFFFFFFF  }
0xc4: {  	_ =	strace $0x9000004E  }
0xc5: {  	_ =	sfence  }
0xc6: {  	s30 =	sld [smem:$0x0];
	_ =	sdelay $0x2  }
0xc7: {  	s31 =	sshll.u32 s1, $0xD;
	s1 =	sshrl.u32 s1, $0x2  }
0xc8: {  	s4 =	sand.u32 $0x4000, s31;
	s1 =	sadd.s32 s1, s30  }
0xc9: {  	s0 =	sor.u32 s4, s0;
	s1 =	sshll.u32 s1, $0x11  }
0xca: {  	s0 =	sor.u32 s1, s0  }
0xcb: {  	s0 =	sadd.s32 $0x8F2B, s0  }
0xcc: {  	[sflag:s0] =	ssyncadd.remote.s32 $0x1  }
0xcd: {  	_ =	sfence.sel $0xFFFF  }
0xce: {  	[dreg:$0x0] =	wrdreg $0xFFFFFFFF;
	(pc) =	sbr.abs _section_cstart, $3  }
0xcf: {  	[dreg:$0x1] =	wrdreg $0xFFFFFFFF  }
0xd0: {  	_ =	task.clear_ibuf [dreg:s22], $0x2FFFF;
	_ =	strace $0x9FFFFFFF  }
0xd1: {  	(tm) =	ssettm $0x7FFFFFFF  }
tec
execute0_lowered:
.L_overlay_start_1:
0x0: {  	(tag) =	ssettag $0x1  }
0x1: {  	s2 =	rddreg [dreg:$0x0]  }
0x2: {  	s4 =	rddreg [dreg:$0x1]  }
0x3: {  	s0 =	rddreg [dreg:$0x2];
	s1 =	stileid.u32  }
0x4: {  	s3 =	simm.s32 $0x0;
	s5 =	srdreg.scid;
	s13 =	simm.s32 $0x3  }
0x5: {  	s14 =	simm.s32 $0x80;
	s15 =	simm.s32 $0x100;
	s16 =	simm.s32 $0x4100  }
0x6: {  	s17 =	simm.s32 $0x1;
	s18 =	simm.s32 $0x2;
	s19 =	simm.s32 $0x0  }
0x7: {  	s6 =	smul.u32 $0xA00, s1;
	[smem:$0x7FF] =	sst s3;
	s5 =	sand.u32 $0x1, s5  }
0x8: {  	s8 =	sadd.s32 $0x4800, s4;
	p0 =	seq.s32 s5, $0x0;
	s5 =	ssub.s32 $0x2, s5  }
0x9: {  	s9 =	sadd.s32 $0x1EC000, s4;
	s7 =	sadd.s32 $0xA000, s6;
	s30 =	sshrl.u32 s5, $0x1  }
0xa: {  	_ =	strace $0x8000004D;
	s7 =	smov.u32 @p0 s6;
	s5 =	ssub.s32 s5, s30  }
.Ltmp0:
0xb: {  	s6 =	sshrl.u32 s7, $0x3;
	s10 =	sor.u32 $0x80, s7;
	(pc) =	sbr.rel .LBB2_1-.Ltmp0, $4  }
0xc: {  	s5 =	smax.u32 s5, $0x1;
	s7 =	sshll.u32 s7, $0x4;
	s4 =	sadd.s32 s8, s6  }
0xd: {  	s31 =	sshrl.u32 s10, $0x3;
	s7 =	sadd.s32 s9, s7;
	s10 =	sshll.u32 s10, $0x4  }
0xe: {  	s6 =	sadd.s32 s8, s31;
	s8 =	sadd.s32 $0x20, s4;
	s9 =	sadd.s32 s9, s10  }
0xf: {  	s10 =	sadd.s32 $0x1000, s7;
	s11 =	sadd.s32 $0x30, s4;
	s12 =	sadd.s32 $0x40, s4  }
.LBB2_4:
0x10: {  	_ =	swait.ge [sflag:s17], $0x4000  }
0x11: {  	[sflag:s17] =	ssyncset.done $0x0  }
0x12: {  	s19 =	sadd.s32 $0x1, s19;
	[sflag:s17] =	ssyncadd.s32 $0xFFFFC000  }
0x13: {  	[hbm4b:s22+s3] =	stream.linear.scatter [tilespmem:s16], [sflag:$0x2], $0x4000, $0x38;
	[tilespmem:$0x8100] =	vst v63  }
0x14: {  	p0 =	sne.s32 s19, s5;
	_ =	swait.ge [sflag:s18], $0x4000  }
.Ltmp1:
0x15: {  	[sflag:s18] =	ssyncset.done $0x0;
	(pc) =	sbr.rel @!p0 .LBB2_5-.Ltmp1, $4  }
0x16: {  	[sflag:s18] =	ssyncadd.s32 $0xFFFFC000  }
0x17: {  	_ =	swait.ge [sflag:s18], $0x4000  }
0x18: {  	[sflag:s18] =	ssyncset.done $0x0  }
0x19: {  	[sflag:s18] =	ssyncadd.s32 $0xFFFFC000  }
.LBB2_1:
0x1a: {  	[tilespmem:s3], [sflag:$0x3] =	stream.linear.gather [hbm4b:s4+s3], $0x80, $0x38;
	[tilespmem:$0x8100] =	vst v63  }
0x1b: {  	_ =	swait.ge [sflag:s13], $0x80  }
0x1c: {  	[sflag:s13] =	ssyncset.done $0x0  }
0x1d: {  	[sflag:s13] =	ssyncadd.s32 $0xFFFFFF80  }
0x1e: {  	[tilespmem:s15], [sflag:$0x1] =	stream.indirect.gather [hbm4b:s2+s14], $0x80, s3, s14, $0xb8;
	[tilespmem:$0x8100] =	vst v63  }
0x1f: {  	_ = 	snop  }
0x20: {  	[tilespmem:s14], [sflag:$0x3] =	stream.linear.gather [hbm4b:s6+s3], $0x80, $0x38;
	[tilespmem:$0x8100] =	vst v63  }
0x21: {  	_ =	swait.ge [sflag:s13], $0x80  }
0x22: {  	[sflag:s13] =	ssyncset.done $0x0  }
0x23: {  	[sflag:s13] =	ssyncadd.s32 $0xFFFFFF80  }
0x24: {  	[tilespmem:s16], [sflag:$0x1] =	stream.indirect.gather [hbm4b:s2+s14], $0x80, s14, s14, $0xb8;
	[tilespmem:$0x8100] =	vst v63  }
0x25: {  	_ =	swait.ge [sflag:s17], $0x4000  }
0x26: {  	[sflag:s17] =	ssyncset.done $0x0  }
0x27: {  	[sflag:s17] =	ssyncadd.s32 $0xFFFFC000  }
0x28: {  	[hbm4b:s7+s3] =	stream.linear.scatter [tilespmem:s15], [sflag:$0x2], $0x4000, $0x38;
	[tilespmem:$0x8100] =	vst v63  }
0x29: {  	_ = 	snop  }
0x2a: {  	[tilespmem:s3], [sflag:$0x3] =	stream.linear.gather [hbm4b:s8+s3], $0x80, $0x38;
	[tilespmem:$0x8100] =	vst v63  }
0x2b: {  	_ =	swait.ge [sflag:s13], $0x80  }
0x2c: {  	[sflag:s13] =	ssyncset.done $0x0  }
0x2d: {  	[sflag:s13] =	ssyncadd.s32 $0xFFFFFF80  }
0x2e: {  	_ =	swait.ge [sflag:s17], $0x4000  }
0x2f: {  	[sflag:s17] =	ssyncset.done $0x0  }
0x30: {  	[sflag:s17] =	ssyncadd.s32 $0xFFFFC000  }
0x31: {  	[hbm4b:s9+s3] =	stream.linear.scatter [tilespmem:s16], [sflag:$0x2], $0x4000, $0x38;
	[tilespmem:$0x8100] =	vst v63  }
0x32: {  	_ =	swait.ge [sflag:s18], $0x4000  }
0x33: {  	[sflag:s18] =	ssyncset.done $0x0  }
0x34: {  	s20 =	smov.u32 s10;
	s21 =	simm.s32 $0x0;
	[sflag:s18] =	ssyncadd.s32 $0xFFFFC000  }
0x35: {  	[tilespmem:s15], [sflag:$0x1] =	stream.indirect.gather [hbm4b:s2+s14], $0x80, s3, s14, $0xb8;
	[tilespmem:$0x8100] =	vst v63  }
.LBB2_2:
0x36: {  	s22 =	sadd.s32 s21, s11  }
0x37: {  	[tilespmem:s14], [sflag:$0x3] =	stream.linear.gather [hbm4b:s22+s3], $0x80, $0x38;
	[tilespmem:$0x8100] =	vst v63  }
0x38: {  	_ =	swait.ge [sflag:s13], $0x80  }
0x39: {  	[sflag:s13] =	ssyncset.done $0x0  }
0x3a: {  	[sflag:s13] =	ssyncadd.s32 $0xFFFFFF80  }
0x3b: {  	_ =	swait.ge [sflag:s18], $0x4000  }
0x3c: {  	[sflag:s18] =	ssyncset.done $0x0  }
0x3d: {  	p0 =	seq.s32 s21, $0x100;
	[sflag:s18] =	ssyncadd.s32 $0xFFFFC000  }
0x3e: {  	[tilespmem:s16], [sflag:$0x1] =	stream.indirect.gather [hbm4b:s2+s14], $0x80, s14, s14, $0xb8;
	[tilespmem:$0x8100] =	vst v63  }
.Ltmp2:
0x3f: {  	_ = 	snop;
	(pc) =	sbr.rel @p0 .LBB2_4-.Ltmp2, $4  }
0x40: {  	_ =	swait.ge [sflag:s17], $0x4000  }
0x41: {  	[sflag:s17] =	ssyncset.done $0x0  }
0x42: {  	s22 =	sadd.s32 $0x800, s20;
	[sflag:s17] =	ssyncadd.s32 $0xFFFFC000  }
0x43: {  	[hbm4b:s20+s3] =	stream.linear.scatter [tilespmem:s15], [sflag:$0x2], $0x4000, $0x38;
	[tilespmem:$0x8100] =	vst v63  }
0x44: {  	s23 =	sadd.s32 s21, s12  }
0x45: {  	[tilespmem:s3], [sflag:$0x3] =	stream.linear.gather [hbm4b:s23+s3], $0x80, $0x38;
	[tilespmem:$0x8100] =	vst v63  }
0x46: {  	_ =	swait.ge [sflag:s13], $0x80  }
0x47: {  	[sflag:s13] =	ssyncset.done $0x0  }
0x48: {  	[sflag:s13] =	ssyncadd.s32 $0xFFFFFF80  }
0x49: {  	_ =	swait.ge [sflag:s17], $0x4000  }
0x4a: {  	[sflag:s17] =	ssyncset.done $0x0  }
0x4b: {  	[sflag:s17] =	ssyncadd.s32 $0xFFFFC000  }
0x4c: {  	[hbm4b:s22+s3] =	stream.linear.scatter [tilespmem:s16], [sflag:$0x2], $0x4000, $0x38;
	[tilespmem:$0x8100] =	vst v63  }
.Ltmp3:
0x4d: {  	_ = 	snop;
	(pc) =	sbr.rel .LBB2_2-.Ltmp3, $4  }
0x4e: {  	_ =	swait.ge [sflag:s18], $0x4000  }
0x4f: {  	[sflag:s18] =	ssyncset.done $0x0  }
0x50: {  	s21 =	sadd.s32 $0x20, s21;
	s20 =	sadd.s32 $0x1000, s20;
	[sflag:s18] =	ssyncadd.s32 $0xFFFFC000  }
0x51: {  	[tilespmem:s15], [sflag:$0x1] =	stream.indirect.gather [hbm4b:s2+s14], $0x80, s3, s14, $0xb8;
	[tilespmem:$0x8100] =	vst v63  }
.LBB2_5:
0x52: {  	_ =	sfence.sel $0x180000  }
0x53: {  	[bflag:$0x0] =	sbarrier.arrive $0xFFFF  }
0x54: {  	p0 =	sne.s32 s1, $0x0;
	_ =	strace $0x9000004D  }
0x55: {  	s0 =	sadd.s32 @!p0 $0x100000, s0;
	[bflag:$0x2] =	sbarrier.arrive $0xFFFF  }
0x56: {  	[sflag:s0] =	ssyncadd.tile.s32 @!p0 $0x1;
	_ =	shalt  }
.Lfunc_end2:
_tile_overlayer_lowered:
.L_overlay_start_2:
0x57: {  	(tag) =	ssettag $0x2  }
0x58: {  	s0 =	rddreg [dreg:$0x0];
	s2 =	stileid.u32  }
0x59: {  	s1 =	rddreg [dreg:$0x1];
	p0 =	sne.s32 s2, $0x0  }
0x5a: {  	s3 =	rddreg [dreg:$0x2];
	[bflag:$0x3] =	sbarrier.arrive $0xFFFF;
	s2 =	simm.s32 @!p0 $0x1C03  }
0x5b: {  	[timem:s3], [sflag:s2] =	dma.local @!p0 [hbm:s0], s1  }
0x5c: {  	s0 =	simm.s32 @!p0 $0x3  }
0x5d: {  	_ =	swait.ge @!p0 [sflag:s0], s1  }
0x5e: {  	s1 =	ssub.s32 @!p0 $0x0, s1;
	[sflag:s0] =	ssyncset.done @!p0 $0x0  }
0x5f: {  	[sflag:s0] =	ssyncadd.s32 @!p0 s1  }
0x60: {  	[bflag:$0x3] =	sbarrier.arrive $0xFFFF  }
0x61: {  	_ =	shalt  }

// kernel: kernel.9.cloned.1.call-start
scs
__scs_entry_jumppad:
0x0: {  	(pc) =	sbr.rel $0x88, $3  }
0x1: {  	(tag) =	ssettag $0x0;
	lr =	simm.s32 $0x1  }
0x2: {  	[smem:$0x3F88] =	sst lr;
	_ =	strace $0xD0000000  }
0x3: {  	_ = 	snop  }
0x4: {  	_ = 	snop  }
0x5: {  	_ = 	snop  }
0x6: {  	_ = 	snop  }
0x7: {  	_ = 	snop  }
__scs_overlays_trampoline_lowered:
0x8: {  	[smem:$0x3F97] =	sst s0  }
0x9: {  	[smem:$0x3F98] =	sst s1  }
0xa: {  	[smem:$0x3F99] =	sst s2  }
0xb: {  	[smem:$0x3F9A] =	sst s3  }
0xc: {  	[smem:$0x3F9B] =	sst s4  }
0xd: {  	[smem:$0x3F9C] =	sst s5  }
0xe: {  	[smem:$0x3F9D] =	sst s6  }
0xf: {  	[smem:$0x3F9E] =	sst s7  }
0x10: {  	[smem:$0x3F9F] =	sst s8  }
0x11: {  	[smem:$0x3FA0] =	sst s9;
	s0 =	simm.s32 @!p0 $0x0  }
0x12: {  	s1 =	sld [smem:$0x3F86];
	s0 =	simm.s32 @p0 $0x1  }
0x13: {  	[smem:$0x3FA1] =	sst s0;
	s0 =	simm.s32 @!p1 $0x0  }
0x14: {  	s2 =	sld [smem:$0x3F85];
	s0 =	simm.s32 @p1 $0x1  }
0x15: {  	[smem:$0x3FA2] =	sst s0;
	s0 =	simm.s32 @!p2 $0x0  }
0x16: {  	s3 =	sld [smem:$0x3FDB];
	s0 =	simm.s32 @p2 $0x1  }
0x17: {  	s4 =	simm.s32 $0x1BF5;
	[smem:$0x3FA4] =	sst s0  }
0x18: {  	s0 =	sld [smem:$0x3F87];
	_ =	swait.ge [sflag:s4], $0x0  }
0x19: {  	s7 =	sld [smem:$0x3F88]  }
0x1a: {  	s8 =	sadd.s32 $0xFFFFE003, lr  }
0x1b: {  	s9 =	sadd.s32 $0xFFFFFEF7, lr;
	s5 =	simm.s32 $0xFFFFFFFF;
	p2 =	slt.u32 s8, $0xFFFFF086  }
0x1c: {  	p1 =	slt.u32 s9, $0xF7A;
	s5 =	simm.s32 @!p2 $0x0  }
0x1d: {  	s5 =	simm.s32 @p1 $0x1;
	p0 =	seq.s32 s7, s2  }
0x1e: {  	s7 =	smul.u32 @!p0 $0xF7A, s2;
	p2 =	seq.s32 @!p0 s5, $0x0  }
0x1f: {  	s9 =	smul.u32 $0xF7A, s1;
	s8 =	simm.s32 @!p0 $0x1BF5;
	p2 =	por !p2, p0  }
0x20: {  	[sflag:s8] =	ssyncset.s32 @!p0 $0xFFFFF086;
	s6 =	sadd.s32 @!p0 s3, s7;
	s7 =	simm.s32 @!p0 $0x108  }
0x21: {  	s3 =	sadd.s32 s3, s9;
	s6 =	sadd.s32 @!p0 $0x88, s6;
	s7 =	simm.s32 @p2 $0x1082  }
0x22: {  	[simem:s7], [sflag:s8] =	dma.local @!p0 [hbm:s6], $0xF7A  }
0x23: {  	s9 =	sor.u32 $0xD0000000, s2;
	s6 =	simm.s32 $0x108;
	_ =	swait.ge @!p0 [sflag:s8], $0x0  }
0x24: {  	s3 =	sadd.s32 $0x88, s3;
	s6 =	simm.s32 @!p1 $0x1082;
	[sflag:s4] =	ssyncset.s32 $0xFFFFF086  }
0x25: {  	[simem:s6], [sflag:s4] =	dma.local [hbm:s3], $0xF7A  }
0x26: {  	[smem:$0x3F88] =	sst s1;
	(tag) =	ssettag s2;
	_ =	strace s9  }
0x27: {  	s1 =	sld [smem:$0x3F98]  }
0x28: {  	s2 =	sld [smem:$0x3F99]  }
0x29: {  	s4 =	sld [smem:$0x3F9B]  }
0x2a: {  	p0 =	seq.s32 s5, $0x0;
	s5 =	sld [smem:$0x3F9C]  }
0x2b: {  	s6 =	sld [smem:$0x3F9D]  }
0x2c: {  	s7 =	sld [smem:$0x3F9E]  }
0x2d: {  	s3 =	simm.s32 $0x108;
	s8 =	sld [smem:$0x3F9F]  }
0x2e: {  	s3 =	simm.s32 @!p0 $0x1082;
	s9 =	sld [smem:$0x3FA0]  }
0x2f: {  	lr =	sadd.s32 s0, s3;
	s0 =	sld [smem:$0x3F97]  }
0x30: {  	s3 =	sld [smem:$0x3F9A]  }
0x31: {  	[smem:$0x3FA3] =	sst s10  }
0x32: {  	s10 =	sld [smem:$0x3FA1];
	_ =	sdelay $0x3  }
0x33: {  	p0 =	seq.s32 s10, $0x1;
	s10 =	sld [smem:$0x3FA3];
	_ =	sdelay $0x3  }
0x34: {  	[smem:$0x3FA3] =	sst s10  }
0x35: {  	s10 =	sld [smem:$0x3FA2];
	_ =	sdelay $0x3  }
0x36: {  	p1 =	seq.s32 s10, $0x1;
	s10 =	sld [smem:$0x3FA3];
	_ =	sdelay $0x3  }
0x37: {  	[smem:$0x3FA3] =	sst s10  }
0x38: {  	s10 =	sld [smem:$0x3FA4]  }
0x39: {  	_ = 	snop;
	(pc) =	sbr.ind lr, $3  }
0x3a: {  	_ = 	snop  }
0x3b: {  	_ = 	snop  }
0x3c: {  	p2 =	seq.s32 s10, $0x1;
	s10 =	sld [smem:$0x3FA3]  }
0x3d: {  	_ =	shalt  }
0x3e: {  	_ =	shalt  }
0x3f: {  	_ =	shalt  }
0x40: {  	_ =	shalt  }
0x41: {  	_ =	shalt  }
0x42: {  	_ =	shalt  }
0x43: {  	_ =	shalt  }
0x44: {  	_ =	shalt  }
0x45: {  	_ =	shalt  }
0x46: {  	_ =	shalt  }
0x47: {  	_ =	shalt  }
0x48: {  	_ =	shalt  }
0x49: {  	_ =	shalt  }
0x4a: {  	_ =	shalt  }
0x4b: {  	_ =	shalt  }
0x4c: {  	_ =	shalt  }
0x4d: {  	_ =	shalt  }
0x4e: {  	_ =	shalt  }
0x4f: {  	_ =	shalt  }
0x50: {  	_ =	shalt  }
0x51: {  	_ =	shalt  }
0x52: {  	_ =	shalt  }
0x53: {  	_ =	shalt  }
0x54: {  	_ =	shalt  }
0x55: {  	_ =	shalt  }
0x56: {  	_ =	shalt  }
0x57: {  	_ =	shalt  }
0x58: {  	_ =	shalt  }
0x59: {  	_ =	shalt  }
0x5a: {  	_ =	shalt  }
0x5b: {  	_ =	shalt  }
0x5c: {  	_ =	shalt  }
0x5d: {  	_ =	shalt  }
0x5e: {  	_ =	shalt  }
0x5f: {  	_ =	shalt  }
0x60: {  	_ =	shalt  }
0x61: {  	_ =	shalt  }
0x62: {  	_ =	shalt  }
0x63: {  	_ =	shalt  }
0x64: {  	_ =	shalt  }
0x65: {  	_ =	shalt  }
0x66: {  	_ =	shalt  }
0x67: {  	_ =	shalt  }
0x68: {  	_ =	shalt  }
0x69: {  	_ =	shalt  }
0x6a: {  	_ =	shalt  }
0x6b: {  	_ =	shalt  }
0x6c: {  	_ =	shalt  }
0x6d: {  	_ =	shalt  }
0x6e: {  	_ =	shalt  }
0x6f: {  	_ =	shalt  }
0x70: {  	_ =	shalt  }
0x71: {  	_ =	shalt  }
0x72: {  	_ =	shalt  }
0x73: {  	_ =	shalt  }
0x74: {  	_ =	shalt  }
0x75: {  	_ =	shalt  }
0x76: {  	_ =	shalt  }
0x77: {  	_ =	shalt  }
0x78: {  	_ =	shalt  }
0x79: {  	_ =	shalt  }
0x7a: {  	_ =	shalt  }
0x7b: {  	_ =	shalt  }
0x7c: {  	_ =	shalt  }
0x7d: {  	_ =	shalt  }
0x7e: {  	_ =	shalt  }
0x7f: {  	_ =	shalt  }
0x80: {  	_ =	shalt  }
0x81: {  	_ =	shalt  }
0x82: {  	_ =	shalt  }
0x83: {  	_ =	shalt  }
0x84: {  	_ =	shalt  }
0x85: {  	_ =	shalt  }
0x86: {  	_ =	shalt  }
0x87: {  	_ =	shalt  }
.Lfunc_end0:
.L_simem_size_0:
called_computation_lowered:
.L_overlay_start_0:
0x88: {  	s2 =	sld [smem:$0x3FD9]  }
0x89: {  	s3 =	sld [smem:$0x3FFE];
	_ =	sdelay $0x1  }
0x8a: {  	s1 =	srdreg.scid  }
0x8b: {  	s0 =	sand.u32 $0x1, s1  }
0x8c: {  	s17 =	sshll.u32 s0, $0xA;
	s2 =	sadd.s32 s3, s2  }
0x8d: {  	s2 =	sadd.s32 s2, s17  }
0x8e: {  	[smem:$0x3FAF] =	sst s2  }
0x8f: {  	_ = 	snop  }
0x90: {  	s2 =	sld [smem:$0x3FD0];
	(tm) =	ssettm $0x1  }
0x91: {  	s18 =	sld [smem:$0x3FFB];
	_ =	sdelay $0x3  }
0x92: {  	_ =	strace s18  }
0x93: {  	s3 =	sld [smem:$0x3FFC];
	_ =	sdelay $0x3  }
0x94: {  	_ =	strace s3  }
0x95: {  	s3 =	sld [smem:$0x3FFD];
	_ =	sdelay $0x3  }
0x96: {  	_ =	strace s3  }
0x97: {  	_ =	strace $0x8FFFFFFF  }
0x98: {  	s19 =	sld [smem:$0x3FDB];
	_ =	sdelay $0x1  }
0x99: {  	s4 =	simm.s32 $_scs_section_size  }
0x9a: {  	s5 =	simm.s32 $_size__tile_overlayer_lowered;
	s6 =	simm.s32 $_tile_overlayer_lowered  }
0x9b: {  	s22 =	simm.s32 $0x1BFF;
	s21 =	sshll.u32 s6, $0x1;
	s3 =	sadd.s32 s4, s19  }
0x9c: {  	s7 =	simm.s32 $0x0;
	s20 =	sshll.u32 s5, $0x1;
	s5 =	sadd.s32 s21, s3  }
0x9d: {  	[timem:s7], [sflag:s22] =	dma.local [hbm:s5], s20  }
0x9e: {  	_ =	swait.ge [sflag:s22], s20  }
0x9f: {  	s4 =	ssub.s32 $0x0, s20;
	[sflag:s22] =	ssyncset.done $0x0  }
0xa0: {  	[sflag:s22] =	ssyncadd.s32 s4;
	_ =	sdelay $0x1  }
0xa1: {  	s23 =	simm.s32 $0x1B8B  }
0xa2: {  	_ =	swait.ge [sflag:s23], $0x1  }
0xa3: {  	[sflag:s23] =	ssyncset.done $0x0  }
0xa4: {  	s25 =	simm.s32 $0x1B8E;
	s24 =	sld [smem:$0x3FFE];
	[sflag:s23] =	ssyncadd.s32 $0xFFFFFFFF  }
0xa5: {  	s26 =	simm.s32 $execute0_lowered;
	[smem:$0x3FD2] =	sst s25  }
0xa6: {  	s5 =	sshll.u32 s26, $0x1;
	_ =	strace $0x80000046;
	[dreg:$0x1] =	wrdreg $0xFFFFFFFF  }
0xa7: {  	s28 =	simm.s32 $_size_execute0_lowered;
	s3 =	sadd.s32 s3, s5;
	[dreg:$0x0] =	wrdreg $0x0  }
0xa8: {  	s5 =	sshll.u32 s28, $0x1;
	[dreg:$0x2] =	wrdreg s3  }
0xa9: {  	[dreg:$0x3] =	wrdreg s5  }
0xaa: {  	[dreg:$0x4] =	wrdreg $0xC0  }
0xab: {  	_ =	task [dreg:s7], $0x5FFFF  }
0xac: {  	[dreg:$0x1] =	wrdreg $0xFFFFFFFF  }
0xad: {  	[dreg:$0x0] =	wrdreg $0x60  }
0xae: {  	[dreg:$0x2] =	wrdreg s2  }
0xaf: {  	[dreg:$0x3] =	wrdreg s24  }
0xb0: {  	[dreg:$0x4] =	wrdreg $0x9  }
0xb1: {  	_ =	task.clear_ibuf [dreg:s7], $0x5FFFF;
	_ =	strace $0x90000046  }
0xb2: {  	s29 =	simm.s32 $0x9;
	_ =	strace $0x80000048  }
0xb3: {  	_ =	swait.ge [sflag:s29], $0x1  }
0xb4: {  	[sflag:s29] =	ssyncadd.s32 $0xFFFFFFFF  }
0xb5: {  	_ =	strace $0x90000048  }
0xb6: {  	_ =	sfence  }
0xb7: {  	s30 =	sld [smem:$0x0];
	_ =	sdelay $0x2  }
0xb8: {  	s31 =	sshll.u32 s1, $0xD;
	s1 =	sshrl.u32 s1, $0x2  }
0xb9: {  	s3 =	sand.u32 $0x4000, s31;
	s1 =	sadd.s32 s1, s30  }
0xba: {  	s0 =	sor.u32 s3, s0;
	s1 =	sshll.u32 s1, $0x11  }
0xbb: {  	s0 =	sor.u32 s1, s0  }
0xbc: {  	s0 =	sadd.s32 $0x8F2B, s0  }
0xbd: {  	[sflag:s0] =	ssyncadd.remote.s32 $0x1  }
0xbe: {  	_ =	sfence.sel $0xFFFF  }
0xbf: {  	[dreg:$0x0] =	wrdreg $0xFFFFFFFF;
	(pc) =	sbr.abs _section_cstart, $3  }
0xc0: {  	[dreg:$0x1] =	wrdreg $0xFFFFFFFF  }
0xc1: {  	_ =	task.clear_ibuf [dreg:s7], $0x2FFFF;
	_ =	strace $0x9FFFFFFF  }
0xc2: {  	(tm) =	ssettm $0x7FFFFFFF  }
0xc3: {  	_ =	shalt  }
tec
execute0_lowered:
.L_overlay_start_1:
0x0: {  	(tag) =	ssettag $0x1  }
0x1: {  	s1 =	srdreg.scid  }
0x2: {  	s0 =	stileid.u32;
	s17 =	sand.u32 $0x1, s1  }
0x3: {  	s25 =	sshll.u32 s0, $0x2;
	s3 =	sshll.u32 s17, $0x6  }
0x4: {  	s11 =	sor.u32 s3, s25  }
0x5: {  	s2 =	rddreg [dreg:$0x0];
	s15 =	smul.u32 $0x500, s11  }
0x6: {  	s12 =	rddreg [dreg:$0x1];
	s5 =	simm.s32 $0x3;
	s3 =	simm.s32 $0x0  }
0x7: {  	s16 =	sadd.s32 $0x4800, s12;
	[smem:$0x7FF] =	sst s3;
	s4 =	sshrl.u32 s15, $0x3  }
0x8: {  	s1 =	rddreg [dreg:$0x2];
	_ =	strace $0x80000047;
	s4 =	sadd.s32 s16, s4  }
0x9: {  	[tilespmem:s3], [sflag:$0x3] =	stream.linear.gather [hbm4b:s4+s3], $0x500, $0x38;
	[tilespmem:$0xAA00] =	vst v63  }
0xa: {  	_ =	swait.ge [sflag:s5], $0x500  }
0xb: {  	s6 =	simm.s32 $0x500;
	s13 =	sadd.s32 $0x500, s15;
	[sflag:s5] =	ssyncset.done $0x0  }
0xc: {  	s7 =	simm.s32 $0xA00;
	s8 =	sshrl.u32 s13, $0x3;
	[sflag:s5] =	ssyncadd.s32 $0xFFFFFB00  }
0xd: {  	[tilespmem:s7], [sflag:$0x1] =	stream.indirect.gather [hbm4b:s2+s6], $0x10, s3, s6, $0xb8;
	[tilespmem:$0xAA00] =	vst v63  }
0xe: {  	s8 =	sadd.s32 s16, s8  }
0xf: {  	[tilespmem:s6], [sflag:$0x3] =	stream.linear.gather [hbm4b:s8+s3], $0x500, $0x38;
	[tilespmem:$0xAA00] =	vst v63  }
0x10: {  	_ =	swait.ge [sflag:s5], $0x500  }
0x11: {  	[sflag:s5] =	ssyncset.done $0x0  }
0x12: {  	s9 =	simm.s32 $0x5A00;
	s10 =	simm.s32 $0x1;
	[sflag:s5] =	ssyncadd.s32 $0xFFFFFB00  }
0x13: {  	[tilespmem:s9], [sflag:$0x1] =	stream.indirect.gather [hbm4b:s2+s6], $0x10, s6, s6, $0xb8;
	[tilespmem:$0xAA00] =	vst v63  }
0x14: {  	s11 =	smul.u32 $0xA00, s11;
	_ =	swait.ge [sflag:s10], $0x5000  }
0x15: {  	s18 =	sadd.s32 $0x59800, s12;
	s19 =	sadd.s32 $0xA00, s15;
	[sflag:s10] =	ssyncset.done $0x0  }
0x16: {  	s11 =	sadd.s32 s18, s11;
	s26 =	sshrl.u32 s19, $0x3;
	[sflag:s10] =	ssyncadd.s32 $0xFFFFB000  }
0x17: {  	[hbm4b:s11+s3] =	stream.linear.scatter [tilespmem:s7], [sflag:$0x2], $0x5000, $0x38;
	[tilespmem:$0xAA00] =	vst v63  }
0x18: {  	s12 =	sadd.s32 s16, s26  }
0x19: {  	[tilespmem:s3], [sflag:$0x3] =	stream.linear.gather [hbm4b:s12+s3], $0x500, $0x38;
	[tilespmem:$0xAA00] =	vst v63  }
0x1a: {  	_ =	swait.ge [sflag:s5], $0x500  }
0x1b: {  	[sflag:s5] =	ssyncset.done $0x0  }
0x1c: {  	[sflag:s5] =	ssyncadd.s32 $0xFFFFFB00  }
0x1d: {  	_ =	swait.ge [sflag:s10], $0x5000  }
0x1e: {  	s13 =	sshll.u32 s13, $0x1;
	[sflag:s10] =	ssyncset.done $0x0  }
0x1f: {  	s14 =	sadd.s32 s18, s13;
	s13 =	simm.s32 $0x2;
	[sflag:s10] =	ssyncadd.s32 $0xFFFFB000  }
0x20: {  	[hbm4b:s14+s3] =	stream.linear.scatter [tilespmem:s9], [sflag:$0x2], $0x5000, $0x38;
	[tilespmem:$0xAA00] =	vst v63  }
0x21: {  	_ =	swait.ge [sflag:s13], $0x5000  }
0x22: {  	s20 =	sadd.s32 $0xF00, s15;
	[sflag:s13] =	ssyncset.done $0x0  }
0x23: {  	s15 =	sshrl.u32 s20, $0x3;
	[sflag:s13] =	ssyncadd.s32 $0xFFFFB000  }
0x24: {  	[tilespmem:s7], [sflag:$0x1] =	stream.indirect.gather [hbm4b:s2+s6], $0x10, s3, s6, $0xb8;
	[tilespmem:$0xAA00] =	vst v63  }
0x25: {  	s15 =	sadd.s32 s16, s15  }
0x26: {  	[tilespmem:s6], [sflag:$0x3] =	stream.linear.gather [hbm4b:s15+s3], $0x500, $0x38;
	[tilespmem:$0xAA00] =	vst v63  }
0x27: {  	_ =	swait.ge [sflag:s5], $0x500  }
0x28: {  	[sflag:s5] =	ssyncset.done $0x0  }
0x29: {  	[sflag:s5] =	ssyncadd.s32 $0xFFFFFB00  }
0x2a: {  	_ =	swait.ge [sflag:s13], $0x5000  }
0x2b: {  	[sflag:s13] =	ssyncset.done $0x0  }
0x2c: {  	[sflag:s13] =	ssyncadd.s32 $0xFFFFB000  }
0x2d: {  	[tilespmem:s9], [sflag:$0x1] =	stream.indirect.gather [hbm4b:s2+s6], $0x10, s6, s6, $0xb8;
	[tilespmem:$0xAA00] =	vst v63  }
0x2e: {  	s30 =	ssub.s32 $0x2, s17;
	_ =	swait.ge [sflag:s10], $0x5000  }
0x2f: {  	s31 =	sshrl.u32 s30, $0x1;
	s28 =	sshll.u32 s19, $0x1;
	[sflag:s10] =	ssyncset.done $0x0  }
0x30: {  	s29 =	sshll.u32 s20, $0x1;
	s16 =	sadd.s32 s18, s28;
	[sflag:s10] =	ssyncadd.s32 $0xFFFFB000  }
0x31: {  	[hbm4b:s16+s3] =	stream.linear.scatter [tilespmem:s7], [sflag:$0x2], $0x5000, $0x38;
	[tilespmem:$0xAA00] =	vst v63  }
0x32: {  	s17 =	sadd.s32 s18, s29;
	s18 =	ssub.s32 s30, s31;
	_ =	swait.ge [sflag:s10], $0x5000  }
0x33: {  	s18 =	smax.u32 s18, $0x1;
	[sflag:s10] =	ssyncset.done $0x0  }
0x34: {  	p0 =	sne.s32 s18, $0x1;
	[sflag:s10] =	ssyncadd.s32 $0xFFFFB000  }
0x35: {  	[hbm4b:s17+s3] =	stream.linear.scatter [tilespmem:s9], [sflag:$0x2], $0x5000, $0x38;
	[tilespmem:$0xAA00] =	vst v63  }
.Ltmp0:
0x36: {  	_ =	swait.ge [sflag:s13], $0x5000;
	(pc) =	sbr.rel @!p0 .LBB2_2-.Ltmp0, $4  }
0x37: {  	[sflag:s13] =	ssyncset.done $0x0  }
0x38: {  	[sflag:s13] =	ssyncadd.s32 $0xFFFFB000  }
0x39: {  	_ =	swait.ge [sflag:s13], $0x5000  }
0x3a: {  	s18 =	sadd.s32 $0xFFFFFFFF, s18;
	[sflag:s13] =	ssyncset.done $0x0  }
.LBB2_1:
0x3b: {  	p0 =	sne.s32 s18, $0x1;
	s18 =	sadd.s32 $0xFFFFFFFF, s18;
	[sflag:s13] =	ssyncadd.s32 $0xFFFFB000  }
0x3c: {  	[tilespmem:s3], [sflag:$0x3] =	stream.linear.gather [hbm4b:s4+s3], $0x500, $0x38;
	[tilespmem:$0xAA00] =	vst v63  }
0x3d: {  	_ =	swait.ge [sflag:s5], $0x500  }
0x3e: {  	[sflag:s5] =	ssyncset.done $0x0  }
0x3f: {  	[sflag:s5] =	ssyncadd.s32 $0xFFFFFB00  }
0x40: {  	[tilespmem:s7], [sflag:$0x1] =	stream.indirect.gather [hbm4b:s2+s6], $0x10, s3, s6, $0xb8;
	[tilespmem:$0xAA00] =	vst v63  }
0x41: {  	_ = 	snop  }
0x42: {  	[tilespmem:s6], [sflag:$0x3] =	stream.linear.gather [hbm4b:s8+s3], $0x500, $0x38;
	[tilespmem:$0xAA00] =	vst v63  }
0x43: {  	_ =	swait.ge [sflag:s5], $0x500  }
0x44: {  	[sflag:s5] =	ssyncset.done $0x0  }
0x45: {  	[sflag:s5] =	ssyncadd.s32 $0xFFFFFB00  }
0x46: {  	[tilespmem:s9], [sflag:$0x1] =	stream.indirect.gather [hbm4b:s2+s6], $0x10, s6, s6, $0xb8;
	[tilespmem:$0xAA00] =	vst v63  }
0x47: {  	_ =	swait.ge [sflag:s10], $0x5000  }
0x48: {  	[sflag:s10] =	ssyncset.done $0x0  }
0x49: {  	[sflag:s10] =	ssyncadd.s32 $0xFFFFB000  }
0x4a: {  	[hbm4b:s11+s3] =	stream.linear.scatter [tilespmem:s7], [sflag:$0x2], $0x5000, $0x38;
	[tilespmem:$0xAA00] =	vst v63  }
0x4b: {  	_ = 	snop  }
0x4c: {  	[tilespmem:s3], [sflag:$0x3] =	stream.linear.gather [hbm4b:s12+s3], $0x500, $0x38;
	[tilespmem:$0xAA00] =	vst v63  }
0x4d: {  	_ =	swait.ge [sflag:s5], $0x500  }
0x4e: {  	[sflag:s5] =	ssyncset.done $0x0  }
0x4f: {  	[sflag:s5] =	ssyncadd.s32 $0xFFFFFB00  }
0x50: {  	_ =	swait.ge [sflag:s10], $0x5000  }
0x51: {  	[sflag:s10] =	ssyncset.done $0x0  }
0x52: {  	[sflag:s10] =	ssyncadd.s32 $0xFFFFB000  }
0x53: {  	[hbm4b:s14+s3] =	stream.linear.scatter [tilespmem:s9], [sflag:$0x2], $0x5000, $0x38;
	[tilespmem:$0xAA00] =	vst v63  }
0x54: {  	_ =	swait.ge [sflag:s13], $0x5000  }
0x55: {  	[sflag:s13] =	ssyncset.done $0x0  }
0x56: {  	[sflag:s13] =	ssyncadd.s32 $0xFFFFB000  }
0x57: {  	[tilespmem:s7], [sflag:$0x1] =	stream.indirect.gather [hbm4b:s2+s6], $0x10, s3, s6, $0xb8;
	[tilespmem:$0xAA00] =	vst v63  }
0x58: {  	_ = 	snop  }
0x59: {  	[tilespmem:s6], [sflag:$0x3] =	stream.linear.gather [hbm4b:s15+s3], $0x500, $0x38;
	[tilespmem:$0xAA00] =	vst v63  }
0x5a: {  	_ =	swait.ge [sflag:s5], $0x500  }
0x5b: {  	[sflag:s5] =	ssyncset.done $0x0  }
0x5c: {  	[sflag:s5] =	ssyncadd.s32 $0xFFFFFB00  }
0x5d: {  	_ =	swait.ge [sflag:s13], $0x5000  }
0x5e: {  	[sflag:s13] =	ssyncset.done $0x0  }
0x5f: {  	[sflag:s13] =	ssyncadd.s32 $0xFFFFB000  }
0x60: {  	[tilespmem:s9], [sflag:$0x1] =	stream.indirect.gather [hbm4b:s2+s6], $0x10, s6, s6, $0xb8;
	[tilespmem:$0xAA00] =	vst v63  }
0x61: {  	_ =	swait.ge [sflag:s10], $0x5000  }
0x62: {  	[sflag:s10] =	ssyncset.done $0x0  }
0x63: {  	[sflag:s10] =	ssyncadd.s32 $0xFFFFB000  }
0x64: {  	[hbm4b:s16+s3] =	stream.linear.scatter [tilespmem:s7], [sflag:$0x2], $0x5000, $0x38;
	[tilespmem:$0xAA00] =	vst v63  }
0x65: {  	_ =	swait.ge [sflag:s10], $0x5000  }
0x66: {  	[sflag:s10] =	ssyncset.done $0x0  }
0x67: {  	[sflag:s10] =	ssyncadd.s32 $0xFFFFB000  }
0x68: {  	[hbm4b:s17+s3] =	stream.linear.scatter [tilespmem:s9], [sflag:$0x2], $0x5000, $0x38;
	[tilespmem:$0xAA00] =	vst v63  }
.Ltmp1:
0x69: {  	_ =	swait.ge [sflag:s13], $0x5000;
	(pc) =	sbr.rel @p0 .LBB2_1-.Ltmp1, $4  }
0x6a: {  	[sflag:s13] =	ssyncset.done $0x0  }
0x6b: {  	[sflag:s13] =	ssyncadd.s32 $0xFFFFB000  }
0x6c: {  	_ =	swait.ge [sflag:s13], $0x5000  }
0x6d: {  	[sflag:s13] =	ssyncset.done $0x0  }
.LBB2_2:
0x6e: {  	[sflag:s13] =	ssyncadd.s32 $0xFFFFB000  }
0x6f: {  	_ =	sfence.sel $0x180000  }
0x70: {  	[bflag:$0x0] =	sbarrier.arrive $0xFFFF  }
0x71: {  	p0 =	sne.s32 s0, $0x0;
	_ =	strace $0x90000047  }
0x72: {  	s0 =	sadd.s32 @!p0 $0x100000, s1;
	[bflag:$0x2] =	sbarrier.arrive $0xFFFF  }
0x73: {  	[sflag:s0] =	ssyncadd.tile.s32 @!p0 $0x1;
	_ =	shalt  }
.Lfunc_end2:
_tile_overlayer_lowered:
.L_overlay_start_2:
0x74: {  	(tag) =	ssettag $0x2  }
0x75: {  	s0 =	rddreg [dreg:$0x0];
	s2 =	stileid.u32  }
0x76: {  	s1 =	rddreg [dreg:$0x1];
	p0 =	sne.s32 s2, $0x0  }
0x77: {  	s3 =	rddreg [dreg:$0x2];
	[bflag:$0x3] =	sbarrier.arrive $0xFFFF;
	s2 =	simm.s32 @!p0 $0x1C03  }
0x78: {  	[timem:s3], [sflag:s2] =	dma.local @!p0 [hbm:s0], s1  }
0x79: {  	s0 =	simm.s32 @!p0 $0x3  }
0x7a: {  	_ =	swait.ge @!p0 [sflag:s0], s1  }
0x7b: {  	s1 =	ssub.s32 @!p0 $0x0, s1;
	[sflag:s0] =	ssyncset.done @!p0 $0x0  }
0x7c: {  	[sflag:s0] =	ssyncadd.s32 @!p0 s1  }
0x7d: {  	[bflag:$0x3] =	sbarrier.arrive $0xFFFF  }
0x7e: {  	_ =	shalt  }

</sc_bundles>
